<compile_context>
chip_gen: v7x
topology: tpu7x:2x2x1
jax: 0.10.2.dev20260603
libtpu: 0.0.44.dev20260713+nightly
codegen_flags: <defaults>
</compile_context>

<pallas_src>
import jax
import jax.numpy as jnp
from jax import lax
from jax.experimental import pallas as pl
from jax.experimental.pallas import tpu as pltpu
from jax.experimental.pallas import tpu_sc as plsc

_NNZ = 2684354
_KEEP = 0.7
_BLOCK = 65536
_SUB = 8

_SC_T = 4096
_SC_W = 32
_SC_UNROLL = 4
_SC_N = 65536
_SC_NFULL = _SC_N // _SC_T


def _rotl(x, r):
    return (x << jnp.uint32(r)) | (x >> jnp.uint32(32 - r))


_ROT_A = (13, 15, 26, 6)
_ROT_B = (17, 29, 16, 24)


def _threefry_bits(i):
    ks0 = jnp.uint32(0)
    ks1 = jnp.uint32(42)
    ks2 = jnp.uint32(0x1BD11BDA ^ 42)
    ks = (ks0, ks1, ks2)
    x1 = i + ks1
    x0 = x1
    x1 = _rotl(x1, 13) ^ x0
    for g in range(5):
        rots = _ROT_A if g % 2 == 0 else _ROT_B
        for r in (rots[1:] if g == 0 else rots):
            x0 = x0 + x1
            x1 = _rotl(x1, r)
            x1 = x1 ^ x0
        x0 = x0 + ks[(g + 1) % 3]
        x1 = x1 + ks[(g + 2) % 3] + jnp.uint32(g + 1)
    return x0 ^ x1


_KEEP_BITS_THRESH = 0xB3333400



def _dropout_body(v_ref, o_ref):
    pid = pl.program_id(0)
    b = o_ref.shape[-1]
    rows, cols = _SUB, b // _SUB
    base = (pid * b + _SC_N).astype(jnp.uint32)
    flat = (jax.lax.broadcasted_iota(jnp.int32, (rows, cols), 0) * cols
            + jax.lax.broadcasted_iota(jnp.int32, (rows, cols), 1))
    i = base + flat.astype(jnp.uint32)
    bits = _threefry_bits(i)
    scale = jnp.where(bits < jnp.uint32(_KEEP_BITS_THRESH),
                      jnp.float32(1.0 / _KEEP), jnp.float32(0.0))
    o_ref[...] = (v_ref[...].reshape(rows, cols) * scale).reshape(b)


def _tc_dropout(x_values):
    n = _NNZ - _SC_N
    first = _SC_N // _BLOCK
    grid = pl.cdiv(n, _BLOCK)
    return pl.pallas_call(
        _dropout_body,
        grid=(grid,),
        in_specs=[pl.BlockSpec((_BLOCK,), lambda b: (b + first,))],
        out_specs=pl.BlockSpec((_BLOCK,), lambda b: (b + first,)),
        out_shape=jax.ShapeDtypeStruct((_NNZ,), jnp.float32),
        compiler_params=pltpu.CompilerParams(
            dimension_semantics=("parallel",),
        ),
    )(x_values)


def _stitch_body(s_ref, t_ref, o_ref):
    del t_ref
    o_ref[...] = s_ref[...]


def _stitch(sc_part, tc_full):
    return pl.pallas_call(
        _stitch_body,
        grid=(_SC_N // _BLOCK,),
        in_specs=[
            pl.BlockSpec((_BLOCK,), lambda b: (b,)),
            pl.BlockSpec(memory_space=pl.ANY),
        ],
        out_specs=pl.BlockSpec((_BLOCK,), lambda b: (b,)),
        out_shape=jax.ShapeDtypeStruct((_NNZ,), jnp.float32),
        input_output_aliases={1: 0},
        compiler_params=pltpu.CompilerParams(
            dimension_semantics=("parallel",),
        ),
    )(sc_part, tc_full)



def _sc_vecs(vin, vout, off, p0, nvec):
    iota16 = lax.iota(jnp.int32, 16)
    for u in range(nvec):
        p = p0 + u
        start = p * 16
        i = ((off + start) + iota16).astype(jnp.uint32)
        bits = _threefry_bits(i)
        scale = jnp.where(bits < jnp.uint32(_KEEP_BITS_THRESH),
                          jnp.float32(1.0 / _KEEP), jnp.float32(0.0))
        vout[pl.ds(start, 16)] = vin[pl.ds(start, 16)] * scale


def _sc_body(vals_hbm, out_hbm, vin, vout):
    wid = lax.axis_index("s") * 2 + lax.axis_index("c")
    nmine = (jnp.int32(_SC_NFULL + _SC_W - 1) - wid) >> 5

    def chunk_body(k, carry):
        off = (wid + k * _SC_W) * _SC_T
        pltpu.sync_copy(vals_hbm.at[pl.ds(off, _SC_T)], vin)

        def vec_body(q, c2):
            _sc_vecs(vin, vout, off, q * _SC_UNROLL, _SC_UNROLL)
            return c2

        lax.fori_loop(0, _SC_T // 16 // _SC_UNROLL, vec_body, 0)
        pltpu.sync_copy(vout, out_hbm.at[pl.ds(off, _SC_T)])
        return carry

    lax.fori_loop(0, nmine, chunk_body, 0)


def _sc_dropout(x_values):
    mesh = plsc.VectorSubcoreMesh(core_axis_name="c", subcore_axis_name="s")
    f = pl.kernel(
        _sc_body,
        out_type=jax.ShapeDtypeStruct((_SC_N,), jnp.float32),
        mesh=mesh,
        scratch_types=[
            pltpu.VMEM((_SC_T,), jnp.float32),
            pltpu.VMEM((_SC_T,), jnp.float32),
        ],
    )
    return f(x_values)


def kernel(x_indices, x_values):
    del x_indices
    return _sc_dropout(x_values)

# --- scband reference (transcript-rebuilt; emitter-appended) ---
"""Pipeline reference for scband-sparse-dropout-66460323938524 (READ-ONLY COPY).

The authoritative reference and input builder live on the scoring server;
editing this copy changes nothing except your own understanding.
"""

import jax, jax.numpy as jnp
import numpy as np

NNZ = 2684354
N = 16384
KEEP_PROB = 0.7

def setup_inputs(seed: int = 0) -> dict:
    key = jax.random.key(seed)
    k1, k2 = jax.random.split(key)
    x_indices = jax.random.randint(k1, (2, NNZ), 0, N)
    x_values = jax.random.normal(k2, (NNZ,), dtype=jnp.float32)
    return {"x_indices": x_indices, "x_values": x_values}

def reference(x_indices, x_values):
    # SparseDropout in training mode: bernoulli mask over the nnz values,
    # dropped entries removed, survivors scaled by 1/keep_prob.
    # JAX/jit-friendly faithful form: keep fixed nnz layout, zero out dropped
    # values (equivalent sparse tensor semantics), scale survivors.
    mask_key = jax.random.key(42)
    mask = jax.random.bernoulli(mask_key, KEEP_PROB, x_values.shape)
    new_values = jnp.where(mask, x_values * (1.0 / KEEP_PROB), 0.0)
    # indices are passed through unchanged (dropped entries carry value 0)
    return new_values

if __name__ == "__main__":
    import jax
    _d = setup_inputs()
    print(jax.jit(kernel)(*tuple(_d.values())))

</pallas_src>

<mosaic_0001>
#map = affine_map<(d0, d1) -> (0)>
module attributes {stable_mosaic.version = 14 : i64} {
  func.func @_sc_body(%arg0: i32, %arg1: i32, %arg2: memref<2684354xf32, #tpu.memory_space<hbm>>, %arg3: memref<65536xf32, #tpu.memory_space<hbm>>, %arg4: memref<4096xf32, #tpu.memory_space<vmem>>, %arg5: memref<4096xf32, #tpu.memory_space<vmem>>) attributes {dimension_semantics = [#tpu.dimension_semantics<core_parallel>, #tpu.dimension_semantics<subcore_parallel>], iteration_bounds = array<i64: 2, 16>, scalar_prefetch = 0 : i64, scratch_operands = 2 : i64, tpu.core_type = #tpu.core_type<sc_vector_subcore>, window_params = [{transform_indices = #map}, {transform_indices = #map}]} {
    %mul3A = arith.constant 2 : i32
    %mul3A_0 = arith.muli %arg1, %mul3A : i32
    %add3A = arith.addi %mul3A_0, %arg0 : i32
    %sub3A = arith.constant 47 : i32
    %sub3A_1 = arith.subi %sub3A, %add3A : i32
    %shift_right_arithmetic3A = arith.constant 5 : i32
    %shift_right_arithmetic3A_2 = arith.shrsi %sub3A_1, %shift_right_arithmetic3A : i32
    %while3A = arith.constant 0 : i32
    %while3A_3 = arith.constant 0 : i32
    %while3A_4 = arith.subi %shift_right_arithmetic3A_2, %while3A_3 : i32
    %while3A_5 = arith.addi %while3A_3, %while3A_4 : i32
    %while3A_6 = arith.constant 1 : i32
    %while3A_7 = arith.divsi %while3A_4, %while3A_6 : i32
    %while3A_8 = arith.muli %while3A_7, %while3A_6 : i32
    %while3A_9 = arith.addi %while3A_3, %while3A_8 : i32
    %while3A_10 = arith.constant 1 : i32
    scf.for %while3A_12 = %while3A_3 to %while3A_9 step %while3A_10  : i32 {
      %mul3A_13 = arith.constant 32 : i32
      %mul3A_14 = arith.muli %while3A_12, %mul3A_13 : i32
      %add3A_15 = arith.addi %add3A, %mul3A_14 : i32
      %mul3A_16 = arith.constant 4096 : i32
      %mul3A_17 = arith.muli %add3A_15, %mul3A_16 : i32
      "tpu.region"() ({
        %run_scoped3A = tpu.sem_alloc : memref<!tpu.dma_semaphore, #tpu.memory_space<semaphore_mem>>
        %dma_start3A = tpu.memref_slice %arg2[%mul3A_17] : memref<2684354xf32, #tpu.memory_space<hbm>> -> memref<4096xf32, #tpu.memory_space<hbm>>
        %dma_start3A_23 = tpu.memref_slice %arg2[%mul3A_17] : memref<2684354xf32, #tpu.memory_space<hbm>> -> memref<4096xf32, #tpu.memory_space<hbm>>
        tpu.enqueue_dma source(%dma_start3A_23 : memref<4096xf32, #tpu.memory_space<hbm>>) target(%arg4 : memref<4096xf32, #tpu.memory_space<vmem>>) target_semaphore(%run_scoped3A : memref<!tpu.dma_semaphore, #tpu.memory_space<semaphore_mem>>)
        %dma_wait3A = tpu.memref_slice %arg2[%mul3A_17] : memref<2684354xf32, #tpu.memory_space<hbm>> -> memref<4096xf32, #tpu.memory_space<hbm>>
        %dma_wait3A_24 = tpu.memref_slice %arg2[%mul3A_17] : memref<2684354xf32, #tpu.memory_space<hbm>> -> memref<4096xf32, #tpu.memory_space<hbm>>
        tpu.wait_dma2 semaphore(%run_scoped3A : memref<!tpu.dma_semaphore, #tpu.memory_space<semaphore_mem>>) src(%dma_wait3A_24 : memref<4096xf32, #tpu.memory_space<hbm>>) dst(%arg4 : memref<4096xf32, #tpu.memory_space<vmem>>)
        tpu.yield
      }) : () -> ()
      %scan3A = arith.constant 0 : i32
      %scan3A_18 = arith.constant 0 : i32
      %scan3A_19 = arith.constant 64 : i32
      %scan3A_20 = arith.addi %scan3A_18, %scan3A_19 : i32
      %scan3A_21 = arith.constant 1 : i32
      scf.for %scan3A_23 = %scan3A_18 to %scan3A_20 step %scan3A_21  : i32 {
        %mul3A_24 = arith.constant 4 : i32
        %mul3A_25 = arith.muli %scan3A_23, %mul3A_24 : i32
        %iota3A = tpu.iota {dimensions = array<i32: 0>} : vector<16xi32>
        %add3A_26 = arith.constant 0 : i32
        %add3A_27 = arith.addi %mul3A_25, %add3A_26 : i32
        %mul3A_28 = arith.constant 16 : i32
        %mul3A_29 = arith.muli %add3A_27, %mul3A_28 : i32
        %add3A_30 = arith.addi %mul3A_17, %mul3A_29 : i32
        %add3A_31 = vector.broadcast %add3A_30 : i32 to vector<16xi32>
        %add3A_32 = arith.addi %add3A_31, %iota3A : vector<16xi32>
        %add3A_33 = arith.constant 42 : i32
        %add3A_34 = vector.broadcast %add3A_33 : i32 to vector<16xi32>
        %add3A_35 = arith.addi %add3A_32, %add3A_34 : vector<16xi32>
        %shift_left3A = arith.constant 13 : i32
        %shift_left3A_36 = vector.broadcast %shift_left3A : i32 to vector<16xi32>
        %shift_left3A_37 = arith.shli %add3A_35, %shift_left3A_36 : vector<16xi32>
        %shift_right_logical3A = arith.constant 19 : i32
        %shift_right_logical3A_38 = vector.broadcast %shift_right_logical3A : i32 to vector<16xi32>
        %shift_right_logical3A_39 = arith.shrui %add3A_35, %shift_right_logical3A_38 : vector<16xi32>
        %or3A = arith.ori %shift_left3A_37, %shift_right_logical3A_39 : vector<16xi32>
        %xor3A = arith.xori %or3A, %add3A_35 : vector<16xi32>
        %add3A_40 = arith.addi %add3A_35, %xor3A : vector<16xi32>
        %shift_left3A_41 = arith.constant 15 : i32
        %shift_left3A_42 = vector.broadcast %shift_left3A_41 : i32 to vector<16xi32>
        %shift_left3A_43 = arith.shli %xor3A, %shift_left3A_42 : vector<16xi32>
        %shift_right_logical3A_44 = arith.constant 17 : i32
        %shift_right_logical3A_45 = vector.broadcast %shift_right_logical3A_44 : i32 to vector<16xi32>
        %shift_right_logical3A_46 = arith.shrui %xor3A, %shift_right_logical3A_45 : vector<16xi32>
        %or3A_47 = arith.ori %shift_left3A_43, %shift_right_logical3A_46 : vector<16xi32>
        %xor3A_48 = arith.xori %or3A_47, %add3A_40 : vector<16xi32>
        %add3A_49 = arith.addi %add3A_40, %xor3A_48 : vector<16xi32>
        %shift_left3A_50 = arith.constant 26 : i32
        %shift_left3A_51 = vector.broadcast %shift_left3A_50 : i32 to vector<16xi32>
        %shift_left3A_52 = arith.shli %xor3A_48, %shift_left3A_51 : vector<16xi32>
        %shift_right_logical3A_53 = arith.constant 6 : i32
        %shift_right_logical3A_54 = vector.broadcast %shift_right_logical3A_53 : i32 to vector<16xi32>
        %shift_right_logical3A_55 = arith.shrui %xor3A_48, %shift_right_logical3A_54 : vector<16xi32>
        %or3A_56 = arith.ori %shift_left3A_52, %shift_right_logical3A_55 : vector<16xi32>
        %xor3A_57 = arith.xori %or3A_56, %add3A_49 : vector<16xi32>
        %add3A_58 = arith.addi %add3A_49, %xor3A_57 : vector<16xi32>
        %shift_left3A_59 = arith.constant 6 : i32
        %shift_left3A_60 = vector.broadcast %shift_left3A_59 : i32 to vector<16xi32>
        %shift_left3A_61 = arith.shli %xor3A_57, %shift_left3A_60 : vector<16xi32>
        %shift_right_logical3A_62 = arith.constant 26 : i32
        %shift_right_logical3A_63 = vector.broadcast %shift_right_logical3A_62 : i32 to vector<16xi32>
        %shift_right_logical3A_64 = arith.shrui %xor3A_57, %shift_right_logical3A_63 : vector<16xi32>
        %or3A_65 = arith.ori %shift_left3A_61, %shift_right_logical3A_64 : vector<16xi32>
        %xor3A_66 = arith.xori %or3A_65, %add3A_58 : vector<16xi32>
        %add3A_67 = arith.constant 42 : i32
        %add3A_68 = vector.broadcast %add3A_67 : i32 to vector<16xi32>
        %add3A_69 = arith.addi %add3A_58, %add3A_68 : vector<16xi32>
        %add3A_70 = arith.constant 466689008 : i32
        %add3A_71 = vector.broadcast %add3A_70 : i32 to vector<16xi32>
        %add3A_72 = arith.addi %xor3A_66, %add3A_71 : vector<16xi32>
        %add3A_73 = arith.constant 1 : i32
        %add3A_74 = vector.broadcast %add3A_73 : i32 to vector<16xi32>
        %add3A_75 = arith.addi %add3A_72, %add3A_74 : vector<16xi32>
        %add3A_76 = arith.addi %add3A_69, %add3A_75 : vector<16xi32>
        %shift_left3A_77 = arith.constant 17 : i32
        %shift_left3A_78 = vector.broadcast %shift_left3A_77 : i32 to vector<16xi32>
        %shift_left3A_79 = arith.shli %add3A_75, %shift_left3A_78 : vector<16xi32>
        %shift_right_logical3A_80 = arith.constant 15 : i32
        %shift_right_logical3A_81 = vector.broadcast %shift_right_logical3A_80 : i32 to vector<16xi32>
        %shift_right_logical3A_82 = arith.shrui %add3A_75, %shift_right_logical3A_81 : vector<16xi32>
        %or3A_83 = arith.ori %shift_left3A_79, %shift_right_logical3A_82 : vector<16xi32>
        %xor3A_84 = arith.xori %or3A_83, %add3A_76 : vector<16xi32>
        %add3A_85 = arith.addi %add3A_76, %xor3A_84 : vector<16xi32>
        %shift_left3A_86 = arith.constant 29 : i32
        %shift_left3A_87 = vector.broadcast %shift_left3A_86 : i32 to vector<16xi32>
        %shift_left3A_88 = arith.shli %xor3A_84, %shift_left3A_87 : vector<16xi32>
        %shift_right_logical3A_89 = arith.constant 3 : i32
        %shift_right_logical3A_90 = vector.broadcast %shift_right_logical3A_89 : i32 to vector<16xi32>
        %shift_right_logical3A_91 = arith.shrui %xor3A_84, %shift_right_logical3A_90 : vector<16xi32>
        %or3A_92 = arith.ori %shift_left3A_88, %shift_right_logical3A_91 : vector<16xi32>
        %xor3A_93 = arith.xori %or3A_92, %add3A_85 : vector<16xi32>
        %add3A_94 = arith.addi %add3A_85, %xor3A_93 : vector<16xi32>
        %shift_left3A_95 = arith.constant 16 : i32
        %shift_left3A_96 = vector.broadcast %shift_left3A_95 : i32 to vector<16xi32>
        %shift_left3A_97 = arith.shli %xor3A_93, %shift_left3A_96 : vector<16xi32>
        %shift_right_logical3A_98 = arith.constant 16 : i32
        %shift_right_logical3A_99 = vector.broadcast %shift_right_logical3A_98 : i32 to vector<16xi32>
        %shift_right_logical3A_100 = arith.shrui %xor3A_93, %shift_right_logical3A_99 : vector<16xi32>
        %or3A_101 = arith.ori %shift_left3A_97, %shift_right_logical3A_100 : vector<16xi32>
        %xor3A_102 = arith.xori %or3A_101, %add3A_94 : vector<16xi32>
        %add3A_103 = arith.addi %add3A_94, %xor3A_102 : vector<16xi32>
        %shift_left3A_104 = arith.constant 24 : i32
        %shift_left3A_105 = vector.broadcast %shift_left3A_104 : i32 to vector<16xi32>
        %shift_left3A_106 = arith.shli %xor3A_102, %shift_left3A_105 : vector<16xi32>
        %shift_right_logical3A_107 = arith.constant 8 : i32
        %shift_right_logical3A_108 = vector.broadcast %shift_right_logical3A_107 : i32 to vector<16xi32>
        %shift_right_logical3A_109 = arith.shrui %xor3A_102, %shift_right_logical3A_108 : vector<16xi32>
        %or3A_110 = arith.ori %shift_left3A_106, %shift_right_logical3A_109 : vector<16xi32>
        %xor3A_111 = arith.xori %or3A_110, %add3A_103 : vector<16xi32>
        %add3A_112 = arith.constant 466689008 : i32
        %add3A_113 = vector.broadcast %add3A_112 : i32 to vector<16xi32>
        %add3A_114 = arith.addi %add3A_103, %add3A_113 : vector<16xi32>
        %add3A_115 = arith.constant 0 : i32
        %add3A_116 = vector.broadcast %add3A_115 : i32 to vector<16xi32>
        %add3A_117 = arith.addi %xor3A_111, %add3A_116 : vector<16xi32>
        %add3A_118 = arith.constant 2 : i32
        %add3A_119 = vector.broadcast %add3A_118 : i32 to vector<16xi32>
        %add3A_120 = arith.addi %add3A_117, %add3A_119 : vector<16xi32>
        %add3A_121 = arith.addi %add3A_114, %add3A_120 : vector<16xi32>
        %shift_left3A_122 = arith.constant 13 : i32
        %shift_left3A_123 = vector.broadcast %shift_left3A_122 : i32 to vector<16xi32>
        %shift_left3A_124 = arith.shli %add3A_120, %shift_left3A_123 : vector<16xi32>
        %shift_right_logical3A_125 = arith.constant 19 : i32
        %shift_right_logical3A_126 = vector.broadcast %shift_right_logical3A_125 : i32 to vector<16xi32>
        %shift_right_logical3A_127 = arith.shrui %add3A_120, %shift_right_logical3A_126 : vector<16xi32>
        %or3A_128 = arith.ori %shift_left3A_124, %shift_right_logical3A_127 : vector<16xi32>
        %xor3A_129 = arith.xori %or3A_128, %add3A_121 : vector<16xi32>
        %add3A_130 = arith.addi %add3A_121, %xor3A_129 : vector<16xi32>
        %shift_left3A_131 = arith.constant 15 : i32
        %shift_left3A_132 = vector.broadcast %shift_left3A_131 : i32 to vector<16xi32>
        %shift_left3A_133 = arith.shli %xor3A_129, %shift_left3A_132 : vector<16xi32>
        %shift_right_logical3A_134 = arith.constant 17 : i32
        %shift_right_logical3A_135 = vector.broadcast %shift_right_logical3A_134 : i32 to vector<16xi32>
        %shift_right_logical3A_136 = arith.shrui %xor3A_129, %shift_right_logical3A_135 : vector<16xi32>
        %or3A_137 = arith.ori %shift_left3A_133, %shift_right_logical3A_136 : vector<16xi32>
        %xor3A_138 = arith.xori %or3A_137, %add3A_130 : vector<16xi32>
        %add3A_139 = arith.addi %add3A_130, %xor3A_138 : vector<16xi32>
        %shift_left3A_140 = arith.constant 26 : i32
        %shift_left3A_141 = vector.broadcast %shift_left3A_140 : i32 to vector<16xi32>
        %shift_left3A_142 = arith.shli %xor3A_138, %shift_left3A_141 : vector<16xi32>
        %shift_right_logical3A_143 = arith.constant 6 : i32
        %shift_right_logical3A_144 = vector.broadcast %shift_right_logical3A_143 : i32 to vector<16xi32>
        %shift_right_logical3A_145 = arith.shrui %xor3A_138, %shift_right_logical3A_144 : vector<16xi32>
        %or3A_146 = arith.ori %shift_left3A_142, %shift_right_logical3A_145 : vector<16xi32>
        %xor3A_147 = arith.xori %or3A_146, %add3A_139 : vector<16xi32>
        %add3A_148 = arith.addi %add3A_139, %xor3A_147 : vector<16xi32>
        %shift_left3A_149 = arith.constant 6 : i32
        %shift_left3A_150 = vector.broadcast %shift_left3A_149 : i32 to vector<16xi32>
        %shift_left3A_151 = arith.shli %xor3A_147, %shift_left3A_150 : vector<16xi32>
        %shift_right_logical3A_152 = arith.constant 26 : i32
        %shift_right_logical3A_153 = vector.broadcast %shift_right_logical3A_152 : i32 to vector<16xi32>
        %shift_right_logical3A_154 = arith.shrui %xor3A_147, %shift_right_logical3A_153 : vector<16xi32>
        %or3A_155 = arith.ori %shift_left3A_151, %shift_right_logical3A_154 : vector<16xi32>
        %xor3A_156 = arith.xori %or3A_155, %add3A_148 : vector<16xi32>
        %add3A_157 = arith.constant 0 : i32
        %add3A_158 = vector.broadcast %add3A_157 : i32 to vector<16xi32>
        %add3A_159 = arith.addi %add3A_148, %add3A_158 : vector<16xi32>
        %add3A_160 = arith.constant 42 : i32
        %add3A_161 = vector.broadcast %add3A_160 : i32 to vector<16xi32>
        %add3A_162 = arith.addi %xor3A_156, %add3A_161 : vector<16xi32>
        %add3A_163 = arith.constant 3 : i32
        %add3A_164 = vector.broadcast %add3A_163 : i32 to vector<16xi32>
        %add3A_165 = arith.addi %add3A_162, %add3A_164 : vector<16xi32>
        %add3A_166 = arith.addi %add3A_159, %add3A_165 : vector<16xi32>
        %shift_left3A_167 = arith.constant 17 : i32
        %shift_left3A_168 = vector.broadcast %shift_left3A_167 : i32 to vector<16xi32>
        %shift_left3A_169 = arith.shli %add3A_165, %shift_left3A_168 : vector<16xi32>
        %shift_right_logical3A_170 = arith.constant 15 : i32
        %shift_right_logical3A_171 = vector.broadcast %shift_right_logical3A_170 : i32 to vector<16xi32>
        %shift_right_logical3A_172 = arith.shrui %add3A_165, %shift_right_logical3A_171 : vector<16xi32>
        %or3A_173 = arith.ori %shift_left3A_169, %shift_right_logical3A_172 : vector<16xi32>
        %xor3A_174 = arith.xori %or3A_173, %add3A_166 : vector<16xi32>
        %add3A_175 = arith.addi %add3A_166, %xor3A_174 : vector<16xi32>
        %shift_left3A_176 = arith.constant 29 : i32
        %shift_left3A_177 = vector.broadcast %shift_left3A_176 : i32 to vector<16xi32>
        %shift_left3A_178 = arith.shli %xor3A_174, %shift_left3A_177 : vector<16xi32>
        %shift_right_logical3A_179 = arith.constant 3 : i32
        %shift_right_logical3A_180 = vector.broadcast %shift_right_logical3A_179 : i32 to vector<16xi32>
        %shift_right_logical3A_181 = arith.shrui %xor3A_174, %shift_right_logical3A_180 : vector<16xi32>
        %or3A_182 = arith.ori %shift_left3A_178, %shift_right_logical3A_181 : vector<16xi32>
        %xor3A_183 = arith.xori %or3A_182, %add3A_175 : vector<16xi32>
        %add3A_184 = arith.addi %add3A_175, %xor3A_183 : vector<16xi32>
        %shift_left3A_185 = arith.constant 16 : i32
        %shift_left3A_186 = vector.broadcast %shift_left3A_185 : i32 to vector<16xi32>
        %shift_left3A_187 = arith.shli %xor3A_183, %shift_left3A_186 : vector<16xi32>
        %shift_right_logical3A_188 = arith.constant 16 : i32
        %shift_right_logical3A_189 = vector.broadcast %shift_right_logical3A_188 : i32 to vector<16xi32>
        %shift_right_logical3A_190 = arith.shrui %xor3A_183, %shift_right_logical3A_189 : vector<16xi32>
        %or3A_191 = arith.ori %shift_left3A_187, %shift_right_logical3A_190 : vector<16xi32>
        %xor3A_192 = arith.xori %or3A_191, %add3A_184 : vector<16xi32>
        %add3A_193 = arith.addi %add3A_184, %xor3A_192 : vector<16xi32>
        %shift_left3A_194 = arith.constant 24 : i32
        %shift_left3A_195 = vector.broadcast %shift_left3A_194 : i32 to vector<16xi32>
        %shift_left3A_196 = arith.shli %xor3A_192, %shift_left3A_195 : vector<16xi32>
        %shift_right_logical3A_197 = arith.constant 8 : i32
        %shift_right_logical3A_198 = vector.broadcast %shift_right_logical3A_197 : i32 to vector<16xi32>
        %shift_right_logical3A_199 = arith.shrui %xor3A_192, %shift_right_logical3A_198 : vector<16xi32>
        %or3A_200 = arith.ori %shift_left3A_196, %shift_right_logical3A_199 : vector<16xi32>
        %xor3A_201 = arith.xori %or3A_200, %add3A_193 : vector<16xi32>
        %add3A_202 = arith.constant 42 : i32
        %add3A_203 = vector.broadcast %add3A_202 : i32 to vector<16xi32>
        %add3A_204 = arith.addi %add3A_193, %add3A_203 : vector<16xi32>
        %add3A_205 = arith.constant 466689008 : i32
        %add3A_206 = vector.broadcast %add3A_205 : i32 to vector<16xi32>
        %add3A_207 = arith.addi %xor3A_201, %add3A_206 : vector<16xi32>
        %add3A_208 = arith.constant 4 : i32
        %add3A_209 = vector.broadcast %add3A_208 : i32 to vector<16xi32>
        %add3A_210 = arith.addi %add3A_207, %add3A_209 : vector<16xi32>
        %add3A_211 = arith.addi %add3A_204, %add3A_210 : vector<16xi32>
        %shift_left3A_212 = arith.constant 13 : i32
        %shift_left3A_213 = vector.broadcast %shift_left3A_212 : i32 to vector<16xi32>
        %shift_left3A_214 = arith.shli %add3A_210, %shift_left3A_213 : vector<16xi32>
        %shift_right_logical3A_215 = arith.constant 19 : i32
        %shift_right_logical3A_216 = vector.broadcast %shift_right_logical3A_215 : i32 to vector<16xi32>
        %shift_right_logical3A_217 = arith.shrui %add3A_210, %shift_right_logical3A_216 : vector<16xi32>
        %or3A_218 = arith.ori %shift_left3A_214, %shift_right_logical3A_217 : vector<16xi32>
        %xor3A_219 = arith.xori %or3A_218, %add3A_211 : vector<16xi32>
        %add3A_220 = arith.addi %add3A_211, %xor3A_219 : vector<16xi32>
        %shift_left3A_221 = arith.constant 15 : i32
        %shift_left3A_222 = vector.broadcast %shift_left3A_221 : i32 to vector<16xi32>
        %shift_left3A_223 = arith.shli %xor3A_219, %shift_left3A_222 : vector<16xi32>
        %shift_right_logical3A_224 = arith.constant 17 : i32
        %shift_right_logical3A_225 = vector.broadcast %shift_right_logical3A_224 : i32 to vector<16xi32>
        %shift_right_logical3A_226 = arith.shrui %xor3A_219, %shift_right_logical3A_225 : vector<16xi32>
        %or3A_227 = arith.ori %shift_left3A_223, %shift_right_logical3A_226 : vector<16xi32>
        %xor3A_228 = arith.xori %or3A_227, %add3A_220 : vector<16xi32>
        %add3A_229 = arith.addi %add3A_220, %xor3A_228 : vector<16xi32>
        %shift_left3A_230 = arith.constant 26 : i32
        %shift_left3A_231 = vector.broadcast %shift_left3A_230 : i32 to vector<16xi32>
        %shift_left3A_232 = arith.shli %xor3A_228, %shift_left3A_231 : vector<16xi32>
        %shift_right_logical3A_233 = arith.constant 6 : i32
        %shift_right_logical3A_234 = vector.broadcast %shift_right_logical3A_233 : i32 to vector<16xi32>
        %shift_right_logical3A_235 = arith.shrui %xor3A_228, %shift_right_logical3A_234 : vector<16xi32>
        %or3A_236 = arith.ori %shift_left3A_232, %shift_right_logical3A_235 : vector<16xi32>
        %xor3A_237 = arith.xori %or3A_236, %add3A_229 : vector<16xi32>
        %add3A_238 = arith.addi %add3A_229, %xor3A_237 : vector<16xi32>
        %shift_left3A_239 = arith.constant 6 : i32
        %shift_left3A_240 = vector.broadcast %shift_left3A_239 : i32 to vector<16xi32>
        %shift_left3A_241 = arith.shli %xor3A_237, %shift_left3A_240 : vector<16xi32>
        %shift_right_logical3A_242 = arith.constant 26 : i32
        %shift_right_logical3A_243 = vector.broadcast %shift_right_logical3A_242 : i32 to vector<16xi32>
        %shift_right_logical3A_244 = arith.shrui %xor3A_237, %shift_right_logical3A_243 : vector<16xi32>
        %or3A_245 = arith.ori %shift_left3A_241, %shift_right_logical3A_244 : vector<16xi32>
        %xor3A_246 = arith.xori %or3A_245, %add3A_238 : vector<16xi32>
        %add3A_247 = arith.constant 466689008 : i32
        %add3A_248 = vector.broadcast %add3A_247 : i32 to vector<16xi32>
        %add3A_249 = arith.addi %add3A_238, %add3A_248 : vector<16xi32>
        %add3A_250 = arith.constant 0 : i32
        %add3A_251 = vector.broadcast %add3A_250 : i32 to vector<16xi32>
        %add3A_252 = arith.addi %xor3A_246, %add3A_251 : vector<16xi32>
        %add3A_253 = arith.constant 5 : i32
        %add3A_254 = vector.broadcast %add3A_253 : i32 to vector<16xi32>
        %add3A_255 = arith.addi %add3A_252, %add3A_254 : vector<16xi32>
        %xor3A_256 = arith.xori %add3A_249, %add3A_255 : vector<16xi32>
        %lt3A = arith.constant -1288489984 : i32
        %lt3A_257 = vector.broadcast %lt3A : i32 to vector<16xi32>
        %lt3A_258 = arith.cmpi ult, %xor3A_256, %lt3A_257 : vector<16xi32>
        %jit3A = arith.constant 1.42857146 : f32
        %jit3A_259 = arith.constant 0.000000e+00 : f32
        %broadcast_in_dim3A = vector.broadcast %jit3A : f32 to vector<16xf32>
        %broadcast_in_dim3A_260 = vector.broadcast %jit3A_259 : f32 to vector<16xf32>
        %select_n3A = arith.select %lt3A_258, %broadcast_in_dim3A, %broadcast_in_dim3A_260 : vector<16xi1>, vector<16xf32>
        %get3A = arith.index_cast %mul3A_29 : i32 to index
        %get3A_261 = tpu.vector_load %arg4[%get3A] {strides = array<i32>} : memref<4096xf32, #tpu.memory_space<vmem>>, vector<16xf32>,
        %get3A_262 = vector.shape_cast %get3A_261 : vector<16xf32> to vector<16xf32>
        %mul3A_263 = arith.mulf %get3A_262, %select_n3A : vector<16xf32>
        %swap3A = arith.index_cast %mul3A_29 : i32 to index
        %swap3A_264 = tpu.vector_load %arg5[%swap3A] {strides = array<i32>} : memref<4096xf32, #tpu.memory_space<vmem>>, vector<16xf32>,
        %swap3A_265 = vector.shape_cast %swap3A_264 : vector<16xf32> to vector<16xf32>
        %swap3A_266 = vector.shape_cast %mul3A_263 : vector<16xf32> to vector<16xf32>
        tpu.vector_store %arg5[%swap3A], %swap3A_266 {strides = array<i32>} : memref<4096xf32, #tpu.memory_space<vmem>>, vector<16xf32>,
        %add3A_267 = arith.constant 1 : i32
        %add3A_268 = arith.addi %mul3A_25, %add3A_267 : i32
        %mul3A_269 = arith.constant 16 : i32
        %mul3A_270 = arith.muli %add3A_268, %mul3A_269 : i32
        %add3A_271 = arith.addi %mul3A_17, %mul3A_270 : i32
        %add3A_272 = vector.broadcast %add3A_271 : i32 to vector<16xi32>
        %add3A_273 = arith.addi %add3A_272, %iota3A : vector<16xi32>
        %add3A_274 = arith.constant 42 : i32
        %add3A_275 = vector.broadcast %add3A_274 : i32 to vector<16xi32>
        %add3A_276 = arith.addi %add3A_273, %add3A_275 : vector<16xi32>
        %shift_left3A_277 = arith.constant 13 : i32
        %shift_left3A_278 = vector.broadcast %shift_left3A_277 : i32 to vector<16xi32>
        %shift_left3A_279 = arith.shli %add3A_276, %shift_left3A_278 : vector<16xi32>
        %shift_right_logical3A_280 = arith.constant 19 : i32
        %shift_right_logical3A_281 = vector.broadcast %shift_right_logical3A_280 : i32 to vector<16xi32>
        %shift_right_logical3A_282 = arith.shrui %add3A_276, %shift_right_logical3A_281 : vector<16xi32>
        %or3A_283 = arith.ori %shift_left3A_279, %shift_right_logical3A_282 : vector<16xi32>
        %xor3A_284 = arith.xori %or3A_283, %add3A_276 : vector<16xi32>
        %add3A_285 = arith.addi %add3A_276, %xor3A_284 : vector<16xi32>
        %shift_left3A_286 = arith.constant 15 : i32
        %shift_left3A_287 = vector.broadcast %shift_left3A_286 : i32 to vector<16xi32>
        %shift_left3A_288 = arith.shli %xor3A_284, %shift_left3A_287 : vector<16xi32>
        %shift_right_logical3A_289 = arith.constant 17 : i32
        %shift_right_logical3A_290 = vector.broadcast %shift_right_logical3A_289 : i32 to vector<16xi32>
        %shift_right_logical3A_291 = arith.shrui %xor3A_284, %shift_right_logical3A_290 : vector<16xi32>
        %or3A_292 = arith.ori %shift_left3A_288, %shift_right_logical3A_291 : vector<16xi32>
        %xor3A_293 = arith.xori %or3A_292, %add3A_285 : vector<16xi32>
        %add3A_294 = arith.addi %add3A_285, %xor3A_293 : vector<16xi32>
        %shift_left3A_295 = arith.constant 26 : i32
        %shift_left3A_296 = vector.broadcast %shift_left3A_295 : i32 to vector<16xi32>
        %shift_left3A_297 = arith.shli %xor3A_293, %shift_left3A_296 : vector<16xi32>
        %shift_right_logical3A_298 = arith.constant 6 : i32
        %shift_right_logical3A_299 = vector.broadcast %shift_right_logical3A_298 : i32 to vector<16xi32>
        %shift_right_logical3A_300 = arith.shrui %xor3A_293, %shift_right_logical3A_299 : vector<16xi32>
        %or3A_301 = arith.ori %shift_left3A_297, %shift_right_logical3A_300 : vector<16xi32>
        %xor3A_302 = arith.xori %or3A_301, %add3A_294 : vector<16xi32>
        %add3A_303 = arith.addi %add3A_294, %xor3A_302 : vector<16xi32>
        %shift_left3A_304 = arith.constant 6 : i32
        %shift_left3A_305 = vector.broadcast %shift_left3A_304 : i32 to vector<16xi32>
        %shift_left3A_306 = arith.shli %xor3A_302, %shift_left3A_305 : vector<16xi32>
        %shift_right_logical3A_307 = arith.constant 26 : i32
        %shift_right_logical3A_308 = vector.broadcast %shift_right_logical3A_307 : i32 to vector<16xi32>
        %shift_right_logical3A_309 = arith.shrui %xor3A_302, %shift_right_logical3A_308 : vector<16xi32>
        %or3A_310 = arith.ori %shift_left3A_306, %shift_right_logical3A_309 : vector<16xi32>
        %xor3A_311 = arith.xori %or3A_310, %add3A_303 : vector<16xi32>
        %add3A_312 = arith.constant 42 : i32
        %add3A_313 = vector.broadcast %add3A_312 : i32 to vector<16xi32>
        %add3A_314 = arith.addi %add3A_303, %add3A_313 : vector<16xi32>
        %add3A_315 = arith.constant 466689008 : i32
        %add3A_316 = vector.broadcast %add3A_315 : i32 to vector<16xi32>
        %add3A_317 = arith.addi %xor3A_311, %add3A_316 : vector<16xi32>
        %add3A_318 = arith.constant 1 : i32
        %add3A_319 = vector.broadcast %add3A_318 : i32 to vector<16xi32>
        %add3A_320 = arith.addi %add3A_317, %add3A_319 : vector<16xi32>
        %add3A_321 = arith.addi %add3A_314, %add3A_320 : vector<16xi32>
        %shift_left3A_322 = arith.constant 17 : i32
        %shift_left3A_323 = vector.broadcast %shift_left3A_322 : i32 to vector<16xi32>
        %shift_left3A_324 = arith.shli %add3A_320, %shift_left3A_323 : vector<16xi32>
        %shift_right_logical3A_325 = arith.constant 15 : i32
        %shift_right_logical3A_326 = vector.broadcast %shift_right_logical3A_325 : i32 to vector<16xi32>
        %shift_right_logical3A_327 = arith.shrui %add3A_320, %shift_right_logical3A_326 : vector<16xi32>
        %or3A_328 = arith.ori %shift_left3A_324, %shift_right_logical3A_327 : vector<16xi32>
        %xor3A_329 = arith.xori %or3A_328, %add3A_321 : vector<16xi32>
        %add3A_330 = arith.addi %add3A_321, %xor3A_329 : vector<16xi32>
        %shift_left3A_331 = arith.constant 29 : i32
        %shift_left3A_332 = vector.broadcast %shift_left3A_331 : i32 to vector<16xi32>
        %shift_left3A_333 = arith.shli %xor3A_329, %shift_left3A_332 : vector<16xi32>
        %shift_right_logical3A_334 = arith.constant 3 : i32
        %shift_right_logical3A_335 = vector.broadcast %shift_right_logical3A_334 : i32 to vector<16xi32>
        %shift_right_logical3A_336 = arith.shrui %xor3A_329, %shift_right_logical3A_335 : vector<16xi32>
        %or3A_337 = arith.ori %shift_left3A_333, %shift_right_logical3A_336 : vector<16xi32>
        %xor3A_338 = arith.xori %or3A_337, %add3A_330 : vector<16xi32>
        %add3A_339 = arith.addi %add3A_330, %xor3A_338 : vector<16xi32>
        %shift_left3A_340 = arith.constant 16 : i32
        %shift_left3A_341 = vector.broadcast %shift_left3A_340 : i32 to vector<16xi32>
        %shift_left3A_342 = arith.shli %xor3A_338, %shift_left3A_341 : vector<16xi32>
        %shift_right_logical3A_343 = arith.constant 16 : i32
        %shift_right_logical3A_344 = vector.broadcast %shift_right_logical3A_343 : i32 to vector<16xi32>
        %shift_right_logical3A_345 = arith.shrui %xor3A_338, %shift_right_logical3A_344 : vector<16xi32>
        %or3A_346 = arith.ori %shift_left3A_342, %shift_right_logical3A_345 : vector<16xi32>
        %xor3A_347 = arith.xori %or3A_346, %add3A_339 : vector<16xi32>
        %add3A_348 = arith.addi %add3A_339, %xor3A_347 : vector<16xi32>
        %shift_left3A_349 = arith.constant 24 : i32
        %shift_left3A_350 = vector.broadcast %shift_left3A_349 : i32 to vector<16xi32>
        %shift_left3A_351 = arith.shli %xor3A_347, %shift_left3A_350 : vector<16xi32>
        %shift_right_logical3A_352 = arith.constant 8 : i32
        %shift_right_logical3A_353 = vector.broadcast %shift_right_logical3A_352 : i32 to vector<16xi32>
        %shift_right_logical3A_354 = arith.shrui %xor3A_347, %shift_right_logical3A_353 : vector<16xi32>
        %or3A_355 = arith.ori %shift_left3A_351, %shift_right_logical3A_354 : vector<16xi32>
        %xor3A_356 = arith.xori %or3A_355, %add3A_348 : vector<16xi32>
        %add3A_357 = arith.constant 466689008 : i32
        %add3A_358 = vector.broadcast %add3A_357 : i32 to vector<16xi32>
        %add3A_359 = arith.addi %add3A_348, %add3A_358 : vector<16xi32>
        %add3A_360 = arith.constant 0 : i32
        %add3A_361 = vector.broadcast %add3A_360 : i32 to vector<16xi32>
        %add3A_362 = arith.addi %xor3A_356, %add3A_361 : vector<16xi32>
        %add3A_363 = arith.constant 2 : i32
        %add3A_364 = vector.broadcast %add3A_363 : i32 to vector<16xi32>
        %add3A_365 = arith.addi %add3A_362, %add3A_364 : vector<16xi32>
        %add3A_366 = arith.addi %add3A_359, %add3A_365 : vector<16xi32>
        %shift_left3A_367 = arith.constant 13 : i32
        %shift_left3A_368 = vector.broadcast %shift_left3A_367 : i32 to vector<16xi32>
        %shift_left3A_369 = arith.shli %add3A_365, %shift_left3A_368 : vector<16xi32>
        %shift_right_logical3A_370 = arith.constant 19 : i32
        %shift_right_logical3A_371 = vector.broadcast %shift_right_logical3A_370 : i32 to vector<16xi32>
        %shift_right_logical3A_372 = arith.shrui %add3A_365, %shift_right_logical3A_371 : vector<16xi32>
        %or3A_373 = arith.ori %shift_left3A_369, %shift_right_logical3A_372 : vector<16xi32>
        %xor3A_374 = arith.xori %or3A_373, %add3A_366 : vector<16xi32>
        %add3A_375 = arith.addi %add3A_366, %xor3A_374 : vector<16xi32>
        %shift_left3A_376 = arith.constant 15 : i32
        %shift_left3A_377 = vector.broadcast %shift_left3A_376 : i32 to vector<16xi32>
        %shift_left3A_378 = arith.shli %xor3A_374, %shift_left3A_377 : vector<16xi32>
        %shift_right_logical3A_379 = arith.constant 17 : i32
        %shift_right_logical3A_380 = vector.broadcast %shift_right_logical3A_379 : i32 to vector<16xi32>
        %shift_right_logical3A_381 = arith.shrui %xor3A_374, %shift_right_logical3A_380 : vector<16xi32>
        %or3A_382 = arith.ori %shift_left3A_378, %shift_right_logical3A_381 : vector<16xi32>
        %xor3A_383 = arith.xori %or3A_382, %add3A_375 : vector<16xi32>
        %add3A_384 = arith.addi %add3A_375, %xor3A_383 : vector<16xi32>
        %shift_left3A_385 = arith.constant 26 : i32
        %shift_left3A_386 = vector.broadcast %shift_left3A_385 : i32 to vector<16xi32>
        %shift_left3A_387 = arith.shli %xor3A_383, %shift_left3A_386 : vector<16xi32>
        %shift_right_logical3A_388 = arith.constant 6 : i32
        %shift_right_logical3A_389 = vector.broadcast %shift_right_logical3A_388 : i32 to vector<16xi32>
        %shift_right_logical3A_390 = arith.shrui %xor3A_383, %shift_right_logical3A_389 : vector<16xi32>
        %or3A_391 = arith.ori %shift_left3A_387, %shift_right_logical3A_390 : vector<16xi32>
        %xor3A_392 = arith.xori %or3A_391, %add3A_384 : vector<16xi32>
        %add3A_393 = arith.addi %add3A_384, %xor3A_392 : vector<16xi32>
        %shift_left3A_394 = arith.constant 6 : i32
        %shift_left3A_395 = vector.broadcast %shift_left3A_394 : i32 to vector<16xi32>
        %shift_left3A_396 = arith.shli %xor3A_392, %shift_left3A_395 : vector<16xi32>
        %shift_right_logical3A_397 = arith.constant 26 : i32
        %shift_right_logical3A_398 = vector.broadcast %shift_right_logical3A_397 : i32 to vector<16xi32>
        %shift_right_logical3A_399 = arith.shrui %xor3A_392, %shift_right_logical3A_398 : vector<16xi32>
        %or3A_400 = arith.ori %shift_left3A_396, %shift_right_logical3A_399 : vector<16xi32>
        %xor3A_401 = arith.xori %or3A_400, %add3A_393 : vector<16xi32>
        %add3A_402 = arith.constant 0 : i32
        %add3A_403 = vector.broadcast %add3A_402 : i32 to vector<16xi32>
        %add3A_404 = arith.addi %add3A_393, %add3A_403 : vector<16xi32>
        %add3A_405 = arith.constant 42 : i32
        %add3A_406 = vector.broadcast %add3A_405 : i32 to vector<16xi32>
        %add3A_407 = arith.addi %xor3A_401, %add3A_406 : vector<16xi32>
        %add3A_408 = arith.constant 3 : i32
        %add3A_409 = vector.broadcast %add3A_408 : i32 to vector<16xi32>
        %add3A_410 = arith.addi %add3A_407, %add3A_409 : vector<16xi32>
        %add3A_411 = arith.addi %add3A_404, %add3A_410 : vector<16xi32>
        %shift_left3A_412 = arith.constant 17 : i32
        %shift_left3A_413 = vector.broadcast %shift_left3A_412 : i32 to vector<16xi32>
        %shift_left3A_414 = arith.shli %add3A_410, %shift_left3A_413 : vector<16xi32>
        %shift_right_logical3A_415 = arith.constant 15 : i32
        %shift_right_logical3A_416 = vector.broadcast %shift_right_logical3A_415 : i32 to vector<16xi32>
        %shift_right_logical3A_417 = arith.shrui %add3A_410, %shift_right_logical3A_416 : vector<16xi32>
        %or3A_418 = arith.ori %shift_left3A_414, %shift_right_logical3A_417 : vector<16xi32>
        %xor3A_419 = arith.xori %or3A_418, %add3A_411 : vector<16xi32>
        %add3A_420 = arith.addi %add3A_411, %xor3A_419 : vector<16xi32>
        %shift_left3A_421 = arith.constant 29 : i32
        %shift_left3A_422 = vector.broadcast %shift_left3A_421 : i32 to vector<16xi32>
        %shift_left3A_423 = arith.shli %xor3A_419, %shift_left3A_422 : vector<16xi32>
        %shift_right_logical3A_424 = arith.constant 3 : i32
        %shift_right_logical3A_425 = vector.broadcast %shift_right_logical3A_424 : i32 to vector<16xi32>
        %shift_right_logical3A_426 = arith.shrui %xor3A_419, %shift_right_logical3A_425 : vector<16xi32>
        %or3A_427 = arith.ori %shift_left3A_423, %shift_right_logical3A_426 : vector<16xi32>
        %xor3A_428 = arith.xori %or3A_427, %add3A_420 : vector<16xi32>
        %add3A_429 = arith.addi %add3A_420, %xor3A_428 : vector<16xi32>
        %shift_left3A_430 = arith.constant 16 : i32
        %shift_left3A_431 = vector.broadcast %shift_left3A_430 : i32 to vector<16xi32>
        %shift_left3A_432 = arith.shli %xor3A_428, %shift_left3A_431 : vector<16xi32>
        %shift_right_logical3A_433 = arith.constant 16 : i32
        %shift_right_logical3A_434 = vector.broadcast %shift_right_logical3A_433 : i32 to vector<16xi32>
        %shift_right_logical3A_435 = arith.shrui %xor3A_428, %shift_right_logical3A_434 : vector<16xi32>
        %or3A_436 = arith.ori %shift_left3A_432, %shift_right_logical3A_435 : vector<16xi32>
        %xor3A_437 = arith.xori %or3A_436, %add3A_429 : vector<16xi32>
        %add3A_438 = arith.addi %add3A_429, %xor3A_437 : vector<16xi32>
        %shift_left3A_439 = arith.constant 24 : i32
        %shift_left3A_440 = vector.broadcast %shift_left3A_439 : i32 to vector<16xi32>
        %shift_left3A_441 = arith.shli %xor3A_437, %shift_left3A_440 : vector<16xi32>
        %shift_right_logical3A_442 = arith.constant 8 : i32
        %shift_right_logical3A_443 = vector.broadcast %shift_right_logical3A_442 : i32 to vector<16xi32>
        %shift_right_logical3A_444 = arith.shrui %xor3A_437, %shift_right_logical3A_443 : vector<16xi32>
        %or3A_445 = arith.ori %shift_left3A_441, %shift_right_logical3A_444 : vector<16xi32>
        %xor3A_446 = arith.xori %or3A_445, %add3A_438 : vector<16xi32>
        %add3A_447 = arith.constant 42 : i32
        %add3A_448 = vector.broadcast %add3A_447 : i32 to vector<16xi32>
        %add3A_449 = arith.addi %add3A_438, %add3A_448 : vector<16xi32>
        %add3A_450 = arith.constant 466689008 : i32
        %add3A_451 = vector.broadcast %add3A_450 : i32 to vector<16xi32>
        %add3A_452 = arith.addi %xor3A_446, %add3A_451 : vector<16xi32>
        %add3A_453 = arith.constant 4 : i32
        %add3A_454 = vector.broadcast %add3A_453 : i32 to vector<16xi32>
        %add3A_455 = arith.addi %add3A_452, %add3A_454 : vector<16xi32>
        %add3A_456 = arith.addi %add3A_449, %add3A_455 : vector<16xi32>
        %shift_left3A_457 = arith.constant 13 : i32
        %shift_left3A_458 = vector.broadcast %shift_left3A_457 : i32 to vector<16xi32>
        %shift_left3A_459 = arith.shli %add3A_455, %shift_left3A_458 : vector<16xi32>
        %shift_right_logical3A_460 = arith.constant 19 : i32
        %shift_right_logical3A_461 = vector.broadcast %shift_right_logical3A_460 : i32 to vector<16xi32>
        %shift_right_logical3A_462 = arith.shrui %add3A_455, %shift_right_logical3A_461 : vector<16xi32>
        %or3A_463 = arith.ori %shift_left3A_459, %shift_right_logical3A_462 : vector<16xi32>
        %xor3A_464 = arith.xori %or3A_463, %add3A_456 : vector<16xi32>
        %add3A_465 = arith.addi %add3A_456, %xor3A_464 : vector<16xi32>
        %shift_left3A_466 = arith.constant 15 : i32
        %shift_left3A_467 = vector.broadcast %shift_left3A_466 : i32 to vector<16xi32>
        %shift_left3A_468 = arith.shli %xor3A_464, %shift_left3A_467 : vector<16xi32>
        %shift_right_logical3A_469 = arith.constant 17 : i32
        %shift_right_logical3A_470 = vector.broadcast %shift_right_logical3A_469 : i32 to vector<16xi32>
        %shift_right_logical3A_471 = arith.shrui %xor3A_464, %shift_right_logical3A_470 : vector<16xi32>
        %or3A_472 = arith.ori %shift_left3A_468, %shift_right_logical3A_471 : vector<16xi32>
        %xor3A_473 = arith.xori %or3A_472, %add3A_465 : vector<16xi32>
        %add3A_474 = arith.addi %add3A_465, %xor3A_473 : vector<16xi32>
        %shift_left3A_475 = arith.constant 26 : i32
        %shift_left3A_476 = vector.broadcast %shift_left3A_475 : i32 to vector<16xi32>
        %shift_left3A_477 = arith.shli %xor3A_473, %shift_left3A_476 : vector<16xi32>
        %shift_right_logical3A_478 = arith.constant 6 : i32
        %shift_right_logical3A_479 = vector.broadcast %shift_right_logical3A_478 : i32 to vector<16xi32>
        %shift_right_logical3A_480 = arith.shrui %xor3A_473, %shift_right_logical3A_479 : vector<16xi32>
        %or3A_481 = arith.ori %shift_left3A_477, %shift_right_logical3A_480 : vector<16xi32>
        %xor3A_482 = arith.xori %or3A_481, %add3A_474 : vector<16xi32>
        %add3A_483 = arith.addi %add3A_474, %xor3A_482 : vector<16xi32>
        %shift_left3A_484 = arith.constant 6 : i32
        %shift_left3A_485 = vector.broadcast %shift_left3A_484 : i32 to vector<16xi32>
        %shift_left3A_486 = arith.shli %xor3A_482, %shift_left3A_485 : vector<16xi32>
        %shift_right_logical3A_487 = arith.constant 26 : i32
        %shift_right_logical3A_488 = vector.broadcast %shift_right_logical3A_487 : i32 to vector<16xi32>
        %shift_right_logical3A_489 = arith.shrui %xor3A_482, %shift_right_logical3A_488 : vector<16xi32>
        %or3A_490 = arith.ori %shift_left3A_486, %shift_right_logical3A_489 : vector<16xi32>
        %xor3A_491 = arith.xori %or3A_490, %add3A_483 : vector<16xi32>
        %add3A_492 = arith.constant 466689008 : i32
        %add3A_493 = vector.broadcast %add3A_492 : i32 to vector<16xi32>
        %add3A_494 = arith.addi %add3A_483, %add3A_493 : vector<16xi32>
        %add3A_495 = arith.constant 0 : i32
        %add3A_496 = vector.broadcast %add3A_495 : i32 to vector<16xi32>
        %add3A_497 = arith.addi %xor3A_491, %add3A_496 : vector<16xi32>
        %add3A_498 = arith.constant 5 : i32
        %add3A_499 = vector.broadcast %add3A_498 : i32 to vector<16xi32>
        %add3A_500 = arith.addi %add3A_497, %add3A_499 : vector<16xi32>
        %xor3A_501 = arith.xori %add3A_494, %add3A_500 : vector<16xi32>
        %lt3A_502 = arith.constant -1288489984 : i32
        %lt3A_503 = vector.broadcast %lt3A_502 : i32 to vector<16xi32>
        %lt3A_504 = arith.cmpi ult, %xor3A_501, %lt3A_503 : vector<16xi32>
        %jit3A_505 = arith.constant 1.42857146 : f32
        %jit3A_506 = arith.constant 0.000000e+00 : f32
        %broadcast_in_dim3A_507 = vector.broadcast %jit3A_505 : f32 to vector<16xf32>
        %broadcast_in_dim3A_508 = vector.broadcast %jit3A_506 : f32 to vector<16xf32>
        %select_n3A_509 = arith.select %lt3A_504, %broadcast_in_dim3A_507, %broadcast_in_dim3A_508 : vector<16xi1>, vector<16xf32>
        %get3A_510 = arith.index_cast %mul3A_270 : i32 to index
        %get3A_511 = tpu.vector_load %arg4[%get3A_510] {strides = array<i32>} : memref<4096xf32, #tpu.memory_space<vmem>>, vector<16xf32>,
        %get3A_512 = vector.shape_cast %get3A_511 : vector<16xf32> to vector<16xf32>
        %mul3A_513 = arith.mulf %get3A_512, %select_n3A_509 : vector<16xf32>
        %swap3A_514 = arith.index_cast %mul3A_270 : i32 to index
        %swap3A_515 = tpu.vector_load %arg5[%swap3A_514] {strides = array<i32>} : memref<4096xf32, #tpu.memory_space<vmem>>, vector<16xf32>,
        %swap3A_516 = vector.shape_cast %swap3A_515 : vector<16xf32> to vector<16xf32>
        %swap3A_517 = vector.shape_cast %mul3A_513 : vector<16xf32> to vector<16xf32>
        tpu.vector_store %arg5[%swap3A_514], %swap3A_517 {strides = array<i32>} : memref<4096xf32, #tpu.memory_space<vmem>>, vector<16xf32>,
        %add3A_518 = arith.constant 2 : i32
        %add3A_519 = arith.addi %mul3A_25, %add3A_518 : i32
        %mul3A_520 = arith.constant 16 : i32
        %mul3A_521 = arith.muli %add3A_519, %mul3A_520 : i32
        %add3A_522 = arith.addi %mul3A_17, %mul3A_521 : i32
        %add3A_523 = vector.broadcast %add3A_522 : i32 to vector<16xi32>
        %add3A_524 = arith.addi %add3A_523, %iota3A : vector<16xi32>
        %add3A_525 = arith.constant 42 : i32
        %add3A_526 = vector.broadcast %add3A_525 : i32 to vector<16xi32>
        %add3A_527 = arith.addi %add3A_524, %add3A_526 : vector<16xi32>
        %shift_left3A_528 = arith.constant 13 : i32
        %shift_left3A_529 = vector.broadcast %shift_left3A_528 : i32 to vector<16xi32>
        %shift_left3A_530 = arith.shli %add3A_527, %shift_left3A_529 : vector<16xi32>
        %shift_right_logical3A_531 = arith.constant 19 : i32
        %shift_right_logical3A_532 = vector.broadcast %shift_right_logical3A_531 : i32 to vector<16xi32>
        %shift_right_logical3A_533 = arith.shrui %add3A_527, %shift_right_logical3A_532 : vector<16xi32>
        %or3A_534 = arith.ori %shift_left3A_530, %shift_right_logical3A_533 : vector<16xi32>
        %xor3A_535 = arith.xori %or3A_534, %add3A_527 : vector<16xi32>
        %add3A_536 = arith.addi %add3A_527, %xor3A_535 : vector<16xi32>
        %shift_left3A_537 = arith.constant 15 : i32
        %shift_left3A_538 = vector.broadcast %shift_left3A_537 : i32 to vector<16xi32>
        %shift_left3A_539 = arith.shli %xor3A_535, %shift_left3A_538 : vector<16xi32>
        %shift_right_logical3A_540 = arith.constant 17 : i32
        %shift_right_logical3A_541 = vector.broadcast %shift_right_logical3A_540 : i32 to vector<16xi32>
        %shift_right_logical3A_542 = arith.shrui %xor3A_535, %shift_right_logical3A_541 : vector<16xi32>
        %or3A_543 = arith.ori %shift_left3A_539, %shift_right_logical3A_542 : vector<16xi32>
        %xor3A_544 = arith.xori %or3A_543, %add3A_536 : vector<16xi32>
        %add3A_545 = arith.addi %add3A_536, %xor3A_544 : vector<16xi32>
        %shift_left3A_546 = arith.constant 26 : i32
        %shift_left3A_547 = vector.broadcast %shift_left3A_546 : i32 to vector<16xi32>
        %shift_left3A_548 = arith.shli %xor3A_544, %shift_left3A_547 : vector<16xi32>
        %shift_right_logical3A_549 = arith.constant 6 : i32
        %shift_right_logical3A_550 = vector.broadcast %shift_right_logical3A_549 : i32 to vector<16xi32>
        %shift_right_logical3A_551 = arith.shrui %xor3A_544, %shift_right_logical3A_550 : vector<16xi32>
        %or3A_552 = arith.ori %shift_left3A_548, %shift_right_logical3A_551 : vector<16xi32>
        %xor3A_553 = arith.xori %or3A_552, %add3A_545 : vector<16xi32>
        %add3A_554 = arith.addi %add3A_545, %xor3A_553 : vector<16xi32>
        %shift_left3A_555 = arith.constant 6 : i32
        %shift_left3A_556 = vector.broadcast %shift_left3A_555 : i32 to vector<16xi32>
        %shift_left3A_557 = arith.shli %xor3A_553, %shift_left3A_556 : vector<16xi32>
        %shift_right_logical3A_558 = arith.constant 26 : i32
        %shift_right_logical3A_559 = vector.broadcast %shift_right_logical3A_558 : i32 to vector<16xi32>
        %shift_right_logical3A_560 = arith.shrui %xor3A_553, %shift_right_logical3A_559 : vector<16xi32>
        %or3A_561 = arith.ori %shift_left3A_557, %shift_right_logical3A_560 : vector<16xi32>
        %xor3A_562 = arith.xori %or3A_561, %add3A_554 : vector<16xi32>
        %add3A_563 = arith.constant 42 : i32
        %add3A_564 = vector.broadcast %add3A_563 : i32 to vector<16xi32>
        %add3A_565 = arith.addi %add3A_554, %add3A_564 : vector<16xi32>
        %add3A_566 = arith.constant 466689008 : i32
        %add3A_567 = vector.broadcast %add3A_566 : i32 to vector<16xi32>
        %add3A_568 = arith.addi %xor3A_562, %add3A_567 : vector<16xi32>
        %add3A_569 = arith.constant 1 : i32
        %add3A_570 = vector.broadcast %add3A_569 : i32 to vector<16xi32>
        %add3A_571 = arith.addi %add3A_568, %add3A_570 : vector<16xi32>
        %add3A_572 = arith.addi %add3A_565, %add3A_571 : vector<16xi32>
        %shift_left3A_573 = arith.constant 17 : i32
        %shift_left3A_574 = vector.broadcast %shift_left3A_573 : i32 to vector<16xi32>
        %shift_left3A_575 = arith.shli %add3A_571, %shift_left3A_574 : vector<16xi32>
        %shift_right_logical3A_576 = arith.constant 15 : i32
        %shift_right_logical3A_577 = vector.broadcast %shift_right_logical3A_576 : i32 to vector<16xi32>
        %shift_right_logical3A_578 = arith.shrui %add3A_571, %shift_right_logical3A_577 : vector<16xi32>
        %or3A_579 = arith.ori %shift_left3A_575, %shift_right_logical3A_578 : vector<16xi32>
        %xor3A_580 = arith.xori %or3A_579, %add3A_572 : vector<16xi32>
        %add3A_581 = arith.addi %add3A_572, %xor3A_580 : vector<16xi32>
        %shift_left3A_582 = arith.constant 29 : i32
        %shift_left3A_583 = vector.broadcast %shift_left3A_582 : i32 to vector<16xi32>
        %shift_left3A_584 = arith.shli %xor3A_580, %shift_left3A_583 : vector<16xi32>
        %shift_right_logical3A_585 = arith.constant 3 : i32
        %shift_right_logical3A_586 = vector.broadcast %shift_right_logical3A_585 : i32 to vector<16xi32>
        %shift_right_logical3A_587 = arith.shrui %xor3A_580, %shift_right_logical3A_586 : vector<16xi32>
        %or3A_588 = arith.ori %shift_left3A_584, %shift_right_logical3A_587 : vector<16xi32>
        %xor3A_589 = arith.xori %or3A_588, %add3A_581 : vector<16xi32>
        %add3A_590 = arith.addi %add3A_581, %xor3A_589 : vector<16xi32>
        %shift_left3A_591 = arith.constant 16 : i32
        %shift_left3A_592 = vector.broadcast %shift_left3A_591 : i32 to vector<16xi32>
        %shift_left3A_593 = arith.shli %xor3A_589, %shift_left3A_592 : vector<16xi32>
        %shift_right_logical3A_594 = arith.constant 16 : i32
        %shift_right_logical3A_595 = vector.broadcast %shift_right_logical3A_594 : i32 to vector<16xi32>
        %shift_right_logical3A_596 = arith.shrui %xor3A_589, %shift_right_logical3A_595 : vector<16xi32>
        %or3A_597 = arith.ori %shift_left3A_593, %shift_right_logical3A_596 : vector<16xi32>
        %xor3A_598 = arith.xori %or3A_597, %add3A_590 : vector<16xi32>
        %add3A_599 = arith.addi %add3A_590, %xor3A_598 : vector<16xi32>
        %shift_left3A_600 = arith.constant 24 : i32
        %shift_left3A_601 = vector.broadcast %shift_left3A_600 : i32 to vector<16xi32>
        %shift_left3A_602 = arith.shli %xor3A_598, %shift_left3A_601 : vector<16xi32>
        %shift_right_logical3A_603 = arith.constant 8 : i32
        %shift_right_logical3A_604 = vector.broadcast %shift_right_logical3A_603 : i32 to vector<16xi32>
        %shift_right_logical3A_605 = arith.shrui %xor3A_598, %shift_right_logical3A_604 : vector<16xi32>
        %or3A_606 = arith.ori %shift_left3A_602, %shift_right_logical3A_605 : vector<16xi32>
        %xor3A_607 = arith.xori %or3A_606, %add3A_599 : vector<16xi32>
        %add3A_608 = arith.constant 466689008 : i32
        %add3A_609 = vector.broadcast %add3A_608 : i32 to vector<16xi32>
        %add3A_610 = arith.addi %add3A_599, %add3A_609 : vector<16xi32>
        %add3A_611 = arith.constant 0 : i32
        %add3A_612 = vector.broadcast %add3A_611 : i32 to vector<16xi32>
        %add3A_613 = arith.addi %xor3A_607, %add3A_612 : vector<16xi32>
        %add3A_614 = arith.constant 2 : i32
        %add3A_615 = vector.broadcast %add3A_614 : i32 to vector<16xi32>
        %add3A_616 = arith.addi %add3A_613, %add3A_615 : vector<16xi32>
        %add3A_617 = arith.addi %add3A_610, %add3A_616 : vector<16xi32>
        %shift_left3A_618 = arith.constant 13 : i32
        %shift_left3A_619 = vector.broadcast %shift_left3A_618 : i32 to vector<16xi32>
        %shift_left3A_620 = arith.shli %add3A_616, %shift_left3A_619 : vector<16xi32>
        %shift_right_logical3A_621 = arith.constant 19 : i32
        %shift_right_logical3A_622 = vector.broadcast %shift_right_logical3A_621 : i32 to vector<16xi32>
        %shift_right_logical3A_623 = arith.shrui %add3A_616, %shift_right_logical3A_622 : vector<16xi32>
        %or3A_624 = arith.ori %shift_left3A_620, %shift_right_logical3A_623 : vector<16xi32>
        %xor3A_625 = arith.xori %or3A_624, %add3A_617 : vector<16xi32>
        %add3A_626 = arith.addi %add3A_617, %xor3A_625 : vector<16xi32>
        %shift_left3A_627 = arith.constant 15 : i32
        %shift_left3A_628 = vector.broadcast %shift_left3A_627 : i32 to vector<16xi32>
        %shift_left3A_629 = arith.shli %xor3A_625, %shift_left3A_628 : vector<16xi32>
        %shift_right_logical3A_630 = arith.constant 17 : i32
        %shift_right_logical3A_631 = vector.broadcast %shift_right_logical3A_630 : i32 to vector<16xi32>
        %shift_right_logical3A_632 = arith.shrui %xor3A_625, %shift_right_logical3A_631 : vector<16xi32>
        %or3A_633 = arith.ori %shift_left3A_629, %shift_right_logical3A_632 : vector<16xi32>
        %xor3A_634 = arith.xori %or3A_633, %add3A_626 : vector<16xi32>
        %add3A_635 = arith.addi %add3A_626, %xor3A_634 : vector<16xi32>
        %shift_left3A_636 = arith.constant 26 : i32
        %shift_left3A_637 = vector.broadcast %shift_left3A_636 : i32 to vector<16xi32>
        %shift_left3A_638 = arith.shli %xor3A_634, %shift_left3A_637 : vector<16xi32>
        %shift_right_logical3A_639 = arith.constant 6 : i32
        %shift_right_logical3A_640 = vector.broadcast %shift_right_logical3A_639 : i32 to vector<16xi32>
        %shift_right_logical3A_641 = arith.shrui %xor3A_634, %shift_right_logical3A_640 : vector<16xi32>
        %or3A_642 = arith.ori %shift_left3A_638, %shift_right_logical3A_641 : vector<16xi32>
        %xor3A_643 = arith.xori %or3A_642, %add3A_635 : vector<16xi32>
        %add3A_644 = arith.addi %add3A_635, %xor3A_643 : vector<16xi32>
        %shift_left3A_645 = arith.constant 6 : i32
        %shift_left3A_646 = vector.broadcast %shift_left3A_645 : i32 to vector<16xi32>
        %shift_left3A_647 = arith.shli %xor3A_643, %shift_left3A_646 : vector<16xi32>
        %shift_right_logical3A_648 = arith.constant 26 : i32
        %shift_right_logical3A_649 = vector.broadcast %shift_right_logical3A_648 : i32 to vector<16xi32>
        %shift_right_logical3A_650 = arith.shrui %xor3A_643, %shift_right_logical3A_649 : vector<16xi32>
        %or3A_651 = arith.ori %shift_left3A_647, %shift_right_logical3A_650 : vector<16xi32>
        %xor3A_652 = arith.xori %or3A_651, %add3A_644 : vector<16xi32>
        %add3A_653 = arith.constant 0 : i32
        %add3A_654 = vector.broadcast %add3A_653 : i32 to vector<16xi32>
        %add3A_655 = arith.addi %add3A_644, %add3A_654 : vector<16xi32>
        %add3A_656 = arith.constant 42 : i32
        %add3A_657 = vector.broadcast %add3A_656 : i32 to vector<16xi32>
        %add3A_658 = arith.addi %xor3A_652, %add3A_657 : vector<16xi32>
        %add3A_659 = arith.constant 3 : i32
        %add3A_660 = vector.broadcast %add3A_659 : i32 to vector<16xi32>
        %add3A_661 = arith.addi %add3A_658, %add3A_660 : vector<16xi32>
        %add3A_662 = arith.addi %add3A_655, %add3A_661 : vector<16xi32>
        %shift_left3A_663 = arith.constant 17 : i32
        %shift_left3A_664 = vector.broadcast %shift_left3A_663 : i32 to vector<16xi32>
        %shift_left3A_665 = arith.shli %add3A_661, %shift_left3A_664 : vector<16xi32>
        %shift_right_logical3A_666 = arith.constant 15 : i32
        %shift_right_logical3A_667 = vector.broadcast %shift_right_logical3A_666 : i32 to vector<16xi32>
        %shift_right_logical3A_668 = arith.shrui %add3A_661, %shift_right_logical3A_667 : vector<16xi32>
        %or3A_669 = arith.ori %shift_left3A_665, %shift_right_logical3A_668 : vector<16xi32>
        %xor3A_670 = arith.xori %or3A_669, %add3A_662 : vector<16xi32>
        %add3A_671 = arith.addi %add3A_662, %xor3A_670 : vector<16xi32>
        %shift_left3A_672 = arith.constant 29 : i32
        %shift_left3A_673 = vector.broadcast %shift_left3A_672 : i32 to vector<16xi32>
        %shift_left3A_674 = arith.shli %xor3A_670, %shift_left3A_673 : vector<16xi32>
        %shift_right_logical3A_675 = arith.constant 3 : i32
        %shift_right_logical3A_676 = vector.broadcast %shift_right_logical3A_675 : i32 to vector<16xi32>
        %shift_right_logical3A_677 = arith.shrui %xor3A_670, %shift_right_logical3A_676 : vector<16xi32>
        %or3A_678 = arith.ori %shift_left3A_674, %shift_right_logical3A_677 : vector<16xi32>
        %xor3A_679 = arith.xori %or3A_678, %add3A_671 : vector<16xi32>
        %add3A_680 = arith.addi %add3A_671, %xor3A_679 : vector<16xi32>
        %shift_left3A_681 = arith.constant 16 : i32
        %shift_left3A_682 = vector.broadcast %shift_left3A_681 : i32 to vector<16xi32>
        %shift_left3A_683 = arith.shli %xor3A_679, %shift_left3A_682 : vector<16xi32>
        %shift_right_logical3A_684 = arith.constant 16 : i32
        %shift_right_logical3A_685 = vector.broadcast %shift_right_logical3A_684 : i32 to vector<16xi32>
        %shift_right_logical3A_686 = arith.shrui %xor3A_679, %shift_right_logical3A_685 : vector<16xi32>
        %or3A_687 = arith.ori %shift_left3A_683, %shift_right_logical3A_686 : vector<16xi32>
        %xor3A_688 = arith.xori %or3A_687, %add3A_680 : vector<16xi32>
        %add3A_689 = arith.addi %add3A_680, %xor3A_688 : vector<16xi32>
        %shift_left3A_690 = arith.constant 24 : i32
        %shift_left3A_691 = vector.broadcast %shift_left3A_690 : i32 to vector<16xi32>
        %shift_left3A_692 = arith.shli %xor3A_688, %shift_left3A_691 : vector<16xi32>
        %shift_right_logical3A_693 = arith.constant 8 : i32
        %shift_right_logical3A_694 = vector.broadcast %shift_right_logical3A_693 : i32 to vector<16xi32>
        %shift_right_logical3A_695 = arith.shrui %xor3A_688, %shift_right_logical3A_694 : vector<16xi32>
        %or3A_696 = arith.ori %shift_left3A_692, %shift_right_logical3A_695 : vector<16xi32>
        %xor3A_697 = arith.xori %or3A_696, %add3A_689 : vector<16xi32>
        %add3A_698 = arith.constant 42 : i32
        %add3A_699 = vector.broadcast %add3A_698 : i32 to vector<16xi32>
        %add3A_700 = arith.addi %add3A_689, %add3A_699 : vector<16xi32>
        %add3A_701 = arith.constant 466689008 : i32
        %add3A_702 = vector.broadcast %add3A_701 : i32 to vector<16xi32>
        %add3A_703 = arith.addi %xor3A_697, %add3A_702 : vector<16xi32>
        %add3A_704 = arith.constant 4 : i32
        %add3A_705 = vector.broadcast %add3A_704 : i32 to vector<16xi32>
        %add3A_706 = arith.addi %add3A_703, %add3A_705 : vector<16xi32>
        %add3A_707 = arith.addi %add3A_700, %add3A_706 : vector<16xi32>
        %shift_left3A_708 = arith.constant 13 : i32
        %shift_left3A_709 = vector.broadcast %shift_left3A_708 : i32 to vector<16xi32>
        %shift_left3A_710 = arith.shli %add3A_706, %shift_left3A_709 : vector<16xi32>
        %shift_right_logical3A_711 = arith.constant 19 : i32
        %shift_right_logical3A_712 = vector.broadcast %shift_right_logical3A_711 : i32 to vector<16xi32>
        %shift_right_logical3A_713 = arith.shrui %add3A_706, %shift_right_logical3A_712 : vector<16xi32>
        %or3A_714 = arith.ori %shift_left3A_710, %shift_right_logical3A_713 : vector<16xi32>
        %xor3A_715 = arith.xori %or3A_714, %add3A_707 : vector<16xi32>
        %add3A_716 = arith.addi %add3A_707, %xor3A_715 : vector<16xi32>
        %shift_left3A_717 = arith.constant 15 : i32
        %shift_left3A_718 = vector.broadcast %shift_left3A_717 : i32 to vector<16xi32>
        %shift_left3A_719 = arith.shli %xor3A_715, %shift_left3A_718 : vector<16xi32>
        %shift_right_logical3A_720 = arith.constant 17 : i32
        %shift_right_logical3A_721 = vector.broadcast %shift_right_logical3A_720 : i32 to vector<16xi32>
        %shift_right_logical3A_722 = arith.shrui %xor3A_715, %shift_right_logical3A_721 : vector<16xi32>
        %or3A_723 = arith.ori %shift_left3A_719, %shift_right_logical3A_722 : vector<16xi32>
        %xor3A_724 = arith.xori %or3A_723, %add3A_716 : vector<16xi32>
        %add3A_725 = arith.addi %add3A_716, %xor3A_724 : vector<16xi32>
        %shift_left3A_726 = arith.constant 26 : i32
        %shift_left3A_727 = vector.broadcast %shift_left3A_726 : i32 to vector<16xi32>
        %shift_left3A_728 = arith.shli %xor3A_724, %shift_left3A_727 : vector<16xi32>
        %shift_right_logical3A_729 = arith.constant 6 : i32
        %shift_right_logical3A_730 = vector.broadcast %shift_right_logical3A_729 : i32 to vector<16xi32>
        %shift_right_logical3A_731 = arith.shrui %xor3A_724, %shift_right_logical3A_730 : vector<16xi32>
        %or3A_732 = arith.ori %shift_left3A_728, %shift_right_logical3A_731 : vector<16xi32>
        %xor3A_733 = arith.xori %or3A_732, %add3A_725 : vector<16xi32>
        %add3A_734 = arith.addi %add3A_725, %xor3A_733 : vector<16xi32>
        %shift_left3A_735 = arith.constant 6 : i32
        %shift_left3A_736 = vector.broadcast %shift_left3A_735 : i32 to vector<16xi32>
        %shift_left3A_737 = arith.shli %xor3A_733, %shift_left3A_736 : vector<16xi32>
        %shift_right_logical3A_738 = arith.constant 26 : i32
        %shift_right_logical3A_739 = vector.broadcast %shift_right_logical3A_738 : i32 to vector<16xi32>
        %shift_right_logical3A_740 = arith.shrui %xor3A_733, %shift_right_logical3A_739 : vector<16xi32>
        %or3A_741 = arith.ori %shift_left3A_737, %shift_right_logical3A_740 : vector<16xi32>
        %xor3A_742 = arith.xori %or3A_741, %add3A_734 : vector<16xi32>
        %add3A_743 = arith.constant 466689008 : i32
        %add3A_744 = vector.broadcast %add3A_743 : i32 to vector<16xi32>
        %add3A_745 = arith.addi %add3A_734, %add3A_744 : vector<16xi32>
        %add3A_746 = arith.constant 0 : i32
        %add3A_747 = vector.broadcast %add3A_746 : i32 to vector<16xi32>
        %add3A_748 = arith.addi %xor3A_742, %add3A_747 : vector<16xi32>
        %add3A_749 = arith.constant 5 : i32
        %add3A_750 = vector.broadcast %add3A_749 : i32 to vector<16xi32>
        %add3A_751 = arith.addi %add3A_748, %add3A_750 : vector<16xi32>
        %xor3A_752 = arith.xori %add3A_745, %add3A_751 : vector<16xi32>
        %lt3A_753 = arith.constant -1288489984 : i32
        %lt3A_754 = vector.broadcast %lt3A_753 : i32 to vector<16xi32>
        %lt3A_755 = arith.cmpi ult, %xor3A_752, %lt3A_754 : vector<16xi32>
        %jit3A_756 = arith.constant 1.42857146 : f32
        %jit3A_757 = arith.constant 0.000000e+00 : f32
        %broadcast_in_dim3A_758 = vector.broadcast %jit3A_756 : f32 to vector<16xf32>
        %broadcast_in_dim3A_759 = vector.broadcast %jit3A_757 : f32 to vector<16xf32>
        %select_n3A_760 = arith.select %lt3A_755, %broadcast_in_dim3A_758, %broadcast_in_dim3A_759 : vector<16xi1>, vector<16xf32>
        %get3A_761 = arith.index_cast %mul3A_521 : i32 to index
        %get3A_762 = tpu.vector_load %arg4[%get3A_761] {strides = array<i32>} : memref<4096xf32, #tpu.memory_space<vmem>>, vector<16xf32>,
        %get3A_763 = vector.shape_cast %get3A_762 : vector<16xf32> to vector<16xf32>
        %mul3A_764 = arith.mulf %get3A_763, %select_n3A_760 : vector<16xf32>
        %swap3A_765 = arith.index_cast %mul3A_521 : i32 to index
        %swap3A_766 = tpu.vector_load %arg5[%swap3A_765] {strides = array<i32>} : memref<4096xf32, #tpu.memory_space<vmem>>, vector<16xf32>,
        %swap3A_767 = vector.shape_cast %swap3A_766 : vector<16xf32> to vector<16xf32>
        %swap3A_768 = vector.shape_cast %mul3A_764 : vector<16xf32> to vector<16xf32>
        tpu.vector_store %arg5[%swap3A_765], %swap3A_768 {strides = array<i32>} : memref<4096xf32, #tpu.memory_space<vmem>>, vector<16xf32>,
        %add3A_769 = arith.constant 3 : i32
        %add3A_770 = arith.addi %mul3A_25, %add3A_769 : i32
        %mul3A_771 = arith.constant 16 : i32
        %mul3A_772 = arith.muli %add3A_770, %mul3A_771 : i32
        %add3A_773 = arith.addi %mul3A_17, %mul3A_772 : i32
        %add3A_774 = vector.broadcast %add3A_773 : i32 to vector<16xi32>
        %add3A_775 = arith.addi %add3A_774, %iota3A : vector<16xi32>
        %add3A_776 = arith.constant 42 : i32
        %add3A_777 = vector.broadcast %add3A_776 : i32 to vector<16xi32>
        %add3A_778 = arith.addi %add3A_775, %add3A_777 : vector<16xi32>
        %shift_left3A_779 = arith.constant 13 : i32
        %shift_left3A_780 = vector.broadcast %shift_left3A_779 : i32 to vector<16xi32>
        %shift_left3A_781 = arith.shli %add3A_778, %shift_left3A_780 : vector<16xi32>
        %shift_right_logical3A_782 = arith.constant 19 : i32
        %shift_right_logical3A_783 = vector.broadcast %shift_right_logical3A_782 : i32 to vector<16xi32>
        %shift_right_logical3A_784 = arith.shrui %add3A_778, %shift_right_logical3A_783 : vector<16xi32>
        %or3A_785 = arith.ori %shift_left3A_781, %shift_right_logical3A_784 : vector<16xi32>
        %xor3A_786 = arith.xori %or3A_785, %add3A_778 : vector<16xi32>
        %add3A_787 = arith.addi %add3A_778, %xor3A_786 : vector<16xi32>
        %shift_left3A_788 = arith.constant 15 : i32
        %shift_left3A_789 = vector.broadcast %shift_left3A_788 : i32 to vector<16xi32>
        %shift_left3A_790 = arith.shli %xor3A_786, %shift_left3A_789 : vector<16xi32>
        %shift_right_logical3A_791 = arith.constant 17 : i32
        %shift_right_logical3A_792 = vector.broadcast %shift_right_logical3A_791 : i32 to vector<16xi32>
        %shift_right_logical3A_793 = arith.shrui %xor3A_786, %shift_right_logical3A_792 : vector<16xi32>
        %or3A_794 = arith.ori %shift_left3A_790, %shift_right_logical3A_793 : vector<16xi32>
        %xor3A_795 = arith.xori %or3A_794, %add3A_787 : vector<16xi32>
        %add3A_796 = arith.addi %add3A_787, %xor3A_795 : vector<16xi32>
        %shift_left3A_797 = arith.constant 26 : i32
        %shift_left3A_798 = vector.broadcast %shift_left3A_797 : i32 to vector<16xi32>
        %shift_left3A_799 = arith.shli %xor3A_795, %shift_left3A_798 : vector<16xi32>
        %shift_right_logical3A_800 = arith.constant 6 : i32
        %shift_right_logical3A_801 = vector.broadcast %shift_right_logical3A_800 : i32 to vector<16xi32>
        %shift_right_logical3A_802 = arith.shrui %xor3A_795, %shift_right_logical3A_801 : vector<16xi32>
        %or3A_803 = arith.ori %shift_left3A_799, %shift_right_logical3A_802 : vector<16xi32>
        %xor3A_804 = arith.xori %or3A_803, %add3A_796 : vector<16xi32>
        %add3A_805 = arith.addi %add3A_796, %xor3A_804 : vector<16xi32>
        %shift_left3A_806 = arith.constant 6 : i32
        %shift_left3A_807 = vector.broadcast %shift_left3A_806 : i32 to vector<16xi32>
        %shift_left3A_808 = arith.shli %xor3A_804, %shift_left3A_807 : vector<16xi32>
        %shift_right_logical3A_809 = arith.constant 26 : i32
        %shift_right_logical3A_810 = vector.broadcast %shift_right_logical3A_809 : i32 to vector<16xi32>
        %shift_right_logical3A_811 = arith.shrui %xor3A_804, %shift_right_logical3A_810 : vector<16xi32>
        %or3A_812 = arith.ori %shift_left3A_808, %shift_right_logical3A_811 : vector<16xi32>
        %xor3A_813 = arith.xori %or3A_812, %add3A_805 : vector<16xi32>
        %add3A_814 = arith.constant 42 : i32
        %add3A_815 = vector.broadcast %add3A_814 : i32 to vector<16xi32>
        %add3A_816 = arith.addi %add3A_805, %add3A_815 : vector<16xi32>
        %add3A_817 = arith.constant 466689008 : i32
        %add3A_818 = vector.broadcast %add3A_817 : i32 to vector<16xi32>
        %add3A_819 = arith.addi %xor3A_813, %add3A_818 : vector<16xi32>
        %add3A_820 = arith.constant 1 : i32
        %add3A_821 = vector.broadcast %add3A_820 : i32 to vector<16xi32>
        %add3A_822 = arith.addi %add3A_819, %add3A_821 : vector<16xi32>
        %add3A_823 = arith.addi %add3A_816, %add3A_822 : vector<16xi32>
        %shift_left3A_824 = arith.constant 17 : i32
        %shift_left3A_825 = vector.broadcast %shift_left3A_824 : i32 to vector<16xi32>
        %shift_left3A_826 = arith.shli %add3A_822, %shift_left3A_825 : vector<16xi32>
        %shift_right_logical3A_827 = arith.constant 15 : i32
        %shift_right_logical3A_828 = vector.broadcast %shift_right_logical3A_827 : i32 to vector<16xi32>
        %shift_right_logical3A_829 = arith.shrui %add3A_822, %shift_right_logical3A_828 : vector<16xi32>
        %or3A_830 = arith.ori %shift_left3A_826, %shift_right_logical3A_829 : vector<16xi32>
        %xor3A_831 = arith.xori %or3A_830, %add3A_823 : vector<16xi32>
        %add3A_832 = arith.addi %add3A_823, %xor3A_831 : vector<16xi32>
        %shift_left3A_833 = arith.constant 29 : i32
        %shift_left3A_834 = vector.broadcast %shift_left3A_833 : i32 to vector<16xi32>
        %shift_left3A_835 = arith.shli %xor3A_831, %shift_left3A_834 : vector<16xi32>
        %shift_right_logical3A_836 = arith.constant 3 : i32
        %shift_right_logical3A_837 = vector.broadcast %shift_right_logical3A_836 : i32 to vector<16xi32>
        %shift_right_logical3A_838 = arith.shrui %xor3A_831, %shift_right_logical3A_837 : vector<16xi32>
        %or3A_839 = arith.ori %shift_left3A_835, %shift_right_logical3A_838 : vector<16xi32>
        %xor3A_840 = arith.xori %or3A_839, %add3A_832 : vector<16xi32>
        %add3A_841 = arith.addi %add3A_832, %xor3A_840 : vector<16xi32>
        %shift_left3A_842 = arith.constant 16 : i32
        %shift_left3A_843 = vector.broadcast %shift_left3A_842 : i32 to vector<16xi32>
        %shift_left3A_844 = arith.shli %xor3A_840, %shift_left3A_843 : vector<16xi32>
        %shift_right_logical3A_845 = arith.constant 16 : i32
        %shift_right_logical3A_846 = vector.broadcast %shift_right_logical3A_845 : i32 to vector<16xi32>
        %shift_right_logical3A_847 = arith.shrui %xor3A_840, %shift_right_logical3A_846 : vector<16xi32>
        %or3A_848 = arith.ori %shift_left3A_844, %shift_right_logical3A_847 : vector<16xi32>
        %xor3A_849 = arith.xori %or3A_848, %add3A_841 : vector<16xi32>
        %add3A_850 = arith.addi %add3A_841, %xor3A_849 : vector<16xi32>
        %shift_left3A_851 = arith.constant 24 : i32
        %shift_left3A_852 = vector.broadcast %shift_left3A_851 : i32 to vector<16xi32>
        %shift_left3A_853 = arith.shli %xor3A_849, %shift_left3A_852 : vector<16xi32>
        %shift_right_logical3A_854 = arith.constant 8 : i32
        %shift_right_logical3A_855 = vector.broadcast %shift_right_logical3A_854 : i32 to vector<16xi32>
        %shift_right_logical3A_856 = arith.shrui %xor3A_849, %shift_right_logical3A_855 : vector<16xi32>
        %or3A_857 = arith.ori %shift_left3A_853, %shift_right_logical3A_856 : vector<16xi32>
        %xor3A_858 = arith.xori %or3A_857, %add3A_850 : vector<16xi32>
        %add3A_859 = arith.constant 466689008 : i32
        %add3A_860 = vector.broadcast %add3A_859 : i32 to vector<16xi32>
        %add3A_861 = arith.addi %add3A_850, %add3A_860 : vector<16xi32>
        %add3A_862 = arith.constant 0 : i32
        %add3A_863 = vector.broadcast %add3A_862 : i32 to vector<16xi32>
        %add3A_864 = arith.addi %xor3A_858, %add3A_863 : vector<16xi32>
        %add3A_865 = arith.constant 2 : i32
        %add3A_866 = vector.broadcast %add3A_865 : i32 to vector<16xi32>
        %add3A_867 = arith.addi %add3A_864, %add3A_866 : vector<16xi32>
        %add3A_868 = arith.addi %add3A_861, %add3A_867 : vector<16xi32>
        %shift_left3A_869 = arith.constant 13 : i32
        %shift_left3A_870 = vector.broadcast %shift_left3A_869 : i32 to vector<16xi32>
        %shift_left3A_871 = arith.shli %add3A_867, %shift_left3A_870 : vector<16xi32>
        %shift_right_logical3A_872 = arith.constant 19 : i32
        %shift_right_logical3A_873 = vector.broadcast %shift_right_logical3A_872 : i32 to vector<16xi32>
        %shift_right_logical3A_874 = arith.shrui %add3A_867, %shift_right_logical3A_873 : vector<16xi32>
        %or3A_875 = arith.ori %shift_left3A_871, %shift_right_logical3A_874 : vector<16xi32>
        %xor3A_876 = arith.xori %or3A_875, %add3A_868 : vector<16xi32>
        %add3A_877 = arith.addi %add3A_868, %xor3A_876 : vector<16xi32>
        %shift_left3A_878 = arith.constant 15 : i32
        %shift_left3A_879 = vector.broadcast %shift_left3A_878 : i32 to vector<16xi32>
        %shift_left3A_880 = arith.shli %xor3A_876, %shift_left3A_879 : vector<16xi32>
        %shift_right_logical3A_881 = arith.constant 17 : i32
        %shift_right_logical3A_882 = vector.broadcast %shift_right_logical3A_881 : i32 to vector<16xi32>
        %shift_right_logical3A_883 = arith.shrui %xor3A_876, %shift_right_logical3A_882 : vector<16xi32>
        %or3A_884 = arith.ori %shift_left3A_880, %shift_right_logical3A_883 : vector<16xi32>
        %xor3A_885 = arith.xori %or3A_884, %add3A_877 : vector<16xi32>
        %add3A_886 = arith.addi %add3A_877, %xor3A_885 : vector<16xi32>
        %shift_left3A_887 = arith.constant 26 : i32
        %shift_left3A_888 = vector.broadcast %shift_left3A_887 : i32 to vector<16xi32>
        %shift_left3A_889 = arith.shli %xor3A_885, %shift_left3A_888 : vector<16xi32>
        %shift_right_logical3A_890 = arith.constant 6 : i32
        %shift_right_logical3A_891 = vector.broadcast %shift_right_logical3A_890 : i32 to vector<16xi32>
        %shift_right_logical3A_892 = arith.shrui %xor3A_885, %shift_right_logical3A_891 : vector<16xi32>
        %or3A_893 = arith.ori %shift_left3A_889, %shift_right_logical3A_892 : vector<16xi32>
        %xor3A_894 = arith.xori %or3A_893, %add3A_886 : vector<16xi32>
        %add3A_895 = arith.addi %add3A_886, %xor3A_894 : vector<16xi32>
        %shift_left3A_896 = arith.constant 6 : i32
        %shift_left3A_897 = vector.broadcast %shift_left3A_896 : i32 to vector<16xi32>
        %shift_left3A_898 = arith.shli %xor3A_894, %shift_left3A_897 : vector<16xi32>
        %shift_right_logical3A_899 = arith.constant 26 : i32
        %shift_right_logical3A_900 = vector.broadcast %shift_right_logical3A_899 : i32 to vector<16xi32>
        %shift_right_logical3A_901 = arith.shrui %xor3A_894, %shift_right_logical3A_900 : vector<16xi32>
        %or3A_902 = arith.ori %shift_left3A_898, %shift_right_logical3A_901 : vector<16xi32>
        %xor3A_903 = arith.xori %or3A_902, %add3A_895 : vector<16xi32>
        %add3A_904 = arith.constant 0 : i32
        %add3A_905 = vector.broadcast %add3A_904 : i32 to vector<16xi32>
        %add3A_906 = arith.addi %add3A_895, %add3A_905 : vector<16xi32>
        %add3A_907 = arith.constant 42 : i32
        %add3A_908 = vector.broadcast %add3A_907 : i32 to vector<16xi32>
        %add3A_909 = arith.addi %xor3A_903, %add3A_908 : vector<16xi32>
        %add3A_910 = arith.constant 3 : i32
        %add3A_911 = vector.broadcast %add3A_910 : i32 to vector<16xi32>
        %add3A_912 = arith.addi %add3A_909, %add3A_911 : vector<16xi32>
        %add3A_913 = arith.addi %add3A_906, %add3A_912 : vector<16xi32>
        %shift_left3A_914 = arith.constant 17 : i32
        %shift_left3A_915 = vector.broadcast %shift_left3A_914 : i32 to vector<16xi32>
        %shift_left3A_916 = arith.shli %add3A_912, %shift_left3A_915 : vector<16xi32>
        %shift_right_logical3A_917 = arith.constant 15 : i32
        %shift_right_logical3A_918 = vector.broadcast %shift_right_logical3A_917 : i32 to vector<16xi32>
        %shift_right_logical3A_919 = arith.shrui %add3A_912, %shift_right_logical3A_918 : vector<16xi32>
        %or3A_920 = arith.ori %shift_left3A_916, %shift_right_logical3A_919 : vector<16xi32>
        %xor3A_921 = arith.xori %or3A_920, %add3A_913 : vector<16xi32>
        %add3A_922 = arith.addi %add3A_913, %xor3A_921 : vector<16xi32>
        %shift_left3A_923 = arith.constant 29 : i32
        %shift_left3A_924 = vector.broadcast %shift_left3A_923 : i32 to vector<16xi32>
        %shift_left3A_925 = arith.shli %xor3A_921, %shift_left3A_924 : vector<16xi32>
        %shift_right_logical3A_926 = arith.constant 3 : i32
        %shift_right_logical3A_927 = vector.broadcast %shift_right_logical3A_926 : i32 to vector<16xi32>
        %shift_right_logical3A_928 = arith.shrui %xor3A_921, %shift_right_logical3A_927 : vector<16xi32>
        %or3A_929 = arith.ori %shift_left3A_925, %shift_right_logical3A_928 : vector<16xi32>
        %xor3A_930 = arith.xori %or3A_929, %add3A_922 : vector<16xi32>
        %add3A_931 = arith.addi %add3A_922, %xor3A_930 : vector<16xi32>
        %shift_left3A_932 = arith.constant 16 : i32
        %shift_left3A_933 = vector.broadcast %shift_left3A_932 : i32 to vector<16xi32>
        %shift_left3A_934 = arith.shli %xor3A_930, %shift_left3A_933 : vector<16xi32>
        %shift_right_logical3A_935 = arith.constant 16 : i32
        %shift_right_logical3A_936 = vector.broadcast %shift_right_logical3A_935 : i32 to vector<16xi32>
        %shift_right_logical3A_937 = arith.shrui %xor3A_930, %shift_right_logical3A_936 : vector<16xi32>
        %or3A_938 = arith.ori %shift_left3A_934, %shift_right_logical3A_937 : vector<16xi32>
        %xor3A_939 = arith.xori %or3A_938, %add3A_931 : vector<16xi32>
        %add3A_940 = arith.addi %add3A_931, %xor3A_939 : vector<16xi32>
        %shift_left3A_941 = arith.constant 24 : i32
        %shift_left3A_942 = vector.broadcast %shift_left3A_941 : i32 to vector<16xi32>
        %shift_left3A_943 = arith.shli %xor3A_939, %shift_left3A_942 : vector<16xi32>
        %shift_right_logical3A_944 = arith.constant 8 : i32
        %shift_right_logical3A_945 = vector.broadcast %shift_right_logical3A_944 : i32 to vector<16xi32>
        %shift_right_logical3A_946 = arith.shrui %xor3A_939, %shift_right_logical3A_945 : vector<16xi32>
        %or3A_947 = arith.ori %shift_left3A_943, %shift_right_logical3A_946 : vector<16xi32>
        %xor3A_948 = arith.xori %or3A_947, %add3A_940 : vector<16xi32>
        %add3A_949 = arith.constant 42 : i32
        %add3A_950 = vector.broadcast %add3A_949 : i32 to vector<16xi32>
        %add3A_951 = arith.addi %add3A_940, %add3A_950 : vector<16xi32>
        %add3A_952 = arith.constant 466689008 : i32
        %add3A_953 = vector.broadcast %add3A_952 : i32 to vector<16xi32>
        %add3A_954 = arith.addi %xor3A_948, %add3A_953 : vector<16xi32>
        %add3A_955 = arith.constant 4 : i32
        %add3A_956 = vector.broadcast %add3A_955 : i32 to vector<16xi32>
        %add3A_957 = arith.addi %add3A_954, %add3A_956 : vector<16xi32>
        %add3A_958 = arith.addi %add3A_951, %add3A_957 : vector<16xi32>
        %shift_left3A_959 = arith.constant 13 : i32
        %shift_left3A_960 = vector.broadcast %shift_left3A_959 : i32 to vector<16xi32>
        %shift_left3A_961 = arith.shli %add3A_957, %shift_left3A_960 : vector<16xi32>
        %shift_right_logical3A_962 = arith.constant 19 : i32
        %shift_right_logical3A_963 = vector.broadcast %shift_right_logical3A_962 : i32 to vector<16xi32>
        %shift_right_logical3A_964 = arith.shrui %add3A_957, %shift_right_logical3A_963 : vector<16xi32>
        %or3A_965 = arith.ori %shift_left3A_961, %shift_right_logical3A_964 : vector<16xi32>
        %xor3A_966 = arith.xori %or3A_965, %add3A_958 : vector<16xi32>
        %add3A_967 = arith.addi %add3A_958, %xor3A_966 : vector<16xi32>
        %shift_left3A_968 = arith.constant 15 : i32
        %shift_left3A_969 = vector.broadcast %shift_left3A_968 : i32 to vector<16xi32>
        %shift_left3A_970 = arith.shli %xor3A_966, %shift_left3A_969 : vector<16xi32>
        %shift_right_logical3A_971 = arith.constant 17 : i32
        %shift_right_logical3A_972 = vector.broadcast %shift_right_logical3A_971 : i32 to vector<16xi32>
        %shift_right_logical3A_973 = arith.shrui %xor3A_966, %shift_right_logical3A_972 : vector<16xi32>
        %or3A_974 = arith.ori %shift_left3A_970, %shift_right_logical3A_973 : vector<16xi32>
        %xor3A_975 = arith.xori %or3A_974, %add3A_967 : vector<16xi32>
        %add3A_976 = arith.addi %add3A_967, %xor3A_975 : vector<16xi32>
        %shift_left3A_977 = arith.constant 26 : i32
        %shift_left3A_978 = vector.broadcast %shift_left3A_977 : i32 to vector<16xi32>
        %shift_left3A_979 = arith.shli %xor3A_975, %shift_left3A_978 : vector<16xi32>
        %shift_right_logical3A_980 = arith.constant 6 : i32
        %shift_right_logical3A_981 = vector.broadcast %shift_right_logical3A_980 : i32 to vector<16xi32>
        %shift_right_logical3A_982 = arith.shrui %xor3A_975, %shift_right_logical3A_981 : vector<16xi32>
        %or3A_983 = arith.ori %shift_left3A_979, %shift_right_logical3A_982 : vector<16xi32>
        %xor3A_984 = arith.xori %or3A_983, %add3A_976 : vector<16xi32>
        %add3A_985 = arith.addi %add3A_976, %xor3A_984 : vector<16xi32>
        %shift_left3A_986 = arith.constant 6 : i32
        %shift_left3A_987 = vector.broadcast %shift_left3A_986 : i32 to vector<16xi32>
        %shift_left3A_988 = arith.shli %xor3A_984, %shift_left3A_987 : vector<16xi32>
        %shift_right_logical3A_989 = arith.constant 26 : i32
        %shift_right_logical3A_990 = vector.broadcast %shift_right_logical3A_989 : i32 to vector<16xi32>
        %shift_right_logical3A_991 = arith.shrui %xor3A_984, %shift_right_logical3A_990 : vector<16xi32>
        %or3A_992 = arith.ori %shift_left3A_988, %shift_right_logical3A_991 : vector<16xi32>
        %xor3A_993 = arith.xori %or3A_992, %add3A_985 : vector<16xi32>
        %add3A_994 = arith.constant 466689008 : i32
        %add3A_995 = vector.broadcast %add3A_994 : i32 to vector<16xi32>
        %add3A_996 = arith.addi %add3A_985, %add3A_995 : vector<16xi32>
        %add3A_997 = arith.constant 0 : i32
        %add3A_998 = vector.broadcast %add3A_997 : i32 to vector<16xi32>
        %add3A_999 = arith.addi %xor3A_993, %add3A_998 : vector<16xi32>
        %add3A_1000 = arith.constant 5 : i32
        %add3A_1001 = vector.broadcast %add3A_1000 : i32 to vector<16xi32>
        %add3A_1002 = arith.addi %add3A_999, %add3A_1001 : vector<16xi32>
        %xor3A_1003 = arith.xori %add3A_996, %add3A_1002 : vector<16xi32>
        %lt3A_1004 = arith.constant -1288489984 : i32
        %lt3A_1005 = vector.broadcast %lt3A_1004 : i32 to vector<16xi32>
        %lt3A_1006 = arith.cmpi ult, %xor3A_1003, %lt3A_1005 : vector<16xi32>
        %jit3A_1007 = arith.constant 1.42857146 : f32
        %jit3A_1008 = arith.constant 0.000000e+00 : f32
        %broadcast_in_dim3A_1009 = vector.broadcast %jit3A_1007 : f32 to vector<16xf32>
        %broadcast_in_dim3A_1010 = vector.broadcast %jit3A_1008 : f32 to vector<16xf32>
        %select_n3A_1011 = arith.select %lt3A_1006, %broadcast_in_dim3A_1009, %broadcast_in_dim3A_1010 : vector<16xi1>, vector<16xf32>
        %get3A_1012 = arith.index_cast %mul3A_772 : i32 to index
        %get3A_1013 = tpu.vector_load %arg4[%get3A_1012] {strides = array<i32>} : memref<4096xf32, #tpu.memory_space<vmem>>, vector<16xf32>,
        %get3A_1014 = vector.shape_cast %get3A_1013 : vector<16xf32> to vector<16xf32>
        %mul3A_1015 = arith.mulf %get3A_1014, %select_n3A_1011 : vector<16xf32>
        %swap3A_1016 = arith.index_cast %mul3A_772 : i32 to index
        %swap3A_1017 = tpu.vector_load %arg5[%swap3A_1016] {strides = array<i32>} : memref<4096xf32, #tpu.memory_space<vmem>>, vector<16xf32>,
        %swap3A_1018 = vector.shape_cast %swap3A_1017 : vector<16xf32> to vector<16xf32>
        %swap3A_1019 = vector.shape_cast %mul3A_1015 : vector<16xf32> to vector<16xf32>
        tpu.vector_store %arg5[%swap3A_1016], %swap3A_1019 {strides = array<i32>} : memref<4096xf32, #tpu.memory_space<vmem>>, vector<16xf32>,
      }
      %scan3A_22 = arith.constant 64 : i32
      "tpu.region"() ({
        %run_scoped3A = tpu.sem_alloc : memref<!tpu.dma_semaphore, #tpu.memory_space<semaphore_mem>>
        %dma_start3A = tpu.memref_slice %arg3[%mul3A_17] : memref<65536xf32, #tpu.memory_space<hbm>> -> memref<4096xf32, #tpu.memory_space<hbm>>
        %dma_start3A_23 = tpu.memref_slice %arg3[%mul3A_17] : memref<65536xf32, #tpu.memory_space<hbm>> -> memref<4096xf32, #tpu.memory_space<hbm>>
        tpu.enqueue_dma source(%arg5 : memref<4096xf32, #tpu.memory_space<vmem>>) target(%dma_start3A_23 : memref<4096xf32, #tpu.memory_space<hbm>>) target_semaphore(%run_scoped3A : memref<!tpu.dma_semaphore, #tpu.memory_space<semaphore_mem>>)
        %dma_wait3A = tpu.memref_slice %arg3[%mul3A_17] : memref<65536xf32, #tpu.memory_space<hbm>> -> memref<4096xf32, #tpu.memory_space<hbm>>
        %dma_wait3A_24 = tpu.memref_slice %arg3[%mul3A_17] : memref<65536xf32, #tpu.memory_space<hbm>> -> memref<4096xf32, #tpu.memory_space<hbm>>
        tpu.wait_dma2 semaphore(%run_scoped3A : memref<!tpu.dma_semaphore, #tpu.memory_space<semaphore_mem>>) src(%arg5 : memref<4096xf32, #tpu.memory_space<vmem>>) dst(%dma_wait3A_24 : memref<4096xf32, #tpu.memory_space<hbm>>)
        tpu.yield
      }) : () -> ()
    }
    %while3A_11 = arith.constant 1 : i32
    scf.for %while3A_12 = %while3A_9 to %while3A_5 step %while3A_11  : i32 {
      %mul3A_13 = arith.constant 32 : i32
      %mul3A_14 = arith.muli %while3A_12, %mul3A_13 : i32
      %add3A_15 = arith.addi %add3A, %mul3A_14 : i32
      %mul3A_16 = arith.constant 4096 : i32
      %mul3A_17 = arith.muli %add3A_15, %mul3A_16 : i32
      "tpu.region"() ({
        %run_scoped3A = tpu.sem_alloc : memref<!tpu.dma_semaphore, #tpu.memory_space<semaphore_mem>>
        %dma_start3A = tpu.memref_slice %arg2[%mul3A_17] : memref<2684354xf32, #tpu.memory_space<hbm>> -> memref<4096xf32, #tpu.memory_space<hbm>>
        %dma_start3A_23 = tpu.memref_slice %arg2[%mul3A_17] : memref<2684354xf32, #tpu.memory_space<hbm>> -> memref<4096xf32, #tpu.memory_space<hbm>>
        tpu.enqueue_dma source(%dma_start3A_23 : memref<4096xf32, #tpu.memory_space<hbm>>) target(%arg4 : memref<4096xf32, #tpu.memory_space<vmem>>) target_semaphore(%run_scoped3A : memref<!tpu.dma_semaphore, #tpu.memory_space<semaphore_mem>>)
        %dma_wait3A = tpu.memref_slice %arg2[%mul3A_17] : memref<2684354xf32, #tpu.memory_space<hbm>> -> memref<4096xf32, #tpu.memory_space<hbm>>
        %dma_wait3A_24 = tpu.memref_slice %arg2[%mul3A_17] : memref<2684354xf32, #tpu.memory_space<hbm>> -> memref<4096xf32, #tpu.memory_space<hbm>>
        tpu.wait_dma2 semaphore(%run_scoped3A : memref<!tpu.dma_semaphore, #tpu.memory_space<semaphore_mem>>) src(%dma_wait3A_24 : memref<4096xf32, #tpu.memory_space<hbm>>) dst(%arg4 : memref<4096xf32, #tpu.memory_space<vmem>>)
        tpu.yield
      }) : () -> ()
      %scan3A = arith.constant 0 : i32
      %scan3A_18 = arith.constant 0 : i32
      %scan3A_19 = arith.constant 64 : i32
      %scan3A_20 = arith.addi %scan3A_18, %scan3A_19 : i32
      %scan3A_21 = arith.constant 1 : i32
      scf.for %scan3A_23 = %scan3A_18 to %scan3A_20 step %scan3A_21  : i32 {
        %mul3A_24 = arith.constant 4 : i32
        %mul3A_25 = arith.muli %scan3A_23, %mul3A_24 : i32
        %iota3A = tpu.iota {dimensions = array<i32: 0>} : vector<16xi32>
        %add3A_26 = arith.constant 0 : i32
        %add3A_27 = arith.addi %mul3A_25, %add3A_26 : i32
        %mul3A_28 = arith.constant 16 : i32
        %mul3A_29 = arith.muli %add3A_27, %mul3A_28 : i32
        %add3A_30 = arith.addi %mul3A_17, %mul3A_29 : i32
        %add3A_31 = vector.broadcast %add3A_30 : i32 to vector<16xi32>
        %add3A_32 = arith.addi %add3A_31, %iota3A : vector<16xi32>
        %add3A_33 = arith.constant 42 : i32
        %add3A_34 = vector.broadcast %add3A_33 : i32 to vector<16xi32>
        %add3A_35 = arith.addi %add3A_32, %add3A_34 : vector<16xi32>
        %shift_left3A = arith.constant 13 : i32
        %shift_left3A_36 = vector.broadcast %shift_left3A : i32 to vector<16xi32>
        %shift_left3A_37 = arith.shli %add3A_35, %shift_left3A_36 : vector<16xi32>
        %shift_right_logical3A = arith.constant 19 : i32
        %shift_right_logical3A_38 = vector.broadcast %shift_right_logical3A : i32 to vector<16xi32>
        %shift_right_logical3A_39 = arith.shrui %add3A_35, %shift_right_logical3A_38 : vector<16xi32>
        %or3A = arith.ori %shift_left3A_37, %shift_right_logical3A_39 : vector<16xi32>
        %xor3A = arith.xori %or3A, %add3A_35 : vector<16xi32>
        %add3A_40 = arith.addi %add3A_35, %xor3A : vector<16xi32>
        %shift_left3A_41 = arith.constant 15 : i32
        %shift_left3A_42 = vector.broadcast %shift_left3A_41 : i32 to vector<16xi32>
        %shift_left3A_43 = arith.shli %xor3A, %shift_left3A_42 : vector<16xi32>
        %shift_right_logical3A_44 = arith.constant 17 : i32
        %shift_right_logical3A_45 = vector.broadcast %shift_right_logical3A_44 : i32 to vector<16xi32>
        %shift_right_logical3A_46 = arith.shrui %xor3A, %shift_right_logical3A_45 : vector<16xi32>
        %or3A_47 = arith.ori %shift_left3A_43, %shift_right_logical3A_46 : vector<16xi32>
        %xor3A_48 = arith.xori %or3A_47, %add3A_40 : vector<16xi32>
        %add3A_49 = arith.addi %add3A_40, %xor3A_48 : vector<16xi32>
        %shift_left3A_50 = arith.constant 26 : i32
        %shift_left3A_51 = vector.broadcast %shift_left3A_50 : i32 to vector<16xi32>
        %shift_left3A_52 = arith.shli %xor3A_48, %shift_left3A_51 : vector<16xi32>
        %shift_right_logical3A_53 = arith.constant 6 : i32
        %shift_right_logical3A_54 = vector.broadcast %shift_right_logical3A_53 : i32 to vector<16xi32>
        %shift_right_logical3A_55 = arith.shrui %xor3A_48, %shift_right_logical3A_54 : vector<16xi32>
        %or3A_56 = arith.ori %shift_left3A_52, %shift_right_logical3A_55 : vector<16xi32>
        %xor3A_57 = arith.xori %or3A_56, %add3A_49 : vector<16xi32>
        %add3A_58 = arith.addi %add3A_49, %xor3A_57 : vector<16xi32>
        %shift_left3A_59 = arith.constant 6 : i32
        %shift_left3A_60 = vector.broadcast %shift_left3A_59 : i32 to vector<16xi32>
        %shift_left3A_61 = arith.shli %xor3A_57, %shift_left3A_60 : vector<16xi32>
        %shift_right_logical3A_62 = arith.constant 26 : i32
        %shift_right_logical3A_63 = vector.broadcast %shift_right_logical3A_62 : i32 to vector<16xi32>
        %shift_right_logical3A_64 = arith.shrui %xor3A_57, %shift_right_logical3A_63 : vector<16xi32>
        %or3A_65 = arith.ori %shift_left3A_61, %shift_right_logical3A_64 : vector<16xi32>
        %xor3A_66 = arith.xori %or3A_65, %add3A_58 : vector<16xi32>
        %add3A_67 = arith.constant 42 : i32
        %add3A_68 = vector.broadcast %add3A_67 : i32 to vector<16xi32>
        %add3A_69 = arith.addi %add3A_58, %add3A_68 : vector<16xi32>
        %add3A_70 = arith.constant 466689008 : i32
        %add3A_71 = vector.broadcast %add3A_70 : i32 to vector<16xi32>
        %add3A_72 = arith.addi %xor3A_66, %add3A_71 : vector<16xi32>
        %add3A_73 = arith.constant 1 : i32
        %add3A_74 = vector.broadcast %add3A_73 : i32 to vector<16xi32>
        %add3A_75 = arith.addi %add3A_72, %add3A_74 : vector<16xi32>
        %add3A_76 = arith.addi %add3A_69, %add3A_75 : vector<16xi32>
        %shift_left3A_77 = arith.constant 17 : i32
        %shift_left3A_78 = vector.broadcast %shift_left3A_77 : i32 to vector<16xi32>
        %shift_left3A_79 = arith.shli %add3A_75, %shift_left3A_78 : vector<16xi32>
        %shift_right_logical3A_80 = arith.constant 15 : i32
        %shift_right_logical3A_81 = vector.broadcast %shift_right_logical3A_80 : i32 to vector<16xi32>
        %shift_right_logical3A_82 = arith.shrui %add3A_75, %shift_right_logical3A_81 : vector<16xi32>
        %or3A_83 = arith.ori %shift_left3A_79, %shift_right_logical3A_82 : vector<16xi32>
        %xor3A_84 = arith.xori %or3A_83, %add3A_76 : vector<16xi32>
        %add3A_85 = arith.addi %add3A_76, %xor3A_84 : vector<16xi32>
        %shift_left3A_86 = arith.constant 29 : i32
        %shift_left3A_87 = vector.broadcast %shift_left3A_86 : i32 to vector<16xi32>
        %shift_left3A_88 = arith.shli %xor3A_84, %shift_left3A_87 : vector<16xi32>
        %shift_right_logical3A_89 = arith.constant 3 : i32
        %shift_right_logical3A_90 = vector.broadcast %shift_right_logical3A_89 : i32 to vector<16xi32>
        %shift_right_logical3A_91 = arith.shrui %xor3A_84, %shift_right_logical3A_90 : vector<16xi32>
        %or3A_92 = arith.ori %shift_left3A_88, %shift_right_logical3A_91 : vector<16xi32>
        %xor3A_93 = arith.xori %or3A_92, %add3A_85 : vector<16xi32>
        %add3A_94 = arith.addi %add3A_85, %xor3A_93 : vector<16xi32>
        %shift_left3A_95 = arith.constant 16 : i32
        %shift_left3A_96 = vector.broadcast %shift_left3A_95 : i32 to vector<16xi32>
        %shift_left3A_97 = arith.shli %xor3A_93, %shift_left3A_96 : vector<16xi32>
        %shift_right_logical3A_98 = arith.constant 16 : i32
        %shift_right_logical3A_99 = vector.broadcast %shift_right_logical3A_98 : i32 to vector<16xi32>
        %shift_right_logical3A_100 = arith.shrui %xor3A_93, %shift_right_logical3A_99 : vector<16xi32>
        %or3A_101 = arith.ori %shift_left3A_97, %shift_right_logical3A_100 : vector<16xi32>
        %xor3A_102 = arith.xori %or3A_101, %add3A_94 : vector<16xi32>
        %add3A_103 = arith.addi %add3A_94, %xor3A_102 : vector<16xi32>
        %shift_left3A_104 = arith.constant 24 : i32
        %shift_left3A_105 = vector.broadcast %shift_left3A_104 : i32 to vector<16xi32>
        %shift_left3A_106 = arith.shli %xor3A_102, %shift_left3A_105 : vector<16xi32>
        %shift_right_logical3A_107 = arith.constant 8 : i32
        %shift_right_logical3A_108 = vector.broadcast %shift_right_logical3A_107 : i32 to vector<16xi32>
        %shift_right_logical3A_109 = arith.shrui %xor3A_102, %shift_right_logical3A_108 : vector<16xi32>
        %or3A_110 = arith.ori %shift_left3A_106, %shift_right_logical3A_109 : vector<16xi32>
        %xor3A_111 = arith.xori %or3A_110, %add3A_103 : vector<16xi32>
        %add3A_112 = arith.constant 466689008 : i32
        %add3A_113 = vector.broadcast %add3A_112 : i32 to vector<16xi32>
        %add3A_114 = arith.addi %add3A_103, %add3A_113 : vector<16xi32>
        %add3A_115 = arith.constant 0 : i32
        %add3A_116 = vector.broadcast %add3A_115 : i32 to vector<16xi32>
        %add3A_117 = arith.addi %xor3A_111, %add3A_116 : vector<16xi32>
        %add3A_118 = arith.constant 2 : i32
        %add3A_119 = vector.broadcast %add3A_118 : i32 to vector<16xi32>
        %add3A_120 = arith.addi %add3A_117, %add3A_119 : vector<16xi32>
        %add3A_121 = arith.addi %add3A_114, %add3A_120 : vector<16xi32>
        %shift_left3A_122 = arith.constant 13 : i32
        %shift_left3A_123 = vector.broadcast %shift_left3A_122 : i32 to vector<16xi32>
        %shift_left3A_124 = arith.shli %add3A_120, %shift_left3A_123 : vector<16xi32>
        %shift_right_logical3A_125 = arith.constant 19 : i32
        %shift_right_logical3A_126 = vector.broadcast %shift_right_logical3A_125 : i32 to vector<16xi32>
        %shift_right_logical3A_127 = arith.shrui %add3A_120, %shift_right_logical3A_126 : vector<16xi32>
        %or3A_128 = arith.ori %shift_left3A_124, %shift_right_logical3A_127 : vector<16xi32>
        %xor3A_129 = arith.xori %or3A_128, %add3A_121 : vector<16xi32>
        %add3A_130 = arith.addi %add3A_121, %xor3A_129 : vector<16xi32>
        %shift_left3A_131 = arith.constant 15 : i32
        %shift_left3A_132 = vector.broadcast %shift_left3A_131 : i32 to vector<16xi32>
        %shift_left3A_133 = arith.shli %xor3A_129, %shift_left3A_132 : vector<16xi32>
        %shift_right_logical3A_134 = arith.constant 17 : i32
        %shift_right_logical3A_135 = vector.broadcast %shift_right_logical3A_134 : i32 to vector<16xi32>
        %shift_right_logical3A_136 = arith.shrui %xor3A_129, %shift_right_logical3A_135 : vector<16xi32>
        %or3A_137 = arith.ori %shift_left3A_133, %shift_right_logical3A_136 : vector<16xi32>
        %xor3A_138 = arith.xori %or3A_137, %add3A_130 : vector<16xi32>
        %add3A_139 = arith.addi %add3A_130, %xor3A_138 : vector<16xi32>
        %shift_left3A_140 = arith.constant 26 : i32
        %shift_left3A_141 = vector.broadcast %shift_left3A_140 : i32 to vector<16xi32>
        %shift_left3A_142 = arith.shli %xor3A_138, %shift_left3A_141 : vector<16xi32>
        %shift_right_logical3A_143 = arith.constant 6 : i32
        %shift_right_logical3A_144 = vector.broadcast %shift_right_logical3A_143 : i32 to vector<16xi32>
        %shift_right_logical3A_145 = arith.shrui %xor3A_138, %shift_right_logical3A_144 : vector<16xi32>
        %or3A_146 = arith.ori %shift_left3A_142, %shift_right_logical3A_145 : vector<16xi32>
        %xor3A_147 = arith.xori %or3A_146, %add3A_139 : vector<16xi32>
        %add3A_148 = arith.addi %add3A_139, %xor3A_147 : vector<16xi32>
        %shift_left3A_149 = arith.constant 6 : i32
        %shift_left3A_150 = vector.broadcast %shift_left3A_149 : i32 to vector<16xi32>
        %shift_left3A_151 = arith.shli %xor3A_147, %shift_left3A_150 : vector<16xi32>
        %shift_right_logical3A_152 = arith.constant 26 : i32
        %shift_right_logical3A_153 = vector.broadcast %shift_right_logical3A_152 : i32 to vector<16xi32>
        %shift_right_logical3A_154 = arith.shrui %xor3A_147, %shift_right_logical3A_153 : vector<16xi32>
        %or3A_155 = arith.ori %shift_left3A_151, %shift_right_logical3A_154 : vector<16xi32>
        %xor3A_156 = arith.xori %or3A_155, %add3A_148 : vector<16xi32>
        %add3A_157 = arith.constant 0 : i32
        %add3A_158 = vector.broadcast %add3A_157 : i32 to vector<16xi32>
        %add3A_159 = arith.addi %add3A_148, %add3A_158 : vector<16xi32>
        %add3A_160 = arith.constant 42 : i32
        %add3A_161 = vector.broadcast %add3A_160 : i32 to vector<16xi32>
        %add3A_162 = arith.addi %xor3A_156, %add3A_161 : vector<16xi32>
        %add3A_163 = arith.constant 3 : i32
        %add3A_164 = vector.broadcast %add3A_163 : i32 to vector<16xi32>
        %add3A_165 = arith.addi %add3A_162, %add3A_164 : vector<16xi32>
        %add3A_166 = arith.addi %add3A_159, %add3A_165 : vector<16xi32>
        %shift_left3A_167 = arith.constant 17 : i32
        %shift_left3A_168 = vector.broadcast %shift_left3A_167 : i32 to vector<16xi32>
        %shift_left3A_169 = arith.shli %add3A_165, %shift_left3A_168 : vector<16xi32>
        %shift_right_logical3A_170 = arith.constant 15 : i32
        %shift_right_logical3A_171 = vector.broadcast %shift_right_logical3A_170 : i32 to vector<16xi32>
        %shift_right_logical3A_172 = arith.shrui %add3A_165, %shift_right_logical3A_171 : vector<16xi32>
        %or3A_173 = arith.ori %shift_left3A_169, %shift_right_logical3A_172 : vector<16xi32>
        %xor3A_174 = arith.xori %or3A_173, %add3A_166 : vector<16xi32>
        %add3A_175 = arith.addi %add3A_166, %xor3A_174 : vector<16xi32>
        %shift_left3A_176 = arith.constant 29 : i32
        %shift_left3A_177 = vector.broadcast %shift_left3A_176 : i32 to vector<16xi32>
        %shift_left3A_178 = arith.shli %xor3A_174, %shift_left3A_177 : vector<16xi32>
        %shift_right_logical3A_179 = arith.constant 3 : i32
        %shift_right_logical3A_180 = vector.broadcast %shift_right_logical3A_179 : i32 to vector<16xi32>
        %shift_right_logical3A_181 = arith.shrui %xor3A_174, %shift_right_logical3A_180 : vector<16xi32>
        %or3A_182 = arith.ori %shift_left3A_178, %shift_right_logical3A_181 : vector<16xi32>
        %xor3A_183 = arith.xori %or3A_182, %add3A_175 : vector<16xi32>
        %add3A_184 = arith.addi %add3A_175, %xor3A_183 : vector<16xi32>
        %shift_left3A_185 = arith.constant 16 : i32
        %shift_left3A_186 = vector.broadcast %shift_left3A_185 : i32 to vector<16xi32>
        %shift_left3A_187 = arith.shli %xor3A_183, %shift_left3A_186 : vector<16xi32>
        %shift_right_logical3A_188 = arith.constant 16 : i32
        %shift_right_logical3A_189 = vector.broadcast %shift_right_logical3A_188 : i32 to vector<16xi32>
        %shift_right_logical3A_190 = arith.shrui %xor3A_183, %shift_right_logical3A_189 : vector<16xi32>
        %or3A_191 = arith.ori %shift_left3A_187, %shift_right_logical3A_190 : vector<16xi32>
        %xor3A_192 = arith.xori %or3A_191, %add3A_184 : vector<16xi32>
        %add3A_193 = arith.addi %add3A_184, %xor3A_192 : vector<16xi32>
        %shift_left3A_194 = arith.constant 24 : i32
        %shift_left3A_195 = vector.broadcast %shift_left3A_194 : i32 to vector<16xi32>
        %shift_left3A_196 = arith.shli %xor3A_192, %shift_left3A_195 : vector<16xi32>
        %shift_right_logical3A_197 = arith.constant 8 : i32
        %shift_right_logical3A_198 = vector.broadcast %shift_right_logical3A_197 : i32 to vector<16xi32>
        %shift_right_logical3A_199 = arith.shrui %xor3A_192, %shift_right_logical3A_198 : vector<16xi32>
        %or3A_200 = arith.ori %shift_left3A_196, %shift_right_logical3A_199 : vector<16xi32>
        %xor3A_201 = arith.xori %or3A_200, %add3A_193 : vector<16xi32>
        %add3A_202 = arith.constant 42 : i32
        %add3A_203 = vector.broadcast %add3A_202 : i32 to vector<16xi32>
        %add3A_204 = arith.addi %add3A_193, %add3A_203 : vector<16xi32>
        %add3A_205 = arith.constant 466689008 : i32
        %add3A_206 = vector.broadcast %add3A_205 : i32 to vector<16xi32>
        %add3A_207 = arith.addi %xor3A_201, %add3A_206 : vector<16xi32>
        %add3A_208 = arith.constant 4 : i32
        %add3A_209 = vector.broadcast %add3A_208 : i32 to vector<16xi32>
        %add3A_210 = arith.addi %add3A_207, %add3A_209 : vector<16xi32>
        %add3A_211 = arith.addi %add3A_204, %add3A_210 : vector<16xi32>
        %shift_left3A_212 = arith.constant 13 : i32
        %shift_left3A_213 = vector.broadcast %shift_left3A_212 : i32 to vector<16xi32>
        %shift_left3A_214 = arith.shli %add3A_210, %shift_left3A_213 : vector<16xi32>
        %shift_right_logical3A_215 = arith.constant 19 : i32
        %shift_right_logical3A_216 = vector.broadcast %shift_right_logical3A_215 : i32 to vector<16xi32>
        %shift_right_logical3A_217 = arith.shrui %add3A_210, %shift_right_logical3A_216 : vector<16xi32>
        %or3A_218 = arith.ori %shift_left3A_214, %shift_right_logical3A_217 : vector<16xi32>
        %xor3A_219 = arith.xori %or3A_218, %add3A_211 : vector<16xi32>
        %add3A_220 = arith.addi %add3A_211, %xor3A_219 : vector<16xi32>
        %shift_left3A_221 = arith.constant 15 : i32
        %shift_left3A_222 = vector.broadcast %shift_left3A_221 : i32 to vector<16xi32>
        %shift_left3A_223 = arith.shli %xor3A_219, %shift_left3A_222 : vector<16xi32>
        %shift_right_logical3A_224 = arith.constant 17 : i32
        %shift_right_logical3A_225 = vector.broadcast %shift_right_logical3A_224 : i32 to vector<16xi32>
        %shift_right_logical3A_226 = arith.shrui %xor3A_219, %shift_right_logical3A_225 : vector<16xi32>
        %or3A_227 = arith.ori %shift_left3A_223, %shift_right_logical3A_226 : vector<16xi32>
        %xor3A_228 = arith.xori %or3A_227, %add3A_220 : vector<16xi32>
        %add3A_229 = arith.addi %add3A_220, %xor3A_228 : vector<16xi32>
        %shift_left3A_230 = arith.constant 26 : i32
        %shift_left3A_231 = vector.broadcast %shift_left3A_230 : i32 to vector<16xi32>
        %shift_left3A_232 = arith.shli %xor3A_228, %shift_left3A_231 : vector<16xi32>
        %shift_right_logical3A_233 = arith.constant 6 : i32
        %shift_right_logical3A_234 = vector.broadcast %shift_right_logical3A_233 : i32 to vector<16xi32>
        %shift_right_logical3A_235 = arith.shrui %xor3A_228, %shift_right_logical3A_234 : vector<16xi32>
        %or3A_236 = arith.ori %shift_left3A_232, %shift_right_logical3A_235 : vector<16xi32>
        %xor3A_237 = arith.xori %or3A_236, %add3A_229 : vector<16xi32>
        %add3A_238 = arith.addi %add3A_229, %xor3A_237 : vector<16xi32>
        %shift_left3A_239 = arith.constant 6 : i32
        %shift_left3A_240 = vector.broadcast %shift_left3A_239 : i32 to vector<16xi32>
        %shift_left3A_241 = arith.shli %xor3A_237, %shift_left3A_240 : vector<16xi32>
        %shift_right_logical3A_242 = arith.constant 26 : i32
        %shift_right_logical3A_243 = vector.broadcast %shift_right_logical3A_242 : i32 to vector<16xi32>
        %shift_right_logical3A_244 = arith.shrui %xor3A_237, %shift_right_logical3A_243 : vector<16xi32>
        %or3A_245 = arith.ori %shift_left3A_241, %shift_right_logical3A_244 : vector<16xi32>
        %xor3A_246 = arith.xori %or3A_245, %add3A_238 : vector<16xi32>
        %add3A_247 = arith.constant 466689008 : i32
        %add3A_248 = vector.broadcast %add3A_247 : i32 to vector<16xi32>
        %add3A_249 = arith.addi %add3A_238, %add3A_248 : vector<16xi32>
        %add3A_250 = arith.constant 0 : i32
        %add3A_251 = vector.broadcast %add3A_250 : i32 to vector<16xi32>
        %add3A_252 = arith.addi %xor3A_246, %add3A_251 : vector<16xi32>
        %add3A_253 = arith.constant 5 : i32
        %add3A_254 = vector.broadcast %add3A_253 : i32 to vector<16xi32>
        %add3A_255 = arith.addi %add3A_252, %add3A_254 : vector<16xi32>
        %xor3A_256 = arith.xori %add3A_249, %add3A_255 : vector<16xi32>
        %lt3A = arith.constant -1288489984 : i32
        %lt3A_257 = vector.broadcast %lt3A : i32 to vector<16xi32>
        %lt3A_258 = arith.cmpi ult, %xor3A_256, %lt3A_257 : vector<16xi32>
        %jit3A = arith.constant 1.42857146 : f32
        %jit3A_259 = arith.constant 0.000000e+00 : f32
        %broadcast_in_dim3A = vector.broadcast %jit3A : f32 to vector<16xf32>
        %broadcast_in_dim3A_260 = vector.broadcast %jit3A_259 : f32 to vector<16xf32>
        %select_n3A = arith.select %lt3A_258, %broadcast_in_dim3A, %broadcast_in_dim3A_260 : vector<16xi1>, vector<16xf32>
        %get3A = arith.index_cast %mul3A_29 : i32 to index
        %get3A_261 = tpu.vector_load %arg4[%get3A] {strides = array<i32>} : memref<4096xf32, #tpu.memory_space<vmem>>, vector<16xf32>,
        %get3A_262 = vector.shape_cast %get3A_261 : vector<16xf32> to vector<16xf32>
        %mul3A_263 = arith.mulf %get3A_262, %select_n3A : vector<16xf32>
        %swap3A = arith.index_cast %mul3A_29 : i32 to index
        %swap3A_264 = tpu.vector_load %arg5[%swap3A] {strides = array<i32>} : memref<4096xf32, #tpu.memory_space<vmem>>, vector<16xf32>,
        %swap3A_265 = vector.shape_cast %swap3A_264 : vector<16xf32> to vector<16xf32>
        %swap3A_266 = vector.shape_cast %mul3A_263 : vector<16xf32> to vector<16xf32>
        tpu.vector_store %arg5[%swap3A], %swap3A_266 {strides = array<i32>} : memref<4096xf32, #tpu.memory_space<vmem>>, vector<16xf32>,
        %add3A_267 = arith.constant 1 : i32
        %add3A_268 = arith.addi %mul3A_25, %add3A_267 : i32
        %mul3A_269 = arith.constant 16 : i32
        %mul3A_270 = arith.muli %add3A_268, %mul3A_269 : i32
        %add3A_271 = arith.addi %mul3A_17, %mul3A_270 : i32
        %add3A_272 = vector.broadcast %add3A_271 : i32 to vector<16xi32>
        %add3A_273 = arith.addi %add3A_272, %iota3A : vector<16xi32>
        %add3A_274 = arith.constant 42 : i32
        %add3A_275 = vector.broadcast %add3A_274 : i32 to vector<16xi32>
        %add3A_276 = arith.addi %add3A_273, %add3A_275 : vector<16xi32>
        %shift_left3A_277 = arith.constant 13 : i32
        %shift_left3A_278 = vector.broadcast %shift_left3A_277 : i32 to vector<16xi32>
        %shift_left3A_279 = arith.shli %add3A_276, %shift_left3A_278 : vector<16xi32>
        %shift_right_logical3A_280 = arith.constant 19 : i32
        %shift_right_logical3A_281 = vector.broadcast %shift_right_logical3A_280 : i32 to vector<16xi32>
        %shift_right_logical3A_282 = arith.shrui %add3A_276, %shift_right_logical3A_281 : vector<16xi32>
        %or3A_283 = arith.ori %shift_left3A_279, %shift_right_logical3A_282 : vector<16xi32>
        %xor3A_284 = arith.xori %or3A_283, %add3A_276 : vector<16xi32>
        %add3A_285 = arith.addi %add3A_276, %xor3A_284 : vector<16xi32>
        %shift_left3A_286 = arith.constant 15 : i32
        %shift_left3A_287 = vector.broadcast %shift_left3A_286 : i32 to vector<16xi32>
        %shift_left3A_288 = arith.shli %xor3A_284, %shift_left3A_287 : vector<16xi32>
        %shift_right_logical3A_289 = arith.constant 17 : i32
        %shift_right_logical3A_290 = vector.broadcast %shift_right_logical3A_289 : i32 to vector<16xi32>
        %shift_right_logical3A_291 = arith.shrui %xor3A_284, %shift_right_logical3A_290 : vector<16xi32>
        %or3A_292 = arith.ori %shift_left3A_288, %shift_right_logical3A_291 : vector<16xi32>
        %xor3A_293 = arith.xori %or3A_292, %add3A_285 : vector<16xi32>
        %add3A_294 = arith.addi %add3A_285, %xor3A_293 : vector<16xi32>
        %shift_left3A_295 = arith.constant 26 : i32
        %shift_left3A_296 = vector.broadcast %shift_left3A_295 : i32 to vector<16xi32>
        %shift_left3A_297 = arith.shli %xor3A_293, %shift_left3A_296 : vector<16xi32>
        %shift_right_logical3A_298 = arith.constant 6 : i32
        %shift_right_logical3A_299 = vector.broadcast %shift_right_logical3A_298 : i32 to vector<16xi32>
        %shift_right_logical3A_300 = arith.shrui %xor3A_293, %shift_right_logical3A_299 : vector<16xi32>
        %or3A_301 = arith.ori %shift_left3A_297, %shift_right_logical3A_300 : vector<16xi32>
        %xor3A_302 = arith.xori %or3A_301, %add3A_294 : vector<16xi32>
        %add3A_303 = arith.addi %add3A_294, %xor3A_302 : vector<16xi32>
        %shift_left3A_304 = arith.constant 6 : i32
        %shift_left3A_305 = vector.broadcast %shift_left3A_304 : i32 to vector<16xi32>
        %shift_left3A_306 = arith.shli %xor3A_302, %shift_left3A_305 : vector<16xi32>
        %shift_right_logical3A_307 = arith.constant 26 : i32
        %shift_right_logical3A_308 = vector.broadcast %shift_right_logical3A_307 : i32 to vector<16xi32>
        %shift_right_logical3A_309 = arith.shrui %xor3A_302, %shift_right_logical3A_308 : vector<16xi32>
        %or3A_310 = arith.ori %shift_left3A_306, %shift_right_logical3A_309 : vector<16xi32>
        %xor3A_311 = arith.xori %or3A_310, %add3A_303 : vector<16xi32>
        %add3A_312 = arith.constant 42 : i32
        %add3A_313 = vector.broadcast %add3A_312 : i32 to vector<16xi32>
        %add3A_314 = arith.addi %add3A_303, %add3A_313 : vector<16xi32>
        %add3A_315 = arith.constant 466689008 : i32
        %add3A_316 = vector.broadcast %add3A_315 : i32 to vector<16xi32>
        %add3A_317 = arith.addi %xor3A_311, %add3A_316 : vector<16xi32>
        %add3A_318 = arith.constant 1 : i32
        %add3A_319 = vector.broadcast %add3A_318 : i32 to vector<16xi32>
        %add3A_320 = arith.addi %add3A_317, %add3A_319 : vector<16xi32>
        %add3A_321 = arith.addi %add3A_314, %add3A_320 : vector<16xi32>
        %shift_left3A_322 = arith.constant 17 : i32
        %shift_left3A_323 = vector.broadcast %shift_left3A_322 : i32 to vector<16xi32>
        %shift_left3A_324 = arith.shli %add3A_320, %shift_left3A_323 : vector<16xi32>
        %shift_right_logical3A_325 = arith.constant 15 : i32
        %shift_right_logical3A_326 = vector.broadcast %shift_right_logical3A_325 : i32 to vector<16xi32>
        %shift_right_logical3A_327 = arith.shrui %add3A_320, %shift_right_logical3A_326 : vector<16xi32>
        %or3A_328 = arith.ori %shift_left3A_324, %shift_right_logical3A_327 : vector<16xi32>
        %xor3A_329 = arith.xori %or3A_328, %add3A_321 : vector<16xi32>
        %add3A_330 = arith.addi %add3A_321, %xor3A_329 : vector<16xi32>
        %shift_left3A_331 = arith.constant 29 : i32
        %shift_left3A_332 = vector.broadcast %shift_left3A_331 : i32 to vector<16xi32>
        %shift_left3A_333 = arith.shli %xor3A_329, %shift_left3A_332 : vector<16xi32>
        %shift_right_logical3A_334 = arith.constant 3 : i32
        %shift_right_logical3A_335 = vector.broadcast %shift_right_logical3A_334 : i32 to vector<16xi32>
        %shift_right_logical3A_336 = arith.shrui %xor3A_329, %shift_right_logical3A_335 : vector<16xi32>
        %or3A_337 = arith.ori %shift_left3A_333, %shift_right_logical3A_336 : vector<16xi32>
        %xor3A_338 = arith.xori %or3A_337, %add3A_330 : vector<16xi32>
        %add3A_339 = arith.addi %add3A_330, %xor3A_338 : vector<16xi32>
        %shift_left3A_340 = arith.constant 16 : i32
        %shift_left3A_341 = vector.broadcast %shift_left3A_340 : i32 to vector<16xi32>
        %shift_left3A_342 = arith.shli %xor3A_338, %shift_left3A_341 : vector<16xi32>
        %shift_right_logical3A_343 = arith.constant 16 : i32
        %shift_right_logical3A_344 = vector.broadcast %shift_right_logical3A_343 : i32 to vector<16xi32>
        %shift_right_logical3A_345 = arith.shrui %xor3A_338, %shift_right_logical3A_344 : vector<16xi32>
        %or3A_346 = arith.ori %shift_left3A_342, %shift_right_logical3A_345 : vector<16xi32>
        %xor3A_347 = arith.xori %or3A_346, %add3A_339 : vector<16xi32>
        %add3A_348 = arith.addi %add3A_339, %xor3A_347 : vector<16xi32>
        %shift_left3A_349 = arith.constant 24 : i32
        %shift_left3A_350 = vector.broadcast %shift_left3A_349 : i32 to vector<16xi32>
        %shift_left3A_351 = arith.shli %xor3A_347, %shift_left3A_350 : vector<16xi32>
        %shift_right_logical3A_352 = arith.constant 8 : i32
        %shift_right_logical3A_353 = vector.broadcast %shift_right_logical3A_352 : i32 to vector<16xi32>
        %shift_right_logical3A_354 = arith.shrui %xor3A_347, %shift_right_logical3A_353 : vector<16xi32>
        %or3A_355 = arith.ori %shift_left3A_351, %shift_right_logical3A_354 : vector<16xi32>
        %xor3A_356 = arith.xori %or3A_355, %add3A_348 : vector<16xi32>
        %add3A_357 = arith.constant 466689008 : i32
        %add3A_358 = vector.broadcast %add3A_357 : i32 to vector<16xi32>
        %add3A_359 = arith.addi %add3A_348, %add3A_358 : vector<16xi32>
        %add3A_360 = arith.constant 0 : i32
        %add3A_361 = vector.broadcast %add3A_360 : i32 to vector<16xi32>
        %add3A_362 = arith.addi %xor3A_356, %add3A_361 : vector<16xi32>
        %add3A_363 = arith.constant 2 : i32
        %add3A_364 = vector.broadcast %add3A_363 : i32 to vector<16xi32>
        %add3A_365 = arith.addi %add3A_362, %add3A_364 : vector<16xi32>
        %add3A_366 = arith.addi %add3A_359, %add3A_365 : vector<16xi32>
        %shift_left3A_367 = arith.constant 13 : i32
        %shift_left3A_368 = vector.broadcast %shift_left3A_367 : i32 to vector<16xi32>
        %shift_left3A_369 = arith.shli %add3A_365, %shift_left3A_368 : vector<16xi32>
        %shift_right_logical3A_370 = arith.constant 19 : i32
        %shift_right_logical3A_371 = vector.broadcast %shift_right_logical3A_370 : i32 to vector<16xi32>
        %shift_right_logical3A_372 = arith.shrui %add3A_365, %shift_right_logical3A_371 : vector<16xi32>
        %or3A_373 = arith.ori %shift_left3A_369, %shift_right_logical3A_372 : vector<16xi32>
        %xor3A_374 = arith.xori %or3A_373, %add3A_366 : vector<16xi32>
        %add3A_375 = arith.addi %add3A_366, %xor3A_374 : vector<16xi32>
        %shift_left3A_376 = arith.constant 15 : i32
        %shift_left3A_377 = vector.broadcast %shift_left3A_376 : i32 to vector<16xi32>
        %shift_left3A_378 = arith.shli %xor3A_374, %shift_left3A_377 : vector<16xi32>
        %shift_right_logical3A_379 = arith.constant 17 : i32
        %shift_right_logical3A_380 = vector.broadcast %shift_right_logical3A_379 : i32 to vector<16xi32>
        %shift_right_logical3A_381 = arith.shrui %xor3A_374, %shift_right_logical3A_380 : vector<16xi32>
        %or3A_382 = arith.ori %shift_left3A_378, %shift_right_logical3A_381 : vector<16xi32>
        %xor3A_383 = arith.xori %or3A_382, %add3A_375 : vector<16xi32>
        %add3A_384 = arith.addi %add3A_375, %xor3A_383 : vector<16xi32>
        %shift_left3A_385 = arith.constant 26 : i32
        %shift_left3A_386 = vector.broadcast %shift_left3A_385 : i32 to vector<16xi32>
        %shift_left3A_387 = arith.shli %xor3A_383, %shift_left3A_386 : vector<16xi32>
        %shift_right_logical3A_388 = arith.constant 6 : i32
        %shift_right_logical3A_389 = vector.broadcast %shift_right_logical3A_388 : i32 to vector<16xi32>
        %shift_right_logical3A_390 = arith.shrui %xor3A_383, %shift_right_logical3A_389 : vector<16xi32>
        %or3A_391 = arith.ori %shift_left3A_387, %shift_right_logical3A_390 : vector<16xi32>
        %xor3A_392 = arith.xori %or3A_391, %add3A_384 : vector<16xi32>
        %add3A_393 = arith.addi %add3A_384, %xor3A_392 : vector<16xi32>
        %shift_left3A_394 = arith.constant 6 : i32
        %shift_left3A_395 = vector.broadcast %shift_left3A_394 : i32 to vector<16xi32>
        %shift_left3A_396 = arith.shli %xor3A_392, %shift_left3A_395 : vector<16xi32>
        %shift_right_logical3A_397 = arith.constant 26 : i32
        %shift_right_logical3A_398 = vector.broadcast %shift_right_logical3A_397 : i32 to vector<16xi32>
        %shift_right_logical3A_399 = arith.shrui %xor3A_392, %shift_right_logical3A_398 : vector<16xi32>
        %or3A_400 = arith.ori %shift_left3A_396, %shift_right_logical3A_399 : vector<16xi32>
        %xor3A_401 = arith.xori %or3A_400, %add3A_393 : vector<16xi32>
        %add3A_402 = arith.constant 0 : i32
        %add3A_403 = vector.broadcast %add3A_402 : i32 to vector<16xi32>
        %add3A_404 = arith.addi %add3A_393, %add3A_403 : vector<16xi32>
        %add3A_405 = arith.constant 42 : i32
        %add3A_406 = vector.broadcast %add3A_405 : i32 to vector<16xi32>
        %add3A_407 = arith.addi %xor3A_401, %add3A_406 : vector<16xi32>
        %add3A_408 = arith.constant 3 : i32
        %add3A_409 = vector.broadcast %add3A_408 : i32 to vector<16xi32>
        %add3A_410 = arith.addi %add3A_407, %add3A_409 : vector<16xi32>
        %add3A_411 = arith.addi %add3A_404, %add3A_410 : vector<16xi32>
        %shift_left3A_412 = arith.constant 17 : i32
        %shift_left3A_413 = vector.broadcast %shift_left3A_412 : i32 to vector<16xi32>
        %shift_left3A_414 = arith.shli %add3A_410, %shift_left3A_413 : vector<16xi32>
        %shift_right_logical3A_415 = arith.constant 15 : i32
        %shift_right_logical3A_416 = vector.broadcast %shift_right_logical3A_415 : i32 to vector<16xi32>
        %shift_right_logical3A_417 = arith.shrui %add3A_410, %shift_right_logical3A_416 : vector<16xi32>
        %or3A_418 = arith.ori %shift_left3A_414, %shift_right_logical3A_417 : vector<16xi32>
        %xor3A_419 = arith.xori %or3A_418, %add3A_411 : vector<16xi32>
        %add3A_420 = arith.addi %add3A_411, %xor3A_419 : vector<16xi32>
        %shift_left3A_421 = arith.constant 29 : i32
        %shift_left3A_422 = vector.broadcast %shift_left3A_421 : i32 to vector<16xi32>
        %shift_left3A_423 = arith.shli %xor3A_419, %shift_left3A_422 : vector<16xi32>
        %shift_right_logical3A_424 = arith.constant 3 : i32
        %shift_right_logical3A_425 = vector.broadcast %shift_right_logical3A_424 : i32 to vector<16xi32>
        %shift_right_logical3A_426 = arith.shrui %xor3A_419, %shift_right_logical3A_425 : vector<16xi32>
        %or3A_427 = arith.ori %shift_left3A_423, %shift_right_logical3A_426 : vector<16xi32>
        %xor3A_428 = arith.xori %or3A_427, %add3A_420 : vector<16xi32>
        %add3A_429 = arith.addi %add3A_420, %xor3A_428 : vector<16xi32>
        %shift_left3A_430 = arith.constant 16 : i32
        %shift_left3A_431 = vector.broadcast %shift_left3A_430 : i32 to vector<16xi32>
        %shift_left3A_432 = arith.shli %xor3A_428, %shift_left3A_431 : vector<16xi32>
        %shift_right_logical3A_433 = arith.constant 16 : i32
        %shift_right_logical3A_434 = vector.broadcast %shift_right_logical3A_433 : i32 to vector<16xi32>
        %shift_right_logical3A_435 = arith.shrui %xor3A_428, %shift_right_logical3A_434 : vector<16xi32>
        %or3A_436 = arith.ori %shift_left3A_432, %shift_right_logical3A_435 : vector<16xi32>
        %xor3A_437 = arith.xori %or3A_436, %add3A_429 : vector<16xi32>
        %add3A_438 = arith.addi %add3A_429, %xor3A_437 : vector<16xi32>
        %shift_left3A_439 = arith.constant 24 : i32
        %shift_left3A_440 = vector.broadcast %shift_left3A_439 : i32 to vector<16xi32>
        %shift_left3A_441 = arith.shli %xor3A_437, %shift_left3A_440 : vector<16xi32>
        %shift_right_logical3A_442 = arith.constant 8 : i32
        %shift_right_logical3A_443 = vector.broadcast %shift_right_logical3A_442 : i32 to vector<16xi32>
        %shift_right_logical3A_444 = arith.shrui %xor3A_437, %shift_right_logical3A_443 : vector<16xi32>
        %or3A_445 = arith.ori %shift_left3A_441, %shift_right_logical3A_444 : vector<16xi32>
        %xor3A_446 = arith.xori %or3A_445, %add3A_438 : vector<16xi32>
        %add3A_447 = arith.constant 42 : i32
        %add3A_448 = vector.broadcast %add3A_447 : i32 to vector<16xi32>
        %add3A_449 = arith.addi %add3A_438, %add3A_448 : vector<16xi32>
        %add3A_450 = arith.constant 466689008 : i32
        %add3A_451 = vector.broadcast %add3A_450 : i32 to vector<16xi32>
        %add3A_452 = arith.addi %xor3A_446, %add3A_451 : vector<16xi32>
        %add3A_453 = arith.constant 4 : i32
        %add3A_454 = vector.broadcast %add3A_453 : i32 to vector<16xi32>
        %add3A_455 = arith.addi %add3A_452, %add3A_454 : vector<16xi32>
        %add3A_456 = arith.addi %add3A_449, %add3A_455 : vector<16xi32>
        %shift_left3A_457 = arith.constant 13 : i32
        %shift_left3A_458 = vector.broadcast %shift_left3A_457 : i32 to vector<16xi32>
        %shift_left3A_459 = arith.shli %add3A_455, %shift_left3A_458 : vector<16xi32>
        %shift_right_logical3A_460 = arith.constant 19 : i32
        %shift_right_logical3A_461 = vector.broadcast %shift_right_logical3A_460 : i32 to vector<16xi32>
        %shift_right_logical3A_462 = arith.shrui %add3A_455, %shift_right_logical3A_461 : vector<16xi32>
        %or3A_463 = arith.ori %shift_left3A_459, %shift_right_logical3A_462 : vector<16xi32>
        %xor3A_464 = arith.xori %or3A_463, %add3A_456 : vector<16xi32>
        %add3A_465 = arith.addi %add3A_456, %xor3A_464 : vector<16xi32>
        %shift_left3A_466 = arith.constant 15 : i32
        %shift_left3A_467 = vector.broadcast %shift_left3A_466 : i32 to vector<16xi32>
        %shift_left3A_468 = arith.shli %xor3A_464, %shift_left3A_467 : vector<16xi32>
        %shift_right_logical3A_469 = arith.constant 17 : i32
        %shift_right_logical3A_470 = vector.broadcast %shift_right_logical3A_469 : i32 to vector<16xi32>
        %shift_right_logical3A_471 = arith.shrui %xor3A_464, %shift_right_logical3A_470 : vector<16xi32>
        %or3A_472 = arith.ori %shift_left3A_468, %shift_right_logical3A_471 : vector<16xi32>
        %xor3A_473 = arith.xori %or3A_472, %add3A_465 : vector<16xi32>
        %add3A_474 = arith.addi %add3A_465, %xor3A_473 : vector<16xi32>
        %shift_left3A_475 = arith.constant 26 : i32
        %shift_left3A_476 = vector.broadcast %shift_left3A_475 : i32 to vector<16xi32>
        %shift_left3A_477 = arith.shli %xor3A_473, %shift_left3A_476 : vector<16xi32>
        %shift_right_logical3A_478 = arith.constant 6 : i32
        %shift_right_logical3A_479 = vector.broadcast %shift_right_logical3A_478 : i32 to vector<16xi32>
        %shift_right_logical3A_480 = arith.shrui %xor3A_473, %shift_right_logical3A_479 : vector<16xi32>
        %or3A_481 = arith.ori %shift_left3A_477, %shift_right_logical3A_480 : vector<16xi32>
        %xor3A_482 = arith.xori %or3A_481, %add3A_474 : vector<16xi32>
        %add3A_483 = arith.addi %add3A_474, %xor3A_482 : vector<16xi32>
        %shift_left3A_484 = arith.constant 6 : i32
        %shift_left3A_485 = vector.broadcast %shift_left3A_484 : i32 to vector<16xi32>
        %shift_left3A_486 = arith.shli %xor3A_482, %shift_left3A_485 : vector<16xi32>
        %shift_right_logical3A_487 = arith.constant 26 : i32
        %shift_right_logical3A_488 = vector.broadcast %shift_right_logical3A_487 : i32 to vector<16xi32>
        %shift_right_logical3A_489 = arith.shrui %xor3A_482, %shift_right_logical3A_488 : vector<16xi32>
        %or3A_490 = arith.ori %shift_left3A_486, %shift_right_logical3A_489 : vector<16xi32>
        %xor3A_491 = arith.xori %or3A_490, %add3A_483 : vector<16xi32>
        %add3A_492 = arith.constant 466689008 : i32
        %add3A_493 = vector.broadcast %add3A_492 : i32 to vector<16xi32>
        %add3A_494 = arith.addi %add3A_483, %add3A_493 : vector<16xi32>
        %add3A_495 = arith.constant 0 : i32
        %add3A_496 = vector.broadcast %add3A_495 : i32 to vector<16xi32>
        %add3A_497 = arith.addi %xor3A_491, %add3A_496 : vector<16xi32>
        %add3A_498 = arith.constant 5 : i32
        %add3A_499 = vector.broadcast %add3A_498 : i32 to vector<16xi32>
        %add3A_500 = arith.addi %add3A_497, %add3A_499 : vector<16xi32>
        %xor3A_501 = arith.xori %add3A_494, %add3A_500 : vector<16xi32>
        %lt3A_502 = arith.constant -1288489984 : i32
        %lt3A_503 = vector.broadcast %lt3A_502 : i32 to vector<16xi32>
        %lt3A_504 = arith.cmpi ult, %xor3A_501, %lt3A_503 : vector<16xi32>
        %jit3A_505 = arith.constant 1.42857146 : f32
        %jit3A_506 = arith.constant 0.000000e+00 : f32
        %broadcast_in_dim3A_507 = vector.broadcast %jit3A_505 : f32 to vector<16xf32>
        %broadcast_in_dim3A_508 = vector.broadcast %jit3A_506 : f32 to vector<16xf32>
        %select_n3A_509 = arith.select %lt3A_504, %broadcast_in_dim3A_507, %broadcast_in_dim3A_508 : vector<16xi1>, vector<16xf32>
        %get3A_510 = arith.index_cast %mul3A_270 : i32 to index
        %get3A_511 = tpu.vector_load %arg4[%get3A_510] {strides = array<i32>} : memref<4096xf32, #tpu.memory_space<vmem>>, vector<16xf32>,
        %get3A_512 = vector.shape_cast %get3A_511 : vector<16xf32> to vector<16xf32>
        %mul3A_513 = arith.mulf %get3A_512, %select_n3A_509 : vector<16xf32>
        %swap3A_514 = arith.index_cast %mul3A_270 : i32 to index
        %swap3A_515 = tpu.vector_load %arg5[%swap3A_514] {strides = array<i32>} : memref<4096xf32, #tpu.memory_space<vmem>>, vector<16xf32>,
        %swap3A_516 = vector.shape_cast %swap3A_515 : vector<16xf32> to vector<16xf32>
        %swap3A_517 = vector.shape_cast %mul3A_513 : vector<16xf32> to vector<16xf32>
        tpu.vector_store %arg5[%swap3A_514], %swap3A_517 {strides = array<i32>} : memref<4096xf32, #tpu.memory_space<vmem>>, vector<16xf32>,
        %add3A_518 = arith.constant 2 : i32
        %add3A_519 = arith.addi %mul3A_25, %add3A_518 : i32
        %mul3A_520 = arith.constant 16 : i32
        %mul3A_521 = arith.muli %add3A_519, %mul3A_520 : i32
        %add3A_522 = arith.addi %mul3A_17, %mul3A_521 : i32
        %add3A_523 = vector.broadcast %add3A_522 : i32 to vector<16xi32>
        %add3A_524 = arith.addi %add3A_523, %iota3A : vector<16xi32>
        %add3A_525 = arith.constant 42 : i32
        %add3A_526 = vector.broadcast %add3A_525 : i32 to vector<16xi32>
        %add3A_527 = arith.addi %add3A_524, %add3A_526 : vector<16xi32>
        %shift_left3A_528 = arith.constant 13 : i32
        %shift_left3A_529 = vector.broadcast %shift_left3A_528 : i32 to vector<16xi32>
        %shift_left3A_530 = arith.shli %add3A_527, %shift_left3A_529 : vector<16xi32>
        %shift_right_logical3A_531 = arith.constant 19 : i32
        %shift_right_logical3A_532 = vector.broadcast %shift_right_logical3A_531 : i32 to vector<16xi32>
        %shift_right_logical3A_533 = arith.shrui %add3A_527, %shift_right_logical3A_532 : vector<16xi32>
        %or3A_534 = arith.ori %shift_left3A_530, %shift_right_logical3A_533 : vector<16xi32>
        %xor3A_535 = arith.xori %or3A_534, %add3A_527 : vector<16xi32>
        %add3A_536 = arith.addi %add3A_527, %xor3A_535 : vector<16xi32>
        %shift_left3A_537 = arith.constant 15 : i32
        %shift_left3A_538 = vector.broadcast %shift_left3A_537 : i32 to vector<16xi32>
        %shift_left3A_539 = arith.shli %xor3A_535, %shift_left3A_538 : vector<16xi32>
        %shift_right_logical3A_540 = arith.constant 17 : i32
        %shift_right_logical3A_541 = vector.broadcast %shift_right_logical3A_540 : i32 to vector<16xi32>
        %shift_right_logical3A_542 = arith.shrui %xor3A_535, %shift_right_logical3A_541 : vector<16xi32>
        %or3A_543 = arith.ori %shift_left3A_539, %shift_right_logical3A_542 : vector<16xi32>
        %xor3A_544 = arith.xori %or3A_543, %add3A_536 : vector<16xi32>
        %add3A_545 = arith.addi %add3A_536, %xor3A_544 : vector<16xi32>
        %shift_left3A_546 = arith.constant 26 : i32
        %shift_left3A_547 = vector.broadcast %shift_left3A_546 : i32 to vector<16xi32>
        %shift_left3A_548 = arith.shli %xor3A_544, %shift_left3A_547 : vector<16xi32>
        %shift_right_logical3A_549 = arith.constant 6 : i32
        %shift_right_logical3A_550 = vector.broadcast %shift_right_logical3A_549 : i32 to vector<16xi32>
        %shift_right_logical3A_551 = arith.shrui %xor3A_544, %shift_right_logical3A_550 : vector<16xi32>
        %or3A_552 = arith.ori %shift_left3A_548, %shift_right_logical3A_551 : vector<16xi32>
        %xor3A_553 = arith.xori %or3A_552, %add3A_545 : vector<16xi32>
        %add3A_554 = arith.addi %add3A_545, %xor3A_553 : vector<16xi32>
        %shift_left3A_555 = arith.constant 6 : i32
        %shift_left3A_556 = vector.broadcast %shift_left3A_555 : i32 to vector<16xi32>
        %shift_left3A_557 = arith.shli %xor3A_553, %shift_left3A_556 : vector<16xi32>
        %shift_right_logical3A_558 = arith.constant 26 : i32
        %shift_right_logical3A_559 = vector.broadcast %shift_right_logical3A_558 : i32 to vector<16xi32>
        %shift_right_logical3A_560 = arith.shrui %xor3A_553, %shift_right_logical3A_559 : vector<16xi32>
        %or3A_561 = arith.ori %shift_left3A_557, %shift_right_logical3A_560 : vector<16xi32>
        %xor3A_562 = arith.xori %or3A_561, %add3A_554 : vector<16xi32>
        %add3A_563 = arith.constant 42 : i32
        %add3A_564 = vector.broadcast %add3A_563 : i32 to vector<16xi32>
        %add3A_565 = arith.addi %add3A_554, %add3A_564 : vector<16xi32>
        %add3A_566 = arith.constant 466689008 : i32
        %add3A_567 = vector.broadcast %add3A_566 : i32 to vector<16xi32>
        %add3A_568 = arith.addi %xor3A_562, %add3A_567 : vector<16xi32>
        %add3A_569 = arith.constant 1 : i32
        %add3A_570 = vector.broadcast %add3A_569 : i32 to vector<16xi32>
        %add3A_571 = arith.addi %add3A_568, %add3A_570 : vector<16xi32>
        %add3A_572 = arith.addi %add3A_565, %add3A_571 : vector<16xi32>
        %shift_left3A_573 = arith.constant 17 : i32
        %shift_left3A_574 = vector.broadcast %shift_left3A_573 : i32 to vector<16xi32>
        %shift_left3A_575 = arith.shli %add3A_571, %shift_left3A_574 : vector<16xi32>
        %shift_right_logical3A_576 = arith.constant 15 : i32
        %shift_right_logical3A_577 = vector.broadcast %shift_right_logical3A_576 : i32 to vector<16xi32>
        %shift_right_logical3A_578 = arith.shrui %add3A_571, %shift_right_logical3A_577 : vector<16xi32>
        %or3A_579 = arith.ori %shift_left3A_575, %shift_right_logical3A_578 : vector<16xi32>
        %xor3A_580 = arith.xori %or3A_579, %add3A_572 : vector<16xi32>
        %add3A_581 = arith.addi %add3A_572, %xor3A_580 : vector<16xi32>
        %shift_left3A_582 = arith.constant 29 : i32
        %shift_left3A_583 = vector.broadcast %shift_left3A_582 : i32 to vector<16xi32>
        %shift_left3A_584 = arith.shli %xor3A_580, %shift_left3A_583 : vector<16xi32>
        %shift_right_logical3A_585 = arith.constant 3 : i32
        %shift_right_logical3A_586 = vector.broadcast %shift_right_logical3A_585 : i32 to vector<16xi32>
        %shift_right_logical3A_587 = arith.shrui %xor3A_580, %shift_right_logical3A_586 : vector<16xi32>
        %or3A_588 = arith.ori %shift_left3A_584, %shift_right_logical3A_587 : vector<16xi32>
        %xor3A_589 = arith.xori %or3A_588, %add3A_581 : vector<16xi32>
        %add3A_590 = arith.addi %add3A_581, %xor3A_589 : vector<16xi32>
        %shift_left3A_591 = arith.constant 16 : i32
        %shift_left3A_592 = vector.broadcast %shift_left3A_591 : i32 to vector<16xi32>
        %shift_left3A_593 = arith.shli %xor3A_589, %shift_left3A_592 : vector<16xi32>
        %shift_right_logical3A_594 = arith.constant 16 : i32
        %shift_right_logical3A_595 = vector.broadcast %shift_right_logical3A_594 : i32 to vector<16xi32>
        %shift_right_logical3A_596 = arith.shrui %xor3A_589, %shift_right_logical3A_595 : vector<16xi32>
        %or3A_597 = arith.ori %shift_left3A_593, %shift_right_logical3A_596 : vector<16xi32>
        %xor3A_598 = arith.xori %or3A_597, %add3A_590 : vector<16xi32>
        %add3A_599 = arith.addi %add3A_590, %xor3A_598 : vector<16xi32>
        %shift_left3A_600 = arith.constant 24 : i32
        %shift_left3A_601 = vector.broadcast %shift_left3A_600 : i32 to vector<16xi32>
        %shift_left3A_602 = arith.shli %xor3A_598, %shift_left3A_601 : vector<16xi32>
        %shift_right_logical3A_603 = arith.constant 8 : i32
        %shift_right_logical3A_604 = vector.broadcast %shift_right_logical3A_603 : i32 to vector<16xi32>
        %shift_right_logical3A_605 = arith.shrui %xor3A_598, %shift_right_logical3A_604 : vector<16xi32>
        %or3A_606 = arith.ori %shift_left3A_602, %shift_right_logical3A_605 : vector<16xi32>
        %xor3A_607 = arith.xori %or3A_606, %add3A_599 : vector<16xi32>
        %add3A_608 = arith.constant 466689008 : i32
        %add3A_609 = vector.broadcast %add3A_608 : i32 to vector<16xi32>
        %add3A_610 = arith.addi %add3A_599, %add3A_609 : vector<16xi32>
        %add3A_611 = arith.constant 0 : i32
        %add3A_612 = vector.broadcast %add3A_611 : i32 to vector<16xi32>
        %add3A_613 = arith.addi %xor3A_607, %add3A_612 : vector<16xi32>
        %add3A_614 = arith.constant 2 : i32
        %add3A_615 = vector.broadcast %add3A_614 : i32 to vector<16xi32>
        %add3A_616 = arith.addi %add3A_613, %add3A_615 : vector<16xi32>
        %add3A_617 = arith.addi %add3A_610, %add3A_616 : vector<16xi32>
        %shift_left3A_618 = arith.constant 13 : i32
        %shift_left3A_619 = vector.broadcast %shift_left3A_618 : i32 to vector<16xi32>
        %shift_left3A_620 = arith.shli %add3A_616, %shift_left3A_619 : vector<16xi32>
        %shift_right_logical3A_621 = arith.constant 19 : i32
        %shift_right_logical3A_622 = vector.broadcast %shift_right_logical3A_621 : i32 to vector<16xi32>
        %shift_right_logical3A_623 = arith.shrui %add3A_616, %shift_right_logical3A_622 : vector<16xi32>
        %or3A_624 = arith.ori %shift_left3A_620, %shift_right_logical3A_623 : vector<16xi32>
        %xor3A_625 = arith.xori %or3A_624, %add3A_617 : vector<16xi32>
        %add3A_626 = arith.addi %add3A_617, %xor3A_625 : vector<16xi32>
        %shift_left3A_627 = arith.constant 15 : i32
        %shift_left3A_628 = vector.broadcast %shift_left3A_627 : i32 to vector<16xi32>
        %shift_left3A_629 = arith.shli %xor3A_625, %shift_left3A_628 : vector<16xi32>
        %shift_right_logical3A_630 = arith.constant 17 : i32
        %shift_right_logical3A_631 = vector.broadcast %shift_right_logical3A_630 : i32 to vector<16xi32>
        %shift_right_logical3A_632 = arith.shrui %xor3A_625, %shift_right_logical3A_631 : vector<16xi32>
        %or3A_633 = arith.ori %shift_left3A_629, %shift_right_logical3A_632 : vector<16xi32>
        %xor3A_634 = arith.xori %or3A_633, %add3A_626 : vector<16xi32>
        %add3A_635 = arith.addi %add3A_626, %xor3A_634 : vector<16xi32>
        %shift_left3A_636 = arith.constant 26 : i32
        %shift_left3A_637 = vector.broadcast %shift_left3A_636 : i32 to vector<16xi32>
        %shift_left3A_638 = arith.shli %xor3A_634, %shift_left3A_637 : vector<16xi32>
        %shift_right_logical3A_639 = arith.constant 6 : i32
        %shift_right_logical3A_640 = vector.broadcast %shift_right_logical3A_639 : i32 to vector<16xi32>
        %shift_right_logical3A_641 = arith.shrui %xor3A_634, %shift_right_logical3A_640 : vector<16xi32>
        %or3A_642 = arith.ori %shift_left3A_638, %shift_right_logical3A_641 : vector<16xi32>
        %xor3A_643 = arith.xori %or3A_642, %add3A_635 : vector<16xi32>
        %add3A_644 = arith.addi %add3A_635, %xor3A_643 : vector<16xi32>
        %shift_left3A_645 = arith.constant 6 : i32
        %shift_left3A_646 = vector.broadcast %shift_left3A_645 : i32 to vector<16xi32>
        %shift_left3A_647 = arith.shli %xor3A_643, %shift_left3A_646 : vector<16xi32>
        %shift_right_logical3A_648 = arith.constant 26 : i32
        %shift_right_logical3A_649 = vector.broadcast %shift_right_logical3A_648 : i32 to vector<16xi32>
        %shift_right_logical3A_650 = arith.shrui %xor3A_643, %shift_right_logical3A_649 : vector<16xi32>
        %or3A_651 = arith.ori %shift_left3A_647, %shift_right_logical3A_650 : vector<16xi32>
        %xor3A_652 = arith.xori %or3A_651, %add3A_644 : vector<16xi32>
        %add3A_653 = arith.constant 0 : i32
        %add3A_654 = vector.broadcast %add3A_653 : i32 to vector<16xi32>
        %add3A_655 = arith.addi %add3A_644, %add3A_654 : vector<16xi32>
        %add3A_656 = arith.constant 42 : i32
        %add3A_657 = vector.broadcast %add3A_656 : i32 to vector<16xi32>
        %add3A_658 = arith.addi %xor3A_652, %add3A_657 : vector<16xi32>
        %add3A_659 = arith.constant 3 : i32
        %add3A_660 = vector.broadcast %add3A_659 : i32 to vector<16xi32>
        %add3A_661 = arith.addi %add3A_658, %add3A_660 : vector<16xi32>
        %add3A_662 = arith.addi %add3A_655, %add3A_661 : vector<16xi32>
        %shift_left3A_663 = arith.constant 17 : i32
        %shift_left3A_664 = vector.broadcast %shift_left3A_663 : i32 to vector<16xi32>
        %shift_left3A_665 = arith.shli %add3A_661, %shift_left3A_664 : vector<16xi32>
        %shift_right_logical3A_666 = arith.constant 15 : i32
        %shift_right_logical3A_667 = vector.broadcast %shift_right_logical3A_666 : i32 to vector<16xi32>
        %shift_right_logical3A_668 = arith.shrui %add3A_661, %shift_right_logical3A_667 : vector<16xi32>
        %or3A_669 = arith.ori %shift_left3A_665, %shift_right_logical3A_668 : vector<16xi32>
        %xor3A_670 = arith.xori %or3A_669, %add3A_662 : vector<16xi32>
        %add3A_671 = arith.addi %add3A_662, %xor3A_670 : vector<16xi32>
        %shift_left3A_672 = arith.constant 29 : i32
        %shift_left3A_673 = vector.broadcast %shift_left3A_672 : i32 to vector<16xi32>
        %shift_left3A_674 = arith.shli %xor3A_670, %shift_left3A_673 : vector<16xi32>
        %shift_right_logical3A_675 = arith.constant 3 : i32
        %shift_right_logical3A_676 = vector.broadcast %shift_right_logical3A_675 : i32 to vector<16xi32>
        %shift_right_logical3A_677 = arith.shrui %xor3A_670, %shift_right_logical3A_676 : vector<16xi32>
        %or3A_678 = arith.ori %shift_left3A_674, %shift_right_logical3A_677 : vector<16xi32>
        %xor3A_679 = arith.xori %or3A_678, %add3A_671 : vector<16xi32>
        %add3A_680 = arith.addi %add3A_671, %xor3A_679 : vector<16xi32>
        %shift_left3A_681 = arith.constant 16 : i32
        %shift_left3A_682 = vector.broadcast %shift_left3A_681 : i32 to vector<16xi32>
        %shift_left3A_683 = arith.shli %xor3A_679, %shift_left3A_682 : vector<16xi32>
        %shift_right_logical3A_684 = arith.constant 16 : i32
        %shift_right_logical3A_685 = vector.broadcast %shift_right_logical3A_684 : i32 to vector<16xi32>
        %shift_right_logical3A_686 = arith.shrui %xor3A_679, %shift_right_logical3A_685 : vector<16xi32>
        %or3A_687 = arith.ori %shift_left3A_683, %shift_right_logical3A_686 : vector<16xi32>
        %xor3A_688 = arith.xori %or3A_687, %add3A_680 : vector<16xi32>
        %add3A_689 = arith.addi %add3A_680, %xor3A_688 : vector<16xi32>
        %shift_left3A_690 = arith.constant 24 : i32
        %shift_left3A_691 = vector.broadcast %shift_left3A_690 : i32 to vector<16xi32>
        %shift_left3A_692 = arith.shli %xor3A_688, %shift_left3A_691 : vector<16xi32>
        %shift_right_logical3A_693 = arith.constant 8 : i32
        %shift_right_logical3A_694 = vector.broadcast %shift_right_logical3A_693 : i32 to vector<16xi32>
        %shift_right_logical3A_695 = arith.shrui %xor3A_688, %shift_right_logical3A_694 : vector<16xi32>
        %or3A_696 = arith.ori %shift_left3A_692, %shift_right_logical3A_695 : vector<16xi32>
        %xor3A_697 = arith.xori %or3A_696, %add3A_689 : vector<16xi32>
        %add3A_698 = arith.constant 42 : i32
        %add3A_699 = vector.broadcast %add3A_698 : i32 to vector<16xi32>
        %add3A_700 = arith.addi %add3A_689, %add3A_699 : vector<16xi32>
        %add3A_701 = arith.constant 466689008 : i32
        %add3A_702 = vector.broadcast %add3A_701 : i32 to vector<16xi32>
        %add3A_703 = arith.addi %xor3A_697, %add3A_702 : vector<16xi32>
        %add3A_704 = arith.constant 4 : i32
        %add3A_705 = vector.broadcast %add3A_704 : i32 to vector<16xi32>
        %add3A_706 = arith.addi %add3A_703, %add3A_705 : vector<16xi32>
        %add3A_707 = arith.addi %add3A_700, %add3A_706 : vector<16xi32>
        %shift_left3A_708 = arith.constant 13 : i32
        %shift_left3A_709 = vector.broadcast %shift_left3A_708 : i32 to vector<16xi32>
        %shift_left3A_710 = arith.shli %add3A_706, %shift_left3A_709 : vector<16xi32>
        %shift_right_logical3A_711 = arith.constant 19 : i32
        %shift_right_logical3A_712 = vector.broadcast %shift_right_logical3A_711 : i32 to vector<16xi32>
        %shift_right_logical3A_713 = arith.shrui %add3A_706, %shift_right_logical3A_712 : vector<16xi32>
        %or3A_714 = arith.ori %shift_left3A_710, %shift_right_logical3A_713 : vector<16xi32>
        %xor3A_715 = arith.xori %or3A_714, %add3A_707 : vector<16xi32>
        %add3A_716 = arith.addi %add3A_707, %xor3A_715 : vector<16xi32>
        %shift_left3A_717 = arith.constant 15 : i32
        %shift_left3A_718 = vector.broadcast %shift_left3A_717 : i32 to vector<16xi32>
        %shift_left3A_719 = arith.shli %xor3A_715, %shift_left3A_718 : vector<16xi32>
        %shift_right_logical3A_720 = arith.constant 17 : i32
        %shift_right_logical3A_721 = vector.broadcast %shift_right_logical3A_720 : i32 to vector<16xi32>
        %shift_right_logical3A_722 = arith.shrui %xor3A_715, %shift_right_logical3A_721 : vector<16xi32>
        %or3A_723 = arith.ori %shift_left3A_719, %shift_right_logical3A_722 : vector<16xi32>
        %xor3A_724 = arith.xori %or3A_723, %add3A_716 : vector<16xi32>
        %add3A_725 = arith.addi %add3A_716, %xor3A_724 : vector<16xi32>
        %shift_left3A_726 = arith.constant 26 : i32
        %shift_left3A_727 = vector.broadcast %shift_left3A_726 : i32 to vector<16xi32>
        %shift_left3A_728 = arith.shli %xor3A_724, %shift_left3A_727 : vector<16xi32>
        %shift_right_logical3A_729 = arith.constant 6 : i32
        %shift_right_logical3A_730 = vector.broadcast %shift_right_logical3A_729 : i32 to vector<16xi32>
        %shift_right_logical3A_731 = arith.shrui %xor3A_724, %shift_right_logical3A_730 : vector<16xi32>
        %or3A_732 = arith.ori %shift_left3A_728, %shift_right_logical3A_731 : vector<16xi32>
        %xor3A_733 = arith.xori %or3A_732, %add3A_725 : vector<16xi32>
        %add3A_734 = arith.addi %add3A_725, %xor3A_733 : vector<16xi32>
        %shift_left3A_735 = arith.constant 6 : i32
        %shift_left3A_736 = vector.broadcast %shift_left3A_735 : i32 to vector<16xi32>
        %shift_left3A_737 = arith.shli %xor3A_733, %shift_left3A_736 : vector<16xi32>
        %shift_right_logical3A_738 = arith.constant 26 : i32
        %shift_right_logical3A_739 = vector.broadcast %shift_right_logical3A_738 : i32 to vector<16xi32>
        %shift_right_logical3A_740 = arith.shrui %xor3A_733, %shift_right_logical3A_739 : vector<16xi32>
        %or3A_741 = arith.ori %shift_left3A_737, %shift_right_logical3A_740 : vector<16xi32>
        %xor3A_742 = arith.xori %or3A_741, %add3A_734 : vector<16xi32>
        %add3A_743 = arith.constant 466689008 : i32
        %add3A_744 = vector.broadcast %add3A_743 : i32 to vector<16xi32>
        %add3A_745 = arith.addi %add3A_734, %add3A_744 : vector<16xi32>
        %add3A_746 = arith.constant 0 : i32
        %add3A_747 = vector.broadcast %add3A_746 : i32 to vector<16xi32>
        %add3A_748 = arith.addi %xor3A_742, %add3A_747 : vector<16xi32>
        %add3A_749 = arith.constant 5 : i32
        %add3A_750 = vector.broadcast %add3A_749 : i32 to vector<16xi32>
        %add3A_751 = arith.addi %add3A_748, %add3A_750 : vector<16xi32>
        %xor3A_752 = arith.xori %add3A_745, %add3A_751 : vector<16xi32>
        %lt3A_753 = arith.constant -1288489984 : i32
        %lt3A_754 = vector.broadcast %lt3A_753 : i32 to vector<16xi32>
        %lt3A_755 = arith.cmpi ult, %xor3A_752, %lt3A_754 : vector<16xi32>
        %jit3A_756 = arith.constant 1.42857146 : f32
        %jit3A_757 = arith.constant 0.000000e+00 : f32
        %broadcast_in_dim3A_758 = vector.broadcast %jit3A_756 : f32 to vector<16xf32>
        %broadcast_in_dim3A_759 = vector.broadcast %jit3A_757 : f32 to vector<16xf32>
        %select_n3A_760 = arith.select %lt3A_755, %broadcast_in_dim3A_758, %broadcast_in_dim3A_759 : vector<16xi1>, vector<16xf32>
        %get3A_761 = arith.index_cast %mul3A_521 : i32 to index
        %get3A_762 = tpu.vector_load %arg4[%get3A_761] {strides = array<i32>} : memref<4096xf32, #tpu.memory_space<vmem>>, vector<16xf32>,
        %get3A_763 = vector.shape_cast %get3A_762 : vector<16xf32> to vector<16xf32>
        %mul3A_764 = arith.mulf %get3A_763, %select_n3A_760 : vector<16xf32>
        %swap3A_765 = arith.index_cast %mul3A_521 : i32 to index
        %swap3A_766 = tpu.vector_load %arg5[%swap3A_765] {strides = array<i32>} : memref<4096xf32, #tpu.memory_space<vmem>>, vector<16xf32>,
        %swap3A_767 = vector.shape_cast %swap3A_766 : vector<16xf32> to vector<16xf32>
        %swap3A_768 = vector.shape_cast %mul3A_764 : vector<16xf32> to vector<16xf32>
        tpu.vector_store %arg5[%swap3A_765], %swap3A_768 {strides = array<i32>} : memref<4096xf32, #tpu.memory_space<vmem>>, vector<16xf32>,
        %add3A_769 = arith.constant 3 : i32
        %add3A_770 = arith.addi %mul3A_25, %add3A_769 : i32
        %mul3A_771 = arith.constant 16 : i32
        %mul3A_772 = arith.muli %add3A_770, %mul3A_771 : i32
        %add3A_773 = arith.addi %mul3A_17, %mul3A_772 : i32
        %add3A_774 = vector.broadcast %add3A_773 : i32 to vector<16xi32>
        %add3A_775 = arith.addi %add3A_774, %iota3A : vector<16xi32>
        %add3A_776 = arith.constant 42 : i32
        %add3A_777 = vector.broadcast %add3A_776 : i32 to vector<16xi32>
        %add3A_778 = arith.addi %add3A_775, %add3A_777 : vector<16xi32>
        %shift_left3A_779 = arith.constant 13 : i32
        %shift_left3A_780 = vector.broadcast %shift_left3A_779 : i32 to vector<16xi32>
        %shift_left3A_781 = arith.shli %add3A_778, %shift_left3A_780 : vector<16xi32>
        %shift_right_logical3A_782 = arith.constant 19 : i32
        %shift_right_logical3A_783 = vector.broadcast %shift_right_logical3A_782 : i32 to vector<16xi32>
        %shift_right_logical3A_784 = arith.shrui %add3A_778, %shift_right_logical3A_783 : vector<16xi32>
        %or3A_785 = arith.ori %shift_left3A_781, %shift_right_logical3A_784 : vector<16xi32>
        %xor3A_786 = arith.xori %or3A_785, %add3A_778 : vector<16xi32>
        %add3A_787 = arith.addi %add3A_778, %xor3A_786 : vector<16xi32>
        %shift_left3A_788 = arith.constant 15 : i32
        %shift_left3A_789 = vector.broadcast %shift_left3A_788 : i32 to vector<16xi32>
        %shift_left3A_790 = arith.shli %xor3A_786, %shift_left3A_789 : vector<16xi32>
        %shift_right_logical3A_791 = arith.constant 17 : i32
        %shift_right_logical3A_792 = vector.broadcast %shift_right_logical3A_791 : i32 to vector<16xi32>
        %shift_right_logical3A_793 = arith.shrui %xor3A_786, %shift_right_logical3A_792 : vector<16xi32>
        %or3A_794 = arith.ori %shift_left3A_790, %shift_right_logical3A_793 : vector<16xi32>
        %xor3A_795 = arith.xori %or3A_794, %add3A_787 : vector<16xi32>
        %add3A_796 = arith.addi %add3A_787, %xor3A_795 : vector<16xi32>
        %shift_left3A_797 = arith.constant 26 : i32
        %shift_left3A_798 = vector.broadcast %shift_left3A_797 : i32 to vector<16xi32>
        %shift_left3A_799 = arith.shli %xor3A_795, %shift_left3A_798 : vector<16xi32>
        %shift_right_logical3A_800 = arith.constant 6 : i32
        %shift_right_logical3A_801 = vector.broadcast %shift_right_logical3A_800 : i32 to vector<16xi32>
        %shift_right_logical3A_802 = arith.shrui %xor3A_795, %shift_right_logical3A_801 : vector<16xi32>
        %or3A_803 = arith.ori %shift_left3A_799, %shift_right_logical3A_802 : vector<16xi32>
        %xor3A_804 = arith.xori %or3A_803, %add3A_796 : vector<16xi32>
        %add3A_805 = arith.addi %add3A_796, %xor3A_804 : vector<16xi32>
        %shift_left3A_806 = arith.constant 6 : i32
        %shift_left3A_807 = vector.broadcast %shift_left3A_806 : i32 to vector<16xi32>
        %shift_left3A_808 = arith.shli %xor3A_804, %shift_left3A_807 : vector<16xi32>
        %shift_right_logical3A_809 = arith.constant 26 : i32
        %shift_right_logical3A_810 = vector.broadcast %shift_right_logical3A_809 : i32 to vector<16xi32>
        %shift_right_logical3A_811 = arith.shrui %xor3A_804, %shift_right_logical3A_810 : vector<16xi32>
        %or3A_812 = arith.ori %shift_left3A_808, %shift_right_logical3A_811 : vector<16xi32>
        %xor3A_813 = arith.xori %or3A_812, %add3A_805 : vector<16xi32>
        %add3A_814 = arith.constant 42 : i32
        %add3A_815 = vector.broadcast %add3A_814 : i32 to vector<16xi32>
        %add3A_816 = arith.addi %add3A_805, %add3A_815 : vector<16xi32>
        %add3A_817 = arith.constant 466689008 : i32
        %add3A_818 = vector.broadcast %add3A_817 : i32 to vector<16xi32>
        %add3A_819 = arith.addi %xor3A_813, %add3A_818 : vector<16xi32>
        %add3A_820 = arith.constant 1 : i32
        %add3A_821 = vector.broadcast %add3A_820 : i32 to vector<16xi32>
        %add3A_822 = arith.addi %add3A_819, %add3A_821 : vector<16xi32>
        %add3A_823 = arith.addi %add3A_816, %add3A_822 : vector<16xi32>
        %shift_left3A_824 = arith.constant 17 : i32
        %shift_left3A_825 = vector.broadcast %shift_left3A_824 : i32 to vector<16xi32>
        %shift_left3A_826 = arith.shli %add3A_822, %shift_left3A_825 : vector<16xi32>
        %shift_right_logical3A_827 = arith.constant 15 : i32
        %shift_right_logical3A_828 = vector.broadcast %shift_right_logical3A_827 : i32 to vector<16xi32>
        %shift_right_logical3A_829 = arith.shrui %add3A_822, %shift_right_logical3A_828 : vector<16xi32>
        %or3A_830 = arith.ori %shift_left3A_826, %shift_right_logical3A_829 : vector<16xi32>
        %xor3A_831 = arith.xori %or3A_830, %add3A_823 : vector<16xi32>
        %add3A_832 = arith.addi %add3A_823, %xor3A_831 : vector<16xi32>
        %shift_left3A_833 = arith.constant 29 : i32
        %shift_left3A_834 = vector.broadcast %shift_left3A_833 : i32 to vector<16xi32>
        %shift_left3A_835 = arith.shli %xor3A_831, %shift_left3A_834 : vector<16xi32>
        %shift_right_logical3A_836 = arith.constant 3 : i32
        %shift_right_logical3A_837 = vector.broadcast %shift_right_logical3A_836 : i32 to vector<16xi32>
        %shift_right_logical3A_838 = arith.shrui %xor3A_831, %shift_right_logical3A_837 : vector<16xi32>
        %or3A_839 = arith.ori %shift_left3A_835, %shift_right_logical3A_838 : vector<16xi32>
        %xor3A_840 = arith.xori %or3A_839, %add3A_832 : vector<16xi32>
        %add3A_841 = arith.addi %add3A_832, %xor3A_840 : vector<16xi32>
        %shift_left3A_842 = arith.constant 16 : i32
        %shift_left3A_843 = vector.broadcast %shift_left3A_842 : i32 to vector<16xi32>
        %shift_left3A_844 = arith.shli %xor3A_840, %shift_left3A_843 : vector<16xi32>
        %shift_right_logical3A_845 = arith.constant 16 : i32
        %shift_right_logical3A_846 = vector.broadcast %shift_right_logical3A_845 : i32 to vector<16xi32>
        %shift_right_logical3A_847 = arith.shrui %xor3A_840, %shift_right_logical3A_846 : vector<16xi32>
        %or3A_848 = arith.ori %shift_left3A_844, %shift_right_logical3A_847 : vector<16xi32>
        %xor3A_849 = arith.xori %or3A_848, %add3A_841 : vector<16xi32>
        %add3A_850 = arith.addi %add3A_841, %xor3A_849 : vector<16xi32>
        %shift_left3A_851 = arith.constant 24 : i32
        %shift_left3A_852 = vector.broadcast %shift_left3A_851 : i32 to vector<16xi32>
        %shift_left3A_853 = arith.shli %xor3A_849, %shift_left3A_852 : vector<16xi32>
        %shift_right_logical3A_854 = arith.constant 8 : i32
        %shift_right_logical3A_855 = vector.broadcast %shift_right_logical3A_854 : i32 to vector<16xi32>
        %shift_right_logical3A_856 = arith.shrui %xor3A_849, %shift_right_logical3A_855 : vector<16xi32>
        %or3A_857 = arith.ori %shift_left3A_853, %shift_right_logical3A_856 : vector<16xi32>
        %xor3A_858 = arith.xori %or3A_857, %add3A_850 : vector<16xi32>
        %add3A_859 = arith.constant 466689008 : i32
        %add3A_860 = vector.broadcast %add3A_859 : i32 to vector<16xi32>
        %add3A_861 = arith.addi %add3A_850, %add3A_860 : vector<16xi32>
        %add3A_862 = arith.constant 0 : i32
        %add3A_863 = vector.broadcast %add3A_862 : i32 to vector<16xi32>
        %add3A_864 = arith.addi %xor3A_858, %add3A_863 : vector<16xi32>
        %add3A_865 = arith.constant 2 : i32
        %add3A_866 = vector.broadcast %add3A_865 : i32 to vector<16xi32>
        %add3A_867 = arith.addi %add3A_864, %add3A_866 : vector<16xi32>
        %add3A_868 = arith.addi %add3A_861, %add3A_867 : vector<16xi32>
        %shift_left3A_869 = arith.constant 13 : i32
        %shift_left3A_870 = vector.broadcast %shift_left3A_869 : i32 to vector<16xi32>
        %shift_left3A_871 = arith.shli %add3A_867, %shift_left3A_870 : vector<16xi32>
        %shift_right_logical3A_872 = arith.constant 19 : i32
        %shift_right_logical3A_873 = vector.broadcast %shift_right_logical3A_872 : i32 to vector<16xi32>
        %shift_right_logical3A_874 = arith.shrui %add3A_867, %shift_right_logical3A_873 : vector<16xi32>
        %or3A_875 = arith.ori %shift_left3A_871, %shift_right_logical3A_874 : vector<16xi32>
        %xor3A_876 = arith.xori %or3A_875, %add3A_868 : vector<16xi32>
        %add3A_877 = arith.addi %add3A_868, %xor3A_876 : vector<16xi32>
        %shift_left3A_878 = arith.constant 15 : i32
        %shift_left3A_879 = vector.broadcast %shift_left3A_878 : i32 to vector<16xi32>
        %shift_left3A_880 = arith.shli %xor3A_876, %shift_left3A_879 : vector<16xi32>
        %shift_right_logical3A_881 = arith.constant 17 : i32
        %shift_right_logical3A_882 = vector.broadcast %shift_right_logical3A_881 : i32 to vector<16xi32>
        %shift_right_logical3A_883 = arith.shrui %xor3A_876, %shift_right_logical3A_882 : vector<16xi32>
        %or3A_884 = arith.ori %shift_left3A_880, %shift_right_logical3A_883 : vector<16xi32>
        %xor3A_885 = arith.xori %or3A_884, %add3A_877 : vector<16xi32>
        %add3A_886 = arith.addi %add3A_877, %xor3A_885 : vector<16xi32>
        %shift_left3A_887 = arith.constant 26 : i32
        %shift_left3A_888 = vector.broadcast %shift_left3A_887 : i32 to vector<16xi32>
        %shift_left3A_889 = arith.shli %xor3A_885, %shift_left3A_888 : vector<16xi32>
        %shift_right_logical3A_890 = arith.constant 6 : i32
        %shift_right_logical3A_891 = vector.broadcast %shift_right_logical3A_890 : i32 to vector<16xi32>
        %shift_right_logical3A_892 = arith.shrui %xor3A_885, %shift_right_logical3A_891 : vector<16xi32>
        %or3A_893 = arith.ori %shift_left3A_889, %shift_right_logical3A_892 : vector<16xi32>
        %xor3A_894 = arith.xori %or3A_893, %add3A_886 : vector<16xi32>
        %add3A_895 = arith.addi %add3A_886, %xor3A_894 : vector<16xi32>
        %shift_left3A_896 = arith.constant 6 : i32
        %shift_left3A_897 = vector.broadcast %shift_left3A_896 : i32 to vector<16xi32>
        %shift_left3A_898 = arith.shli %xor3A_894, %shift_left3A_897 : vector<16xi32>
        %shift_right_logical3A_899 = arith.constant 26 : i32
        %shift_right_logical3A_900 = vector.broadcast %shift_right_logical3A_899 : i32 to vector<16xi32>
        %shift_right_logical3A_901 = arith.shrui %xor3A_894, %shift_right_logical3A_900 : vector<16xi32>
        %or3A_902 = arith.ori %shift_left3A_898, %shift_right_logical3A_901 : vector<16xi32>
        %xor3A_903 = arith.xori %or3A_902, %add3A_895 : vector<16xi32>
        %add3A_904 = arith.constant 0 : i32
        %add3A_905 = vector.broadcast %add3A_904 : i32 to vector<16xi32>
        %add3A_906 = arith.addi %add3A_895, %add3A_905 : vector<16xi32>
        %add3A_907 = arith.constant 42 : i32
        %add3A_908 = vector.broadcast %add3A_907 : i32 to vector<16xi32>
        %add3A_909 = arith.addi %xor3A_903, %add3A_908 : vector<16xi32>
        %add3A_910 = arith.constant 3 : i32
        %add3A_911 = vector.broadcast %add3A_910 : i32 to vector<16xi32>
        %add3A_912 = arith.addi %add3A_909, %add3A_911 : vector<16xi32>
        %add3A_913 = arith.addi %add3A_906, %add3A_912 : vector<16xi32>
        %shift_left3A_914 = arith.constant 17 : i32
        %shift_left3A_915 = vector.broadcast %shift_left3A_914 : i32 to vector<16xi32>
        %shift_left3A_916 = arith.shli %add3A_912, %shift_left3A_915 : vector<16xi32>
        %shift_right_logical3A_917 = arith.constant 15 : i32
        %shift_right_logical3A_918 = vector.broadcast %shift_right_logical3A_917 : i32 to vector<16xi32>
        %shift_right_logical3A_919 = arith.shrui %add3A_912, %shift_right_logical3A_918 : vector<16xi32>
        %or3A_920 = arith.ori %shift_left3A_916, %shift_right_logical3A_919 : vector<16xi32>
        %xor3A_921 = arith.xori %or3A_920, %add3A_913 : vector<16xi32>
        %add3A_922 = arith.addi %add3A_913, %xor3A_921 : vector<16xi32>
        %shift_left3A_923 = arith.constant 29 : i32
        %shift_left3A_924 = vector.broadcast %shift_left3A_923 : i32 to vector<16xi32>
        %shift_left3A_925 = arith.shli %xor3A_921, %shift_left3A_924 : vector<16xi32>
        %shift_right_logical3A_926 = arith.constant 3 : i32
        %shift_right_logical3A_927 = vector.broadcast %shift_right_logical3A_926 : i32 to vector<16xi32>
        %shift_right_logical3A_928 = arith.shrui %xor3A_921, %shift_right_logical3A_927 : vector<16xi32>
        %or3A_929 = arith.ori %shift_left3A_925, %shift_right_logical3A_928 : vector<16xi32>
        %xor3A_930 = arith.xori %or3A_929, %add3A_922 : vector<16xi32>
        %add3A_931 = arith.addi %add3A_922, %xor3A_930 : vector<16xi32>
        %shift_left3A_932 = arith.constant 16 : i32
        %shift_left3A_933 = vector.broadcast %shift_left3A_932 : i32 to vector<16xi32>
        %shift_left3A_934 = arith.shli %xor3A_930, %shift_left3A_933 : vector<16xi32>
        %shift_right_logical3A_935 = arith.constant 16 : i32
        %shift_right_logical3A_936 = vector.broadcast %shift_right_logical3A_935 : i32 to vector<16xi32>
        %shift_right_logical3A_937 = arith.shrui %xor3A_930, %shift_right_logical3A_936 : vector<16xi32>
        %or3A_938 = arith.ori %shift_left3A_934, %shift_right_logical3A_937 : vector<16xi32>
        %xor3A_939 = arith.xori %or3A_938, %add3A_931 : vector<16xi32>
        %add3A_940 = arith.addi %add3A_931, %xor3A_939 : vector<16xi32>
        %shift_left3A_941 = arith.constant 24 : i32
        %shift_left3A_942 = vector.broadcast %shift_left3A_941 : i32 to vector<16xi32>
        %shift_left3A_943 = arith.shli %xor3A_939, %shift_left3A_942 : vector<16xi32>
        %shift_right_logical3A_944 = arith.constant 8 : i32
        %shift_right_logical3A_945 = vector.broadcast %shift_right_logical3A_944 : i32 to vector<16xi32>
        %shift_right_logical3A_946 = arith.shrui %xor3A_939, %shift_right_logical3A_945 : vector<16xi32>
        %or3A_947 = arith.ori %shift_left3A_943, %shift_right_logical3A_946 : vector<16xi32>
        %xor3A_948 = arith.xori %or3A_947, %add3A_940 : vector<16xi32>
        %add3A_949 = arith.constant 42 : i32
        %add3A_950 = vector.broadcast %add3A_949 : i32 to vector<16xi32>
        %add3A_951 = arith.addi %add3A_940, %add3A_950 : vector<16xi32>
        %add3A_952 = arith.constant 466689008 : i32
        %add3A_953 = vector.broadcast %add3A_952 : i32 to vector<16xi32>
        %add3A_954 = arith.addi %xor3A_948, %add3A_953 : vector<16xi32>
        %add3A_955 = arith.constant 4 : i32
        %add3A_956 = vector.broadcast %add3A_955 : i32 to vector<16xi32>
        %add3A_957 = arith.addi %add3A_954, %add3A_956 : vector<16xi32>
        %add3A_958 = arith.addi %add3A_951, %add3A_957 : vector<16xi32>
        %shift_left3A_959 = arith.constant 13 : i32
        %shift_left3A_960 = vector.broadcast %shift_left3A_959 : i32 to vector<16xi32>
        %shift_left3A_961 = arith.shli %add3A_957, %shift_left3A_960 : vector<16xi32>
        %shift_right_logical3A_962 = arith.constant 19 : i32
        %shift_right_logical3A_963 = vector.broadcast %shift_right_logical3A_962 : i32 to vector<16xi32>
        %shift_right_logical3A_964 = arith.shrui %add3A_957, %shift_right_logical3A_963 : vector<16xi32>
        %or3A_965 = arith.ori %shift_left3A_961, %shift_right_logical3A_964 : vector<16xi32>
        %xor3A_966 = arith.xori %or3A_965, %add3A_958 : vector<16xi32>
        %add3A_967 = arith.addi %add3A_958, %xor3A_966 : vector<16xi32>
        %shift_left3A_968 = arith.constant 15 : i32
        %shift_left3A_969 = vector.broadcast %shift_left3A_968 : i32 to vector<16xi32>
        %shift_left3A_970 = arith.shli %xor3A_966, %shift_left3A_969 : vector<16xi32>
        %shift_right_logical3A_971 = arith.constant 17 : i32
        %shift_right_logical3A_972 = vector.broadcast %shift_right_logical3A_971 : i32 to vector<16xi32>
        %shift_right_logical3A_973 = arith.shrui %xor3A_966, %shift_right_logical3A_972 : vector<16xi32>
        %or3A_974 = arith.ori %shift_left3A_970, %shift_right_logical3A_973 : vector<16xi32>
        %xor3A_975 = arith.xori %or3A_974, %add3A_967 : vector<16xi32>
        %add3A_976 = arith.addi %add3A_967, %xor3A_975 : vector<16xi32>
        %shift_left3A_977 = arith.constant 26 : i32
        %shift_left3A_978 = vector.broadcast %shift_left3A_977 : i32 to vector<16xi32>
        %shift_left3A_979 = arith.shli %xor3A_975, %shift_left3A_978 : vector<16xi32>
        %shift_right_logical3A_980 = arith.constant 6 : i32
        %shift_right_logical3A_981 = vector.broadcast %shift_right_logical3A_980 : i32 to vector<16xi32>
        %shift_right_logical3A_982 = arith.shrui %xor3A_975, %shift_right_logical3A_981 : vector<16xi32>
        %or3A_983 = arith.ori %shift_left3A_979, %shift_right_logical3A_982 : vector<16xi32>
        %xor3A_984 = arith.xori %or3A_983, %add3A_976 : vector<16xi32>
        %add3A_985 = arith.addi %add3A_976, %xor3A_984 : vector<16xi32>
        %shift_left3A_986 = arith.constant 6 : i32
        %shift_left3A_987 = vector.broadcast %shift_left3A_986 : i32 to vector<16xi32>
        %shift_left3A_988 = arith.shli %xor3A_984, %shift_left3A_987 : vector<16xi32>
        %shift_right_logical3A_989 = arith.constant 26 : i32
        %shift_right_logical3A_990 = vector.broadcast %shift_right_logical3A_989 : i32 to vector<16xi32>
        %shift_right_logical3A_991 = arith.shrui %xor3A_984, %shift_right_logical3A_990 : vector<16xi32>
        %or3A_992 = arith.ori %shift_left3A_988, %shift_right_logical3A_991 : vector<16xi32>
        %xor3A_993 = arith.xori %or3A_992, %add3A_985 : vector<16xi32>
        %add3A_994 = arith.constant 466689008 : i32
        %add3A_995 = vector.broadcast %add3A_994 : i32 to vector<16xi32>
        %add3A_996 = arith.addi %add3A_985, %add3A_995 : vector<16xi32>
        %add3A_997 = arith.constant 0 : i32
        %add3A_998 = vector.broadcast %add3A_997 : i32 to vector<16xi32>
        %add3A_999 = arith.addi %xor3A_993, %add3A_998 : vector<16xi32>
        %add3A_1000 = arith.constant 5 : i32
        %add3A_1001 = vector.broadcast %add3A_1000 : i32 to vector<16xi32>
        %add3A_1002 = arith.addi %add3A_999, %add3A_1001 : vector<16xi32>
        %xor3A_1003 = arith.xori %add3A_996, %add3A_1002 : vector<16xi32>
        %lt3A_1004 = arith.constant -1288489984 : i32
        %lt3A_1005 = vector.broadcast %lt3A_1004 : i32 to vector<16xi32>
        %lt3A_1006 = arith.cmpi ult, %xor3A_1003, %lt3A_1005 : vector<16xi32>
        %jit3A_1007 = arith.constant 1.42857146 : f32
        %jit3A_1008 = arith.constant 0.000000e+00 : f32
        %broadcast_in_dim3A_1009 = vector.broadcast %jit3A_1007 : f32 to vector<16xf32>
        %broadcast_in_dim3A_1010 = vector.broadcast %jit3A_1008 : f32 to vector<16xf32>
        %select_n3A_1011 = arith.select %lt3A_1006, %broadcast_in_dim3A_1009, %broadcast_in_dim3A_1010 : vector<16xi1>, vector<16xf32>
        %get3A_1012 = arith.index_cast %mul3A_772 : i32 to index
        %get3A_1013 = tpu.vector_load %arg4[%get3A_1012] {strides = array<i32>} : memref<4096xf32, #tpu.memory_space<vmem>>, vector<16xf32>,
        %get3A_1014 = vector.shape_cast %get3A_1013 : vector<16xf32> to vector<16xf32>
        %mul3A_1015 = arith.mulf %get3A_1014, %select_n3A_1011 : vector<16xf32>
        %swap3A_1016 = arith.index_cast %mul3A_772 : i32 to index
        %swap3A_1017 = tpu.vector_load %arg5[%swap3A_1016] {strides = array<i32>} : memref<4096xf32, #tpu.memory_space<vmem>>, vector<16xf32>,
        %swap3A_1018 = vector.shape_cast %swap3A_1017 : vector<16xf32> to vector<16xf32>
        %swap3A_1019 = vector.shape_cast %mul3A_1015 : vector<16xf32> to vector<16xf32>
        tpu.vector_store %arg5[%swap3A_1016], %swap3A_1019 {strides = array<i32>} : memref<4096xf32, #tpu.memory_space<vmem>>, vector<16xf32>,
      }
      %scan3A_22 = arith.constant 64 : i32
      "tpu.region"() ({
        %run_scoped3A = tpu.sem_alloc : memref<!tpu.dma_semaphore, #tpu.memory_space<semaphore_mem>>
        %dma_start3A = tpu.memref_slice %arg3[%mul3A_17] : memref<65536xf32, #tpu.memory_space<hbm>> -> memref<4096xf32, #tpu.memory_space<hbm>>
        %dma_start3A_23 = tpu.memref_slice %arg3[%mul3A_17] : memref<65536xf32, #tpu.memory_space<hbm>> -> memref<4096xf32, #tpu.memory_space<hbm>>
        tpu.enqueue_dma source(%arg5 : memref<4096xf32, #tpu.memory_space<vmem>>) target(%dma_start3A_23 : memref<4096xf32, #tpu.memory_space<hbm>>) target_semaphore(%run_scoped3A : memref<!tpu.dma_semaphore, #tpu.memory_space<semaphore_mem>>)
        %dma_wait3A = tpu.memref_slice %arg3[%mul3A_17] : memref<65536xf32, #tpu.memory_space<hbm>> -> memref<4096xf32, #tpu.memory_space<hbm>>
        %dma_wait3A_24 = tpu.memref_slice %arg3[%mul3A_17] : memref<65536xf32, #tpu.memory_space<hbm>> -> memref<4096xf32, #tpu.memory_space<hbm>>
        tpu.wait_dma2 semaphore(%run_scoped3A : memref<!tpu.dma_semaphore, #tpu.memory_space<semaphore_mem>>) src(%arg5 : memref<4096xf32, #tpu.memory_space<vmem>>) dst(%dma_wait3A_24 : memref<4096xf32, #tpu.memory_space<hbm>>)
        tpu.yield
      }) : () -> ()
    }
    return
  }
}

</mosaic_0001>

<sc_bundles>
// kernel: kernel.3.cloned.1.call-start
scs
__scs_entry_jumppad:
0x0: {  	(pc) =	sbr.rel $0x88, $3  }
0x1: {  	(tag) =	ssettag $0x0;
	lr =	simm.s32 $0x1  }
0x2: {  	[smem:$0x3FA0] =	sst lr;
	_ =	strace $0xD0000000  }
0x3: {  	_ = 	snop  }
0x4: {  	_ = 	snop  }
0x5: {  	_ = 	snop  }
0x6: {  	_ = 	snop  }
0x7: {  	_ = 	snop  }
__scs_overlays_trampoline_lowered:
0x8: {  	[smem:$0x3FAF] =	sst s0  }
0x9: {  	[smem:$0x3FB0] =	sst s1  }
0xa: {  	[smem:$0x3FB1] =	sst s2  }
0xb: {  	[smem:$0x3FB2] =	sst s3  }
0xc: {  	[smem:$0x3FB3] =	sst s4  }
0xd: {  	[smem:$0x3FB4] =	sst s5  }
0xe: {  	[smem:$0x3FB5] =	sst s6  }
0xf: {  	[smem:$0x3FB6] =	sst s7  }
0x10: {  	[smem:$0x3FB7] =	sst s8  }
0x11: {  	[smem:$0x3FB8] =	sst s9;
	s0 =	simm.s32 @!p0 $0x0  }
0x12: {  	s1 =	sld [smem:$0x3F9E];
	s0 =	simm.s32 @p0 $0x1  }
0x13: {  	[smem:$0x3FB9] =	sst s0;
	s0 =	simm.s32 @!p1 $0x0  }
0x14: {  	s2 =	sld [smem:$0x3F9D];
	s0 =	simm.s32 @p1 $0x1  }
0x15: {  	[smem:$0x3FBA] =	sst s0;
	s0 =	simm.s32 @!p2 $0x0  }
0x16: {  	s3 =	sld [smem:$0x3FDB];
	s0 =	simm.s32 @p2 $0x1  }
0x17: {  	s4 =	simm.s32 $0x1BF5;
	[smem:$0x3FBC] =	sst s0  }
0x18: {  	s0 =	sld [smem:$0x3F9F];
	_ =	swait.ge [sflag:s4], $0x0  }
0x19: {  	s7 =	sld [smem:$0x3FA0]  }
0x1a: {  	s8 =	sadd.s32 $0xFFFFE003, lr  }
0x1b: {  	s9 =	sadd.s32 $0xFFFFFEF7, lr;
	s5 =	simm.s32 $0xFFFFFFFF;
	p2 =	slt.u32 s8, $0xFFFFF086  }
0x1c: {  	p1 =	slt.u32 s9, $0xF7A;
	s5 =	simm.s32 @!p2 $0x0  }
0x1d: {  	s5 =	simm.s32 @p1 $0x1;
	p0 =	seq.s32 s7, s2  }
0x1e: {  	s7 =	smul.u32 @!p0 $0xF7A, s2;
	p2 =	seq.s32 @!p0 s5, $0x0  }
0x1f: {  	s9 =	smul.u32 $0xF7A, s1;
	s8 =	simm.s32 @!p0 $0x1BF5;
	p2 =	por !p2, p0  }
0x20: {  	[sflag:s8] =	ssyncset.s32 @!p0 $0xFFFFF086;
	s6 =	sadd.s32 @!p0 s3, s7;
	s7 =	simm.s32 @!p0 $0x108  }
0x21: {  	s3 =	sadd.s32 s3, s9;
	s6 =	sadd.s32 @!p0 $0x88, s6;
	s7 =	simm.s32 @p2 $0x1082  }
0x22: {  	[simem:s7], [sflag:s8] =	dma.local @!p0 [hbm:s6], $0xF7A  }
0x23: {  	s9 =	sor.u32 $0xD0000000, s2;
	s6 =	simm.s32 $0x108;
	_ =	swait.ge @!p0 [sflag:s8], $0x0  }
0x24: {  	s3 =	sadd.s32 $0x88, s3;
	s6 =	simm.s32 @!p1 $0x1082;
	[sflag:s4] =	ssyncset.s32 $0xFFFFF086  }
0x25: {  	[simem:s6], [sflag:s4] =	dma.local [hbm:s3], $0xF7A  }
0x26: {  	[smem:$0x3FA0] =	sst s1;
	(tag) =	ssettag s2;
	_ =	strace s9  }
0x27: {  	s1 =	sld [smem:$0x3FB0]  }
0x28: {  	s2 =	sld [smem:$0x3FB1]  }
0x29: {  	s4 =	sld [smem:$0x3FB3]  }
0x2a: {  	p0 =	seq.s32 s5, $0x0;
	s5 =	sld [smem:$0x3FB4]  }
0x2b: {  	s6 =	sld [smem:$0x3FB5]  }
0x2c: {  	s7 =	sld [smem:$0x3FB6]  }
0x2d: {  	s3 =	simm.s32 $0x108;
	s8 =	sld [smem:$0x3FB7]  }
0x2e: {  	s3 =	simm.s32 @!p0 $0x1082;
	s9 =	sld [smem:$0x3FB8]  }
0x2f: {  	lr =	sadd.s32 s0, s3;
	s0 =	sld [smem:$0x3FAF]  }
0x30: {  	s3 =	sld [smem:$0x3FB2]  }
0x31: {  	[smem:$0x3FBB] =	sst s10  }
0x32: {  	s10 =	sld [smem:$0x3FB9];
	_ =	sdelay $0x3  }
0x33: {  	p0 =	seq.s32 s10, $0x1;
	s10 =	sld [smem:$0x3FBB];
	_ =	sdelay $0x3  }
0x34: {  	[smem:$0x3FBB] =	sst s10  }
0x35: {  	s10 =	sld [smem:$0x3FBA];
	_ =	sdelay $0x3  }
0x36: {  	p1 =	seq.s32 s10, $0x1;
	s10 =	sld [smem:$0x3FBB];
	_ =	sdelay $0x3  }
0x37: {  	[smem:$0x3FBB] =	sst s10  }
0x38: {  	s10 =	sld [smem:$0x3FBC]  }
0x39: {  	_ = 	snop;
	(pc) =	sbr.ind lr, $3  }
0x3a: {  	_ = 	snop  }
0x3b: {  	_ = 	snop  }
0x3c: {  	p2 =	seq.s32 s10, $0x1;
	s10 =	sld [smem:$0x3FBB]  }
0x3d: {  	_ =	shalt  }
0x3e: {  	_ =	shalt  }
0x3f: {  	_ =	shalt  }
0x40: {  	_ =	shalt  }
0x41: {  	_ =	shalt  }
0x42: {  	_ =	shalt  }
0x43: {  	_ =	shalt  }
0x44: {  	_ =	shalt  }
0x45: {  	_ =	shalt  }
0x46: {  	_ =	shalt  }
0x47: {  	_ =	shalt  }
0x48: {  	_ =	shalt  }
0x49: {  	_ =	shalt  }
0x4a: {  	_ =	shalt  }
0x4b: {  	_ =	shalt  }
0x4c: {  	_ =	shalt  }
0x4d: {  	_ =	shalt  }
0x4e: {  	_ =	shalt  }
0x4f: {  	_ =	shalt  }
0x50: {  	_ =	shalt  }
0x51: {  	_ =	shalt  }
0x52: {  	_ =	shalt  }
0x53: {  	_ =	shalt  }
0x54: {  	_ =	shalt  }
0x55: {  	_ =	shalt  }
0x56: {  	_ =	shalt  }
0x57: {  	_ =	shalt  }
0x58: {  	_ =	shalt  }
0x59: {  	_ =	shalt  }
0x5a: {  	_ =	shalt  }
0x5b: {  	_ =	shalt  }
0x5c: {  	_ =	shalt  }
0x5d: {  	_ =	shalt  }
0x5e: {  	_ =	shalt  }
0x5f: {  	_ =	shalt  }
0x60: {  	_ =	shalt  }
0x61: {  	_ =	shalt  }
0x62: {  	_ =	shalt  }
0x63: {  	_ =	shalt  }
0x64: {  	_ =	shalt  }
0x65: {  	_ =	shalt  }
0x66: {  	_ =	shalt  }
0x67: {  	_ =	shalt  }
0x68: {  	_ =	shalt  }
0x69: {  	_ =	shalt  }
0x6a: {  	_ =	shalt  }
0x6b: {  	_ =	shalt  }
0x6c: {  	_ =	shalt  }
0x6d: {  	_ =	shalt  }
0x6e: {  	_ =	shalt  }
0x6f: {  	_ =	shalt  }
0x70: {  	_ =	shalt  }
0x71: {  	_ =	shalt  }
0x72: {  	_ =	shalt  }
0x73: {  	_ =	shalt  }
0x74: {  	_ =	shalt  }
0x75: {  	_ =	shalt  }
0x76: {  	_ =	shalt  }
0x77: {  	_ =	shalt  }
0x78: {  	_ =	shalt  }
0x79: {  	_ =	shalt  }
0x7a: {  	_ =	shalt  }
0x7b: {  	_ =	shalt  }
0x7c: {  	_ =	shalt  }
0x7d: {  	_ =	shalt  }
0x7e: {  	_ =	shalt  }
0x7f: {  	_ =	shalt  }
0x80: {  	_ =	shalt  }
0x81: {  	_ =	shalt  }
0x82: {  	_ =	shalt  }
0x83: {  	_ =	shalt  }
0x84: {  	_ =	shalt  }
0x85: {  	_ =	shalt  }
0x86: {  	_ =	shalt  }
0x87: {  	_ =	shalt  }
.Lfunc_end0:
.L_simem_size_0:
called_computation_lowered:
.L_overlay_start_0:
0x88: {  	s2 =	sld [smem:$0x3FD9]  }
0x89: {  	s3 =	sld [smem:$0x3FFE];
	_ =	sdelay $0x1  }
0x8a: {  	s1 =	srdreg.scid  }
0x8b: {  	s0 =	sand.u32 $0x1, s1  }
0x8c: {  	s18 =	sshll.u32 s0, $0xA;
	s2 =	sadd.s32 s3, s2  }
0x8d: {  	s2 =	sadd.s32 s2, s18  }
0x8e: {  	[smem:$0x3FC7] =	sst s2  }
0x8f: {  	_ = 	snop  }
0x90: {  	s2 =	sld [smem:$0x3FC9]  }
0x91: {  	s19 =	sld [smem:$0x3FD0];
	(tm) =	ssettm $0x1  }
0x92: {  	s4 =	sld [smem:$0x3FFB];
	_ =	sdelay $0x3  }
0x93: {  	_ =	strace s4  }
0x94: {  	s4 =	sld [smem:$0x3FFC];
	_ =	sdelay $0x3  }
0x95: {  	_ =	strace s4  }
0x96: {  	s4 =	sld [smem:$0x3FFD];
	_ =	sdelay $0x3  }
0x97: {  	_ =	strace s4  }
0x98: {  	_ =	strace $0x8FFFFFFF  }
0x99: {  	s20 =	sld [smem:$0x3FDB];
	_ =	sdelay $0x1  }
0x9a: {  	s5 =	simm.s32 $_scs_section_size  }
0x9b: {  	s6 =	simm.s32 $_size__tile_overlayer_lowered;
	s7 =	simm.s32 $_tile_overlayer_lowered  }
0x9c: {  	s23 =	simm.s32 $0x1BFF;
	s22 =	sshll.u32 s7, $0x1;
	s4 =	sadd.s32 s5, s20  }
0x9d: {  	s8 =	simm.s32 $0x0;
	s21 =	sshll.u32 s6, $0x1;
	s6 =	sadd.s32 s22, s4  }
0x9e: {  	[timem:s8], [sflag:s23] =	dma.local [hbm:s6], s21  }
0x9f: {  	_ =	swait.ge [sflag:s23], s21  }
0xa0: {  	s5 =	ssub.s32 $0x0, s21;
	[sflag:s23] =	ssyncset.done $0x0  }
0xa1: {  	[sflag:s23] =	ssyncadd.s32 s5;
	_ =	sdelay $0x1  }
0xa2: {  	s24 =	simm.s32 $0x1B8B  }
0xa3: {  	_ =	swait.ge [sflag:s24], $0x1  }
0xa4: {  	[sflag:s24] =	ssyncset.done $0x0  }
0xa5: {  	s25 =	simm.s32 $0x1B8E;
	[sflag:s24] =	ssyncadd.s32 $0xFFFFFFFF  }
0xa6: {  	s26 =	simm.s32 $execute0_lowered;
	[smem:$0x3FD2] =	sst s25  }
0xa7: {  	s5 =	sshll.u32 s26, $0x1;
	_ =	strace $0x80000046;
	[dreg:$0x1] =	wrdreg $0xFFFFFFFF  }
0xa8: {  	s28 =	simm.s32 $_size_execute0_lowered;
	s4 =	sadd.s32 s4, s5;
	[dreg:$0x0] =	wrdreg $0x0  }
0xa9: {  	s5 =	sshll.u32 s28, $0x1;
	[dreg:$0x2] =	wrdreg s4  }
0xaa: {  	[dreg:$0x3] =	wrdreg s5  }
0xab: {  	[dreg:$0x4] =	wrdreg $0xC0  }
0xac: {  	_ =	task [dreg:s8], $0x5FFFF  }
0xad: {  	[dreg:$0x1] =	wrdreg $0xFFFFFFFF  }
0xae: {  	[dreg:$0x0] =	wrdreg $0x60  }
0xaf: {  	[dreg:$0x2] =	wrdreg s2  }
0xb0: {  	[dreg:$0x3] =	wrdreg s19  }
0xb1: {  	[dreg:$0x4] =	wrdreg $0x9  }
0xb2: {  	_ =	task.clear_ibuf [dreg:s8], $0x5FFFF;
	_ =	strace $0x90000046  }
0xb3: {  	s29 =	simm.s32 $0x9;
	_ =	strace $0x80000048  }
0xb4: {  	_ =	swait.ge [sflag:s29], $0x1  }
0xb5: {  	[sflag:s29] =	ssyncadd.s32 $0xFFFFFFFF  }
0xb6: {  	_ =	strace $0x90000048  }
0xb7: {  	_ =	sfence  }
0xb8: {  	s30 =	sld [smem:$0x0];
	_ =	sdelay $0x2  }
0xb9: {  	s31 =	sshll.u32 s1, $0xD;
	s1 =	sshrl.u32 s1, $0x2  }
0xba: {  	s3 =	sand.u32 $0x4000, s31;
	s1 =	sadd.s32 s1, s30  }
0xbb: {  	s0 =	sor.u32 s3, s0;
	s1 =	sshll.u32 s1, $0x11  }
0xbc: {  	s0 =	sor.u32 s1, s0  }
0xbd: {  	s0 =	sadd.s32 $0x8F2B, s0  }
0xbe: {  	[sflag:s0] =	ssyncadd.remote.s32 $0x1  }
0xbf: {  	_ =	sfence.sel $0xFFFF  }
0xc0: {  	[dreg:$0x0] =	wrdreg $0xFFFFFFFF;
	(pc) =	sbr.abs _section_cstart, $3  }
0xc1: {  	[dreg:$0x1] =	wrdreg $0xFFFFFFFF  }
0xc2: {  	_ =	task.clear_ibuf [dreg:s8], $0x2FFFF;
	_ =	strace $0x9FFFFFFF  }
0xc3: {  	(tm) =	ssettm $0x7FFFFFFF  }
tec
execute0_lowered:
.L_overlay_start_1:
0x0: {  	(tag) =	ssettag $0x1  }
0x1: {  	s1 =	stileid.u32  }
0x2: {  	p0 =	sgt.u32 s1, $0x7  }
.Ltmp0:
0x3: {  	_ = 	snop;
	(pc) =	sbr.rel @p0 .LBB2_5-.Ltmp0, $4  }
0x4: {  	s4 =	rddreg [dreg:$0x0]  }
0x5: {  	s3 =	rddreg [dreg:$0x1];
	s2 =	simm.s32 $0x0  }
0x6: {  	[smem:$0x7FF] =	sst s2  }
0x7: {  	s0 =	rddreg [dreg:$0x2];
	_ =	strace $0x80000047  }
0x8: {  	s5 =	srdreg.scid  }
0x9: {  	s5 =	sand.u32 $0x1, s5  }
0xa: {  	s6 =	sshll.u32 s1, $0xA;
	s7 =	sshll.u32 s5, $0x9;
	s30 =	ssub.s32 $0x2, s5  }
0xb: {  	s31 =	sshll.u32 s1, $0xD;
	s6 =	sor.u32 s7, s6;
	s8 =	sshrl.u32 s30, $0x1  }
0xc: {  	s9 =	sshll.u32 s5, $0xC;
	s3 =	sadd.s32 s3, s6;
	s7 =	ssub.s32 s30, s8  }
0xd: {  	v0 =	vlaneseq.u32;
	s4 =	sadd.s32 s4, s6;
	s6 =	sor.u32 s9, s31;
	s8 =	simm.s32 $0x1000  }
0xe: {  	v1 =	vimm.f32 $0.0e+00;
	v0 =	vadd.s32 $0x2A, v0;
	s9 =	simm.s32 $0x0;
	s5 =	smax.u32 s7, $0x1;
	s7 =	simm.s32 $0x1  }
.LBB2_2:
0xf: {  	s10 =	sadd.s32 $0x0, s6  }
0x10: {  	s11 =	sadd.s32 $0x30, s10  }
0x11: {  	v2 =	vmov s10;
	v3 =	vor.u32 s10, v0;
	s12 =	sadd.s32 $0x20, s10;
	s10 =	sadd.s32 $0x10, s10;
	v4 =	vadd.s32 s11, v0  }
0x12: {  	v5 =	vadd.s32 s12, v0;
	v2 =	vshrl.u32 v2, $0x13;
	v6 =	vadd.s32 s10, v0  }
0x13: {  	v7 =	vshll.u32 v3, $0xD;
	v8 =	vshrl.u32 v4, $0x13;
	v9 =	vshll.u32 v4, $0xD  }
0x14: {  	v10 =	vshrl.u32 v5, $0x13;
	v11 =	vshll.u32 v5, $0xD;
	v12 =	vshrl.u32 v6, $0x13  }
0x15: {  	v13 =	vshll.u32 v6, $0xD;
	v2 =	vor.u32 v2, v7;
	v7 =	vor.u32 v8, v9  }
0x16: {  	v2 =	vxor.u32 v3, v2;
	v8 =	vor.u32 v12, v13;
	v9 =	vor.u32 v10, v11  }
0x17: {  	v8 =	vxor.u32 v6, v8;
	v9 =	vxor.u32 v5, v9;
	v7 =	vxor.u32 v4, v7  }
0x18: {  	v3 =	vadd.s32 v3, v2;
	v10 =	vshrl.u32 v2, $0x11;
	v2 =	vshll.u32 v2, $0xF  }
0x19: {  	v4 =	vadd.s32 v4, v7;
	v11 =	vshrl.u32 v7, $0x11;
	v7 =	vshll.u32 v7, $0xF  }
0x1a: {  	v5 =	vadd.s32 v5, v9;
	v12 =	vshrl.u32 v9, $0x11;
	v9 =	vshll.u32 v9, $0xF  }
0x1b: {  	v6 =	vadd.s32 v6, v8;
	v13 =	vshrl.u32 v8, $0x11;
	v8 =	vshll.u32 v8, $0xF  }
0x1c: {  	v2 =	vor.u32 v10, v2;
	v9 =	vor.u32 v12, v9;
	v7 =	vor.u32 v11, v7  }
0x1d: {  	v2 =	vxor.u32 v3, v2;
	v8 =	vor.u32 v13, v8;
	v7 =	vxor.u32 v4, v7  }
0x1e: {  	v3 =	vadd.s32 v3, v2;
	v8 =	vxor.u32 v6, v8;
	v9 =	vxor.u32 v5, v9  }
0x1f: {  	v10 =	vshrl.u32 v2, $0x6;
	v2 =	vshll.u32 v2, $0x1A;
	v4 =	vadd.s32 v4, v7  }
0x20: {  	v5 =	vadd.s32 v5, v9;
	v11 =	vshrl.u32 v7, $0x6;
	v7 =	vshll.u32 v7, $0x1A  }
0x21: {  	v6 =	vadd.s32 v6, v8;
	v12 =	vshrl.u32 v9, $0x6;
	v9 =	vshll.u32 v9, $0x1A  }
0x22: {  	v2 =	vor.u32 v10, v2;
	v10 =	vshrl.u32 v8, $0x6;
	v8 =	vshll.u32 v8, $0x1A  }
0x23: {  	v8 =	vor.u32 v10, v8;
	v9 =	vor.u32 v12, v9;
	v7 =	vor.u32 v11, v7  }
0x24: {  	v2 =	vxor.u32 v3, v2;
	v9 =	vxor.u32 v5, v9;
	v7 =	vxor.u32 v4, v7  }
0x25: {  	v3 =	vadd.s32 v3, v2;
	v10 =	vshrl.u32 v2, $0x1A;
	v8 =	vxor.u32 v6, v8  }
0x26: {  	v2 =	vshll.u32 v2, $0x6;
	v4 =	vadd.s32 v4, v7;
	v11 =	vshrl.u32 v7, $0x1A  }
0x27: {  	v5 =	vadd.s32 v5, v9;
	v12 =	vshrl.u32 v9, $0x1A;
	v7 =	vshll.u32 v7, $0x6  }
0x28: {  	v6 =	vadd.s32 v6, v8;
	v13 =	vshrl.u32 v8, $0x1A;
	v9 =	vshll.u32 v9, $0x6  }
0x29: {  	v2 =	vor.u32 v10, v2;
	v8 =	vshll.u32 v8, $0x6;
	v7 =	vor.u32 v11, v7  }
0x2a: {  	v2 =	vxor.u32 v3, v2;
	v8 =	vor.u32 v13, v8;
	v9 =	vor.u32 v12, v9  }
0x2b: {  	v8 =	vxor.u32 v6, v8;
	v9 =	vxor.u32 v5, v9;
	v7 =	vxor.u32 v4, v7  }
0x2c: {  	v2 =	vadd.s32 $0x1BD11BF1, v2;
	v9 =	vadd.s32 $0x1BD11BF1, v9;
	v7 =	vadd.s32 $0x1BD11BF1, v7  }
0x2d: {  	v3 =	vadd.s32 v2, v3;
	v10 =	vshrl.u32 v2, $0xF;
	v8 =	vadd.s32 $0x1BD11BF1, v8  }
0x2e: {  	v2 =	vshll.u32 v2, $0x11;
	v4 =	vadd.s32 v7, v4;
	v11 =	vshrl.u32 v7, $0xF  }
0x2f: {  	v5 =	vadd.s32 v9, v5;
	v12 =	vshrl.u32 v9, $0xF;
	v7 =	vshll.u32 v7, $0x11  }
0x30: {  	v6 =	vadd.s32 v8, v6;
	v13 =	vshrl.u32 v8, $0xF;
	v9 =	vshll.u32 v9, $0x11  }
0x31: {  	v3 =	vadd.s32 $0x2A, v3;
	v2 =	vor.u32 v10, v2;
	v8 =	vshll.u32 v8, $0x11  }
0x32: {  	v5 =	vadd.s32 $0x2A, v5;
	v4 =	vadd.s32 $0x2A, v4;
	v7 =	vor.u32 v11, v7  }
0x33: {  	v6 =	vadd.s32 $0x2A, v6;
	v8 =	vor.u32 v13, v8;
	v9 =	vor.u32 v12, v9  }
0x34: {  	v2 =	vxor.u32 v3, v2;
	v9 =	vxor.u32 v5, v9;
	v7 =	vxor.u32 v4, v7  }
0x35: {  	v3 =	vadd.s32 v3, v2;
	v10 =	vshrl.u32 v2, $0x3;
	v8 =	vxor.u32 v6, v8  }
0x36: {  	v2 =	vshll.u32 v2, $0x1D;
	v4 =	vadd.s32 v4, v7;
	v11 =	vshrl.u32 v7, $0x3  }
0x37: {  	v5 =	vadd.s32 v5, v9;
	v12 =	vshrl.u32 v9, $0x3;
	v7 =	vshll.u32 v7, $0x1D  }
0x38: {  	v6 =	vadd.s32 v6, v8;
	v13 =	vshrl.u32 v8, $0x3;
	v9 =	vshll.u32 v9, $0x1D  }
0x39: {  	v2 =	vor.u32 v10, v2;
	v8 =	vshll.u32 v8, $0x1D;
	v7 =	vor.u32 v11, v7  }
0x3a: {  	v2 =	vxor.u32 v3, v2;
	v8 =	vor.u32 v13, v8;
	v9 =	vor.u32 v12, v9  }
0x3b: {  	v8 =	vxor.u32 v6, v8;
	v9 =	vxor.u32 v5, v9;
	v7 =	vxor.u32 v4, v7  }
0x3c: {  	v3 =	vadd.s32 v3, v2;
	v10 =	vshrl.u32 v2, $0x10;
	v2 =	vshll.u32 v2, $0x10  }
0x3d: {  	v4 =	vadd.s32 v4, v7;
	v11 =	vshrl.u32 v7, $0x10;
	v7 =	vshll.u32 v7, $0x10  }
0x3e: {  	v5 =	vadd.s32 v5, v9;
	v12 =	vshrl.u32 v9, $0x10;
	v9 =	vshll.u32 v9, $0x10  }
0x3f: {  	v6 =	vadd.s32 v6, v8;
	v13 =	vshrl.u32 v8, $0x10;
	v8 =	vshll.u32 v8, $0x10  }
0x40: {  	v2 =	vor.u32 v10, v2;
	v9 =	vor.u32 v12, v9;
	v7 =	vor.u32 v11, v7  }
0x41: {  	v2 =	vxor.u32 v3, v2;
	v8 =	vor.u32 v13, v8;
	v7 =	vxor.u32 v4, v7  }
0x42: {  	v3 =	vadd.s32 v3, v2;
	v8 =	vxor.u32 v6, v8;
	v9 =	vxor.u32 v5, v9  }
0x43: {  	v10 =	vshrl.u32 v2, $0x8;
	v2 =	vshll.u32 v2, $0x18;
	v4 =	vadd.s32 v4, v7  }
0x44: {  	v5 =	vadd.s32 v5, v9;
	v11 =	vshrl.u32 v7, $0x8;
	v7 =	vshll.u32 v7, $0x18  }
0x45: {  	v6 =	vadd.s32 v6, v8;
	v12 =	vshrl.u32 v9, $0x8;
	v9 =	vshll.u32 v9, $0x18  }
0x46: {  	v2 =	vor.u32 v10, v2;
	v10 =	vshrl.u32 v8, $0x8;
	v8 =	vshll.u32 v8, $0x18  }
0x47: {  	v8 =	vor.u32 v10, v8;
	v9 =	vor.u32 v12, v9;
	v7 =	vor.u32 v11, v7  }
0x48: {  	v2 =	vxor.u32 v3, v2;
	v9 =	vxor.u32 v5, v9;
	v7 =	vxor.u32 v4, v7  }
0x49: {  	v2 =	vadd.s32 $0x2, v2;
	v8 =	vxor.u32 v6, v8;
	v7 =	vadd.s32 $0x2, v7  }
0x4a: {  	v3 =	vadd.s32 v2, v3;
	v8 =	vadd.s32 $0x2, v8;
	v9 =	vadd.s32 $0x2, v9  }
0x4b: {  	v10 =	vshrl.u32 v2, $0x13;
	v2 =	vshll.u32 v2, $0xD;
	v4 =	vadd.s32 v7, v4  }
0x4c: {  	v5 =	vadd.s32 v9, v5;
	v11 =	vshrl.u32 v7, $0x13;
	v7 =	vshll.u32 v7, $0xD  }
0x4d: {  	v6 =	vadd.s32 v8, v6;
	v12 =	vshrl.u32 v9, $0x13;
	v9 =	vshll.u32 v9, $0xD  }
0x4e: {  	v3 =	vadd.s32 $0x1BD11BF0, v3;
	v13 =	vshrl.u32 v8, $0x13;
	v8 =	vshll.u32 v8, $0xD  }
0x4f: {  	v2 =	vor.u32 v10, v2;
	v4 =	vadd.s32 $0x1BD11BF0, v4;
	v7 =	vor.u32 v11, v7  }
0x50: {  	v6 =	vadd.s32 $0x1BD11BF0, v6;
	v5 =	vadd.s32 $0x1BD11BF0, v5;
	v9 =	vor.u32 v12, v9  }
0x51: {  	v2 =	vxor.u32 v3, v2;
	v8 =	vor.u32 v13, v8;
	v7 =	vxor.u32 v4, v7  }
0x52: {  	v3 =	vadd.s32 v3, v2;
	v8 =	vxor.u32 v6, v8;
	v9 =	vxor.u32 v5, v9  }
0x53: {  	v10 =	vshrl.u32 v2, $0x11;
	v2 =	vshll.u32 v2, $0xF;
	v4 =	vadd.s32 v4, v7  }
0x54: {  	v5 =	vadd.s32 v5, v9;
	v11 =	vshrl.u32 v7, $0x11;
	v7 =	vshll.u32 v7, $0xF  }
0x55: {  	v6 =	vadd.s32 v6, v8;
	v12 =	vshrl.u32 v9, $0x11;
	v9 =	vshll.u32 v9, $0xF  }
0x56: {  	v2 =	vor.u32 v10, v2;
	v10 =	vshrl.u32 v8, $0x11;
	v8 =	vshll.u32 v8, $0xF  }
0x57: {  	v8 =	vor.u32 v10, v8;
	v9 =	vor.u32 v12, v9;
	v7 =	vor.u32 v11, v7  }
0x58: {  	v2 =	vxor.u32 v3, v2;
	v9 =	vxor.u32 v5, v9;
	v7 =	vxor.u32 v4, v7  }
0x59: {  	v3 =	vadd.s32 v3, v2;
	v10 =	vshrl.u32 v2, $0x6;
	v8 =	vxor.u32 v6, v8  }
0x5a: {  	v2 =	vshll.u32 v2, $0x1A;
	v4 =	vadd.s32 v4, v7;
	v11 =	vshrl.u32 v7, $0x6  }
0x5b: {  	v5 =	vadd.s32 v5, v9;
	v12 =	vshrl.u32 v9, $0x6;
	v7 =	vshll.u32 v7, $0x1A  }
0x5c: {  	v6 =	vadd.s32 v6, v8;
	v13 =	vshrl.u32 v8, $0x6;
	v9 =	vshll.u32 v9, $0x1A  }
0x5d: {  	v2 =	vor.u32 v10, v2;
	v8 =	vshll.u32 v8, $0x1A;
	v7 =	vor.u32 v11, v7  }
0x5e: {  	v2 =	vxor.u32 v3, v2;
	v8 =	vor.u32 v13, v8;
	v9 =	vor.u32 v12, v9  }
0x5f: {  	v8 =	vxor.u32 v6, v8;
	v9 =	vxor.u32 v5, v9;
	v7 =	vxor.u32 v4, v7  }
0x60: {  	v3 =	vadd.s32 v3, v2;
	v10 =	vshrl.u32 v2, $0x1A;
	v2 =	vshll.u32 v2, $0x6  }
0x61: {  	v4 =	vadd.s32 v4, v7;
	v11 =	vshrl.u32 v7, $0x1A;
	v7 =	vshll.u32 v7, $0x6  }
0x62: {  	v5 =	vadd.s32 v5, v9;
	v12 =	vshrl.u32 v9, $0x1A;
	v9 =	vshll.u32 v9, $0x6  }
0x63: {  	v6 =	vadd.s32 v6, v8;
	v13 =	vshrl.u32 v8, $0x1A;
	v8 =	vshll.u32 v8, $0x6  }
0x64: {  	v2 =	vor.u32 v10, v2;
	v9 =	vor.u32 v12, v9;
	v7 =	vor.u32 v11, v7  }
0x65: {  	v2 =	vxor.u32 v3, v2;
	v8 =	vor.u32 v13, v8;
	v7 =	vxor.u32 v4, v7  }
0x66: {  	v2 =	vadd.s32 $0x2D, v2;
	v8 =	vxor.u32 v6, v8;
	v9 =	vxor.u32 v5, v9  }
0x67: {  	v8 =	vadd.s32 $0x2D, v8;
	v9 =	vadd.s32 $0x2D, v9;
	v7 =	vadd.s32 $0x2D, v7  }
0x68: {  	v3 =	vadd.s32 v3, v2;
	v10 =	vshrl.u32 v2, $0xF;
	v2 =	vshll.u32 v2, $0x11  }
0x69: {  	v4 =	vadd.s32 v4, v7;
	v11 =	vshrl.u32 v7, $0xF;
	v7 =	vshll.u32 v7, $0x11  }
0x6a: {  	v5 =	vadd.s32 v5, v9;
	v12 =	vshrl.u32 v9, $0xF;
	v9 =	vshll.u32 v9, $0x11  }
0x6b: {  	v6 =	vadd.s32 v6, v8;
	v13 =	vshrl.u32 v8, $0xF;
	v8 =	vshll.u32 v8, $0x11  }
0x6c: {  	v2 =	vor.u32 v10, v2;
	v9 =	vor.u32 v12, v9;
	v7 =	vor.u32 v11, v7  }
0x6d: {  	v2 =	vxor.u32 v3, v2;
	v8 =	vor.u32 v13, v8;
	v7 =	vxor.u32 v4, v7  }
0x6e: {  	v3 =	vadd.s32 v3, v2;
	v8 =	vxor.u32 v6, v8;
	v9 =	vxor.u32 v5, v9  }
0x6f: {  	v10 =	vshrl.u32 v2, $0x3;
	v2 =	vshll.u32 v2, $0x1D;
	v4 =	vadd.s32 v4, v7  }
0x70: {  	v5 =	vadd.s32 v5, v9;
	v11 =	vshrl.u32 v7, $0x3;
	v7 =	vshll.u32 v7, $0x1D  }
0x71: {  	v6 =	vadd.s32 v6, v8;
	v12 =	vshrl.u32 v9, $0x3;
	v9 =	vshll.u32 v9, $0x1D  }
0x72: {  	v2 =	vor.u32 v10, v2;
	v10 =	vshrl.u32 v8, $0x3;
	v8 =	vshll.u32 v8, $0x1D  }
0x73: {  	v8 =	vor.u32 v10, v8;
	v9 =	vor.u32 v12, v9;
	v7 =	vor.u32 v11, v7  }
0x74: {  	v2 =	vxor.u32 v3, v2;
	v9 =	vxor.u32 v5, v9;
	v7 =	vxor.u32 v4, v7  }
0x75: {  	v3 =	vadd.s32 v3, v2;
	v10 =	vshrl.u32 v2, $0x10;
	v8 =	vxor.u32 v6, v8  }
0x76: {  	v2 =	vshll.u32 v2, $0x10;
	v4 =	vadd.s32 v4, v7;
	v11 =	vshrl.u32 v7, $0x10  }
0x77: {  	v5 =	vadd.s32 v5, v9;
	v12 =	vshrl.u32 v9, $0x10;
	v7 =	vshll.u32 v7, $0x10  }
0x78: {  	v6 =	vadd.s32 v6, v8;
	v13 =	vshrl.u32 v8, $0x10;
	v9 =	vshll.u32 v9, $0x10  }
0x79: {  	v2 =	vor.u32 v10, v2;
	v8 =	vshll.u32 v8, $0x10;
	v7 =	vor.u32 v11, v7  }
0x7a: {  	v2 =	vxor.u32 v3, v2;
	v8 =	vor.u32 v13, v8;
	v9 =	vor.u32 v12, v9  }
0x7b: {  	v8 =	vxor.u32 v6, v8;
	v9 =	vxor.u32 v5, v9;
	v7 =	vxor.u32 v4, v7  }
0x7c: {  	v3 =	vadd.s32 v3, v2;
	v10 =	vshrl.u32 v2, $0x8;
	v2 =	vshll.u32 v2, $0x18  }
0x7d: {  	v4 =	vadd.s32 v4, v7;
	v11 =	vshrl.u32 v7, $0x8;
	v7 =	vshll.u32 v7, $0x18  }
0x7e: {  	v5 =	vadd.s32 v5, v9;
	v12 =	vshrl.u32 v9, $0x8;
	v9 =	vshll.u32 v9, $0x18  }
0x7f: {  	v6 =	vadd.s32 v6, v8;
	v13 =	vshrl.u32 v8, $0x8;
	v8 =	vshll.u32 v8, $0x18  }
0x80: {  	v2 =	vor.u32 v10, v2;
	v9 =	vor.u32 v12, v9;
	v7 =	vor.u32 v11, v7  }
0x81: {  	v2 =	vxor.u32 v3, v2;
	v8 =	vor.u32 v13, v8;
	v7 =	vxor.u32 v4, v7  }
0x82: {  	v2 =	vadd.s32 $0x1BD11BF4, v2;
	v8 =	vxor.u32 v6, v8;
	v9 =	vxor.u32 v5, v9  }
0x83: {  	v8 =	vadd.s32 $0x1BD11BF4, v8;
	v9 =	vadd.s32 $0x1BD11BF4, v9;
	v7 =	vadd.s32 $0x1BD11BF4, v7  }
0x84: {  	v3 =	vadd.s32 v2, v3;
	v10 =	vshrl.u32 v2, $0x13;
	v2 =	vshll.u32 v2, $0xD  }
0x85: {  	v3 =	vadd.s32 $0x2A, v3;
	v2 =	vor.u32 v10, v2;
	v4 =	vadd.s32 v7, v4  }
0x86: {  	v10 =	vshrl.u32 v7, $0x13;
	v7 =	vshll.u32 v7, $0xD;
	v2 =	vxor.u32 v3, v2  }
0x87: {  	v5 =	vadd.s32 v9, v5;
	v11 =	vshrl.u32 v2, $0x11;
	v12 =	vshll.u32 v2, $0xF  }
0x88: {  	v6 =	vadd.s32 v8, v6;
	v2 =	vadd.s32 v3, v2;
	v3 =	vor.u32 v11, v12  }
0x89: {  	v14 =	vshrl.u32 v8, $0x13;
	v8 =	vshll.u32 v8, $0xD;
	v3 =	vxor.u32 v2, v3  }
0x8a: {  	s29 =	simm.s32 $0x0;
	v6 =	vadd.s32 $0x2A, v6;
	v12 =	vshrl.u32 v3, $0x6;
	v13 =	vshll.u32 v3, $0x1A  }
0x8b: {  	[tilespmem:s29], [sflag:$0x1] =	stream.linear.gather [hbm4b:s4+s29], $0x1000, $0x38;
	v8 =	vor.u32 v14, v8;
	v2 =	vadd.s32 v2, v3;
	v3 =	vor.u32 v12, v13;
	[tilespmem:$0x2000] =	vst v63  }
0x8c: {  	_ =	swait.ge [sflag:s7], $0x1000;
	v5 =	vadd.s32 $0x2A, v5;
	v8 =	vxor.u32 v6, v8;
	v3 =	vxor.u32 v2, v3  }
0x8d: {  	[sflag:s7] =	ssyncset.done $0x0;
	v11 =	vshrl.u32 v9, $0x13;
	v12 =	vshrl.u32 v3, $0x1A;
	v13 =	vshll.u32 v3, $0x6  }
0x8e: {  	s30 =	simm.s32 $0x20;
	[sflag:s7] =	ssyncadd.s32 $0xFFFFF000;
	v6 =	vadd.s32 v6, v8;
	v2 =	vadd.s32 v2, v3;
	v3 =	vor.u32 v12, v13  }
0x8f: {  	v12 =	vld [tilespmem:s30+$0xFFFFFFE0];
	v13 =	vshrl.u32 v8, $0x11;
	v8 =	vshll.u32 v8, $0xF;
	v3 =	vxor.u32 v2, v3  }
0x90: {  	v2 =	vadd.s32 $0x1BD11BF0, v2;
	v8 =	vor.u32 v13, v8;
	v3 =	vadd.s32 $0x5, v3  }
0x91: {  	v9 =	vshll.u32 v9, $0xD;
	v2 =	vxor.u32 v2, v3;
	v3 =	vxor.u32 v6, v8  }
0x92: {  	vm0 =	vlt.u32 v2, $0xB3333400;
	v2 =	vshrl.u32 v3, $0x6;
	v8 =	vshll.u32 v3, $0x1A  }
0x93: {  	v3 =	vadd.s32 v6, v3;
	v13 =	vsel vm0, $0x3FB6DB6E, v1;
	v2 =	vor.u32 v2, v8  }
0x94: {  	v8 =	vor.u32 v11, v9;
	v6 =	vmul.f32 v12, v13;
	v2 =	vxor.u32 v3, v2  }
0x95: {  	s10 =	simm.s32 $0x1020;
	v8 =	vxor.u32 v5, v8;
	v9 =	vshrl.u32 v2, $0x1A;
	v11 =	vshll.u32 v2, $0x6  }
0x96: {  	v2 =	vadd.s32 v3, v2;
	v5 =	vadd.s32 v5, v8;
	[tilespmem:s10+$0xFFFFFFE0] =	vst v6;
	v3 =	vor.u32 v9, v11  }
0x97: {  	v9 =	vshrl.u32 v8, $0x11;
	v8 =	vshll.u32 v8, $0xF;
	v3 =	vxor.u32 v2, v3;
	v6 =	vld [tilespmem:s30+$0xFFFFFFF0]  }
0x98: {  	v2 =	vadd.s32 $0x1BD11BF0, v2;
	v8 =	vor.u32 v9, v8;
	v3 =	vadd.s32 $0x5, v3  }
0x99: {  	v4 =	vadd.s32 $0x2A, v4;
	v2 =	vxor.u32 v2, v3;
	v3 =	vxor.u32 v5, v8  }
0x9a: {  	vm13 =	vlt.u32 v2, $0xB3333400;
	v2 =	vshrl.u32 v3, $0x6;
	v8 =	vshll.u32 v3, $0x1A  }
0x9b: {  	s31 =	sadd.s32 $0x40, s6;
	v3 =	vadd.s32 v5, v3;
	v9 =	vsel vm13, $0x3FB6DB6E, v1;
	v2 =	vor.u32 v2, v8  }
0x9c: {  	s14 =	sadd.s32 $0x20, s31;
	v5 =	vmul.f32 v6, v9;
	v2 =	vxor.u32 v3, v2;
	v6 =	vor.u32 v10, v7  }
0x9d: {  	v10 =	vadd.s32 s14, v0;
	v7 =	vshrl.u32 v2, $0x1A;
	v8 =	vshll.u32 v2, $0x6  }
0x9e: {  	v6 =	vxor.u32 v4, v6;
	v2 =	vadd.s32 v3, v2;
	v3 =	vor.u32 v7, v8  }
0x9f: {  	[tilespmem:s10+$0xFFFFFFF0] =	vst v5;
	v4 =	vadd.s32 v4, v6;
	v7 =	vshrl.u32 v6, $0x11;
	v3 =	vxor.u32 v2, v3  }
0xa0: {  	v6 =	vshll.u32 v6, $0xF;
	v5 =	vld [tilespmem:s30+$0x0];
	v2 =	vadd.s32 $0x1BD11BF0, v2;
	v3 =	vadd.s32 $0x5, v3  }
0xa1: {  	v13 =	vshll.u32 v10, $0xD;
	v6 =	vor.u32 v7, v6;
	v2 =	vxor.u32 v2, v3  }
0xa2: {  	v7 =	vmov s31;
	v3 =	vxor.u32 v4, v6;
	vm14 =	vlt.u32 v2, $0xB3333400  }
0xa3: {  	v2 =	vshrl.u32 v3, $0x6;
	v6 =	vshll.u32 v3, $0x1A;
	v3 =	vadd.s32 v4, v3  }
0xa4: {  	s13 =	sadd.s32 $0x30, s31;
	v4 =	vor.u32 s31, v0;
	v8 =	vsel vm14, $0x3FB6DB6E, v1;
	v2 =	vor.u32 v2, v6  }
0xa5: {  	v6 =	vadd.s32 s13, v0;
	v5 =	vmul.f32 v5, v8;
	v2 =	vxor.u32 v3, v2  }
0xa6: {  	v11 =	vshrl.u32 v6, $0x13;
	v8 =	vshrl.u32 v2, $0x1A;
	v9 =	vshll.u32 v2, $0x6  }
0xa7: {  	s12 =	sadd.s32 $0x10, s31;
	v12 =	vshll.u32 v6, $0xD;
	v2 =	vadd.s32 v3, v2;
	v3 =	vor.u32 v8, v9  }
0xa8: {  	[tilespmem:s10+$0x0] =	vst v5;
	v5 =	vshrl.u32 v7, $0x13;
	v7 =	vadd.s32 s12, v0;
	v9 =	vshll.u32 v4, $0xD  }
0xa9: {  	v3 =	vxor.u32 v2, v3;
	v2 =	vadd.s32 $0x1BD11BF0, v2;
	v14 =	vshrl.u32 v7, $0x13  }
0xaa: {  	v15 =	vshll.u32 v7, $0xD;
	v5 =	vor.u32 v5, v9;
	v9 =	vor.u32 v11, v12  }
0xab: {  	v3 =	vadd.s32 $0x5, v3;
	v5 =	vxor.u32 v4, v5;
	v9 =	vxor.u32 v6, v9  }
0xac: {  	v8 =	vld [tilespmem:s30+$0x10];
	v2 =	vxor.u32 v2, v3;
	v3 =	vshrl.u32 v10, $0x13;
	v4 =	vadd.s32 v4, v5  }
0xad: {  	v11 =	vshrl.u32 v5, $0x11;
	v5 =	vshll.u32 v5, $0xF;
	v6 =	vadd.s32 v6, v9  }
0xae: {  	v12 =	vshrl.u32 v9, $0x11;
	v9 =	vshll.u32 v9, $0xF;
	vm15 =	vlt.u32 v2, $0xB3333400  }
0xaf: {  	v3 =	vor.u32 v3, v13;
	v5 =	vor.u32 v11, v5;
	v9 =	vor.u32 v12, v9  }
0xb0: {  	v2 =	vsel vm15, $0x3FB6DB6E, v1;
	v3 =	vxor.u32 v10, v3;
	v5 =	vxor.u32 v4, v5  }
0xb1: {  	v9 =	vxor.u32 v6, v9;
	v2 =	vmul.f32 v8, v2;
	v8 =	vor.u32 v14, v15  }
0xb2: {  	v10 =	vadd.s32 v10, v3;
	v13 =	vshrl.u32 v3, $0x11;
	v3 =	vshll.u32 v3, $0xF  }
0xb3: {  	v4 =	vadd.s32 v4, v5;
	v11 =	vshrl.u32 v5, $0x6;
	v5 =	vshll.u32 v5, $0x1A  }
0xb4: {  	v6 =	vadd.s32 v6, v9;
	v12 =	vshrl.u32 v9, $0x6;
	v9 =	vshll.u32 v9, $0x1A  }
0xb5: {  	v8 =	vxor.u32 v7, v8;
	v3 =	vor.u32 v13, v3;
	v5 =	vor.u32 v11, v5  }
0xb6: {  	v9 =	vor.u32 v12, v9;
	v7 =	vadd.s32 v7, v8;
	v14 =	vshrl.u32 v8, $0x11  }
0xb7: {  	v8 =	vshll.u32 v8, $0xF;
	v3 =	vxor.u32 v10, v3;
	v5 =	vxor.u32 v4, v5  }
0xb8: {  	v9 =	vxor.u32 v6, v9;
	v8 =	vor.u32 v14, v8;
	v10 =	vadd.s32 v10, v3  }
0xb9: {  	v13 =	vshrl.u32 v3, $0x6;
	v3 =	vshll.u32 v3, $0x1A;
	v4 =	vadd.s32 v4, v5  }
0xba: {  	v6 =	vadd.s32 v6, v9;
	v12 =	vshrl.u32 v9, $0x1A;
	v9 =	vshll.u32 v9, $0x6  }
0xbb: {  	v8 =	vxor.u32 v7, v8;
	v3 =	vor.u32 v13, v3;
	v9 =	vor.u32 v12, v9  }
0xbc: {  	v7 =	vadd.s32 v7, v8;
	v11 =	vshrl.u32 v8, $0x6;
	v8 =	vshll.u32 v8, $0x1A  }
0xbd: {  	v3 =	vxor.u32 v10, v3;
	v9 =	vxor.u32 v6, v9;
	v8 =	vor.u32 v11, v8  }
0xbe: {  	v11 =	vshrl.u32 v5, $0x1A;
	v5 =	vshll.u32 v5, $0x6;
	v10 =	vadd.s32 v10, v3  }
0xbf: {  	v13 =	vshrl.u32 v3, $0x1A;
	v3 =	vshll.u32 v3, $0x6;
	v9 =	vadd.s32 $0x1BD11BF1, v9  }
0xc0: {  	v8 =	vxor.u32 v7, v8;
	v5 =	vor.u32 v11, v5;
	v3 =	vor.u32 v13, v3  }
0xc1: {  	v6 =	vadd.s32 v9, v6;
	v12 =	vshrl.u32 v9, $0xF;
	v9 =	vshll.u32 v9, $0x11  }
0xc2: {  	v7 =	vadd.s32 v7, v8;
	v14 =	vshrl.u32 v8, $0x1A;
	v8 =	vshll.u32 v8, $0x6  }
0xc3: {  	v5 =	vxor.u32 v4, v5;
	v3 =	vxor.u32 v10, v3;
	v6 =	vadd.s32 $0x2A, v6  }
0xc4: {  	v9 =	vor.u32 v12, v9;
	v8 =	vor.u32 v14, v8;
	v5 =	vadd.s32 $0x1BD11BF1, v5  }
0xc5: {  	v3 =	vadd.s32 $0x1BD11BF1, v3;
	v9 =	vxor.u32 v6, v9;
	v8 =	vxor.u32 v7, v8  }
0xc6: {  	v4 =	vadd.s32 v5, v4;
	v11 =	vshrl.u32 v5, $0xF;
	v5 =	vshll.u32 v5, $0x11  }
0xc7: {  	v10 =	vadd.s32 v3, v10;
	v13 =	vshrl.u32 v3, $0xF;
	v3 =	vshll.u32 v3, $0x11  }
0xc8: {  	v6 =	vadd.s32 v6, v9;
	v12 =	vshrl.u32 v9, $0x3;
	v9 =	vshll.u32 v9, $0x1D  }
0xc9: {  	v8 =	vadd.s32 $0x1BD11BF1, v8;
	v4 =	vadd.s32 $0x2A, v4;
	v5 =	vor.u32 v11, v5  }
0xca: {  	v10 =	vadd.s32 $0x2A, v10;
	v3 =	vor.u32 v13, v3;
	v9 =	vor.u32 v12, v9  }
0xcb: {  	v7 =	vadd.s32 v8, v7;
	v14 =	vshrl.u32 v8, $0xF;
	v8 =	vshll.u32 v8, $0x11  }
0xcc: {  	v5 =	vxor.u32 v4, v5;
	v3 =	vxor.u32 v10, v3;
	v9 =	vxor.u32 v6, v9  }
0xcd: {  	v7 =	vadd.s32 $0x2A, v7;
	v8 =	vor.u32 v14, v8;
	v4 =	vadd.s32 v4, v5  }
0xce: {  	v11 =	vshrl.u32 v5, $0x3;
	v5 =	vshll.u32 v5, $0x1D;
	v10 =	vadd.s32 v10, v3  }
0xcf: {  	v13 =	vshrl.u32 v3, $0x3;
	v3 =	vshll.u32 v3, $0x1D;
	v6 =	vadd.s32 v6, v9  }
0xd0: {  	v12 =	vshrl.u32 v9, $0x10;
	v9 =	vshll.u32 v9, $0x10;
	v8 =	vxor.u32 v7, v8  }
0xd1: {  	v5 =	vor.u32 v11, v5;
	v3 =	vor.u32 v13, v3;
	v9 =	vor.u32 v12, v9  }
0xd2: {  	v7 =	vadd.s32 v7, v8;
	v14 =	vshrl.u32 v8, $0x3;
	v8 =	vshll.u32 v8, $0x1D  }
0xd3: {  	v5 =	vxor.u32 v4, v5;
	v3 =	vxor.u32 v10, v3;
	v9 =	vxor.u32 v6, v9  }
0xd4: {  	v8 =	vor.u32 v14, v8;
	v4 =	vadd.s32 v4, v5;
	v11 =	vshrl.u32 v5, $0x10  }
0xd5: {  	v5 =	vshll.u32 v5, $0x10;
	v10 =	vadd.s32 v10, v3;
	v13 =	vshrl.u32 v3, $0x10  }
0xd6: {  	v3 =	vshll.u32 v3, $0x10;
	v6 =	vadd.s32 v6, v9;
	v12 =	vshrl.u32 v9, $0x8  }
0xd7: {  	v9 =	vshll.u32 v9, $0x18;
	v8 =	vxor.u32 v7, v8;
	v5 =	vor.u32 v11, v5  }
0xd8: {  	v3 =	vor.u32 v13, v3;
	v9 =	vor.u32 v12, v9;
	v7 =	vadd.s32 v7, v8  }
0xd9: {  	v14 =	vshrl.u32 v8, $0x10;
	v8 =	vshll.u32 v8, $0x10;
	v5 =	vxor.u32 v4, v5  }
0xda: {  	v3 =	vxor.u32 v10, v3;
	v9 =	vxor.u32 v6, v9;
	v8 =	vor.u32 v14, v8  }
0xdb: {  	v4 =	vadd.s32 v4, v5;
	v11 =	vshrl.u32 v5, $0x8;
	v5 =	vshll.u32 v5, $0x18  }
0xdc: {  	v10 =	vadd.s32 v10, v3;
	v13 =	vshrl.u32 v3, $0x8;
	v3 =	vshll.u32 v3, $0x18  }
0xdd: {  	v9 =	vadd.s32 $0x2, v9;
	v8 =	vxor.u32 v7, v8;
	v5 =	vor.u32 v11, v5  }
0xde: {  	v3 =	vor.u32 v13, v3;
	v6 =	vadd.s32 v9, v6;
	v7 =	vadd.s32 v7, v8  }
0xdf: {  	v11 =	vshrl.u32 v8, $0x8;
	v8 =	vshll.u32 v8, $0x18;
	v5 =	vxor.u32 v4, v5  }
0xe0: {  	v3 =	vxor.u32 v10, v3;
	v8 =	vor.u32 v11, v8;
	v5 =	vadd.s32 $0x2, v5  }
0xe1: {  	v12 =	vadd.s32 $0x2, v3;
	v8 =	vxor.u32 v7, v8;
	v13 =	vadd.s32 v5, v4  }
0xe2: {  	v4 =	vshrl.u32 v5, $0x13;
	v5 =	vshll.u32 v5, $0xD;
	v3 =	vadd.s32 v12, v10  }
0xe3: {  	v10 =	vshrl.u32 v12, $0x13;
	v12 =	vshll.u32 v12, $0xD;
	v14 =	vadd.s32 $0x2, v8  }
0xe4: {  	s11 =	simm.s32 $0x60;
	[tilespmem:s10+$0x10] =	vst v2;
	v8 =	vshrl.u32 v9, $0x13;
	v9 =	vshll.u32 v9, $0xD;
	v11 =	vadd.s32 v14, v7  }
0xe5: {  	s12 =	simm.s32 $0x80;
	v2 =	vld [tilespmem:s11+$0xFFFFFFE0];
	v7 =	vadd.s32 $0x1BD11BF0, v13;
	v13 =	vshrl.u32 v14, $0x13;
	v14 =	vshll.u32 v14, $0xD  }
.LBB2_3:
0xe6: {  	p0 =	sne.s32 s12, $0xFC0;
	v4 =	vor.u32 v4, v5;
	v5 =	vadd.s32 $0x1BD11BF0, v6;
	v6 =	vor.u32 v8, v9  }
0xe7: {  	v8 =	vadd.s32 $0x1BD11BF0, v11;
	v3 =	vadd.s32 $0x1BD11BF0, v3;
	v9 =	vor.u32 v10, v12  }
0xe8: {  	v10 =	vor.u32 v13, v14;
	v4 =	vxor.u32 v7, v4;
	v6 =	vxor.u32 v5, v6  }
0xe9: {  	v10 =	vxor.u32 v8, v10;
	v9 =	vxor.u32 v3, v9;
	v7 =	vadd.s32 v7, v4  }
0xea: {  	v11 =	vshrl.u32 v4, $0x11;
	v4 =	vshll.u32 v4, $0xF;
	v5 =	vadd.s32 v5, v6  }
0xeb: {  	v3 =	vadd.s32 v3, v9;
	v12 =	vshrl.u32 v6, $0x11;
	v6 =	vshll.u32 v6, $0xF  }
0xec: {  	v8 =	vadd.s32 v8, v10;
	v13 =	vshrl.u32 v9, $0x11;
	v9 =	vshll.u32 v9, $0xF  }
0xed: {  	v4 =	vor.u32 v11, v4;
	v11 =	vshrl.u32 v10, $0x11;
	v10 =	vshll.u32 v10, $0xF  }
0xee: {  	v9 =	vor.u32 v13, v9;
	v6 =	vor.u32 v12, v6;
	v10 =	vor.u32 v11, v10  }
0xef: {  	v4 =	vxor.u32 v7, v4;
	v9 =	vxor.u32 v3, v9;
	v6 =	vxor.u32 v5, v6  }
0xf0: {  	v7 =	vadd.s32 v7, v4;
	v11 =	vshrl.u32 v4, $0x6;
	v10 =	vxor.u32 v8, v10  }
0xf1: {  	v4 =	vshll.u32 v4, $0x1A;
	v5 =	vadd.s32 v5, v6;
	v12 =	vshrl.u32 v6, $0x6  }
0xf2: {  	v3 =	vadd.s32 v3, v9;
	v13 =	vshrl.u32 v9, $0x6;
	v6 =	vshll.u32 v6, $0x1A  }
0xf3: {  	v9 =	vshll.u32 v9, $0x1A;
	v8 =	vadd.s32 v8, v10;
	v14 =	vshrl.u32 v10, $0x6  }
0xf4: {  	v4 =	vor.u32 v11, v4;
	v10 =	vshll.u32 v10, $0x1A;
	v6 =	vor.u32 v12, v6  }
0xf5: {  	v9 =	vor.u32 v13, v9;
	v4 =	vxor.u32 v7, v4;
	v10 =	vor.u32 v14, v10  }
0xf6: {  	v9 =	vxor.u32 v3, v9;
	v6 =	vxor.u32 v5, v6;
	v10 =	vxor.u32 v8, v10  }
0xf7: {  	v7 =	vadd.s32 v7, v4;
	v11 =	vshrl.u32 v4, $0x1A;
	v4 =	vshll.u32 v4, $0x6  }
0xf8: {  	v5 =	vadd.s32 v5, v6;
	v12 =	vshrl.u32 v6, $0x1A;
	v6 =	vshll.u32 v6, $0x6  }
0xf9: {  	v3 =	vadd.s32 v3, v9;
	v13 =	vshrl.u32 v9, $0x1A;
	v9 =	vshll.u32 v9, $0x6  }
0xfa: {  	v8 =	vadd.s32 v8, v10;
	v14 =	vshrl.u32 v10, $0x1A;
	v10 =	vshll.u32 v10, $0x6  }
0xfb: {  	v4 =	vor.u32 v11, v4;
	v9 =	vor.u32 v13, v9;
	v6 =	vor.u32 v12, v6  }
0xfc: {  	v4 =	vxor.u32 v7, v4;
	v10 =	vor.u32 v14, v10;
	v6 =	vxor.u32 v5, v6  }
0xfd: {  	v9 =	vxor.u32 v3, v9;
	v4 =	vadd.s32 $0x2D, v4;
	v10 =	vxor.u32 v8, v10  }
0xfe: {  	v9 =	vadd.s32 $0x2D, v9;
	v6 =	vadd.s32 $0x2D, v6;
	v10 =	vadd.s32 $0x2D, v10  }
0xff: {  	v7 =	vadd.s32 v7, v4;
	v11 =	vshrl.u32 v4, $0xF;
	v4 =	vshll.u32 v4, $0x11  }
0x100: {  	v5 =	vadd.s32 v5, v6;
	v12 =	vshrl.u32 v6, $0xF;
	v6 =	vshll.u32 v6, $0x11  }
0x101: {  	v3 =	vadd.s32 v3, v9;
	v13 =	vshrl.u32 v9, $0xF;
	v9 =	vshll.u32 v9, $0x11  }
0x102: {  	v8 =	vadd.s32 v8, v10;
	v14 =	vshrl.u32 v10, $0xF;
	v10 =	vshll.u32 v10, $0x11  }
0x103: {  	v4 =	vor.u32 v11, v4;
	v9 =	vor.u32 v13, v9;
	v6 =	vor.u32 v12, v6  }
0x104: {  	v4 =	vxor.u32 v7, v4;
	v10 =	vor.u32 v14, v10;
	v6 =	vxor.u32 v5, v6  }
0x105: {  	v9 =	vxor.u32 v3, v9;
	v7 =	vadd.s32 v7, v4;
	v10 =	vxor.u32 v8, v10  }
0x106: {  	v11 =	vshrl.u32 v4, $0x3;
	v4 =	vshll.u32 v4, $0x1D;
	v5 =	vadd.s32 v5, v6  }
0x107: {  	v3 =	vadd.s32 v3, v9;
	v12 =	vshrl.u32 v6, $0x3;
	v6 =	vshll.u32 v6, $0x1D  }
0x108: {  	v13 =	vshrl.u32 v9, $0x3;
	v9 =	vshll.u32 v9, $0x1D;
	v8 =	vadd.s32 v8, v10  }
0x109: {  	v4 =	vor.u32 v11, v4;
	v11 =	vshrl.u32 v10, $0x3;
	v10 =	vshll.u32 v10, $0x1D  }
0x10a: {  	v9 =	vor.u32 v13, v9;
	v6 =	vor.u32 v12, v6;
	v10 =	vor.u32 v11, v10  }
0x10b: {  	v4 =	vxor.u32 v7, v4;
	v9 =	vxor.u32 v3, v9;
	v6 =	vxor.u32 v5, v6  }
0x10c: {  	v7 =	vadd.s32 v7, v4;
	v11 =	vshrl.u32 v4, $0x10;
	v10 =	vxor.u32 v8, v10  }
0x10d: {  	v4 =	vshll.u32 v4, $0x10;
	v5 =	vadd.s32 v5, v6;
	v12 =	vshrl.u32 v6, $0x10  }
0x10e: {  	v3 =	vadd.s32 v3, v9;
	v13 =	vshrl.u32 v9, $0x10;
	v6 =	vshll.u32 v6, $0x10  }
0x10f: {  	v9 =	vshll.u32 v9, $0x10;
	v8 =	vadd.s32 v8, v10;
	v14 =	vshrl.u32 v10, $0x10  }
0x110: {  	v4 =	vor.u32 v11, v4;
	v10 =	vshll.u32 v10, $0x10;
	v6 =	vor.u32 v12, v6  }
0x111: {  	v9 =	vor.u32 v13, v9;
	v4 =	vxor.u32 v7, v4;
	v10 =	vor.u32 v14, v10  }
0x112: {  	v9 =	vxor.u32 v3, v9;
	v6 =	vxor.u32 v5, v6;
	v10 =	vxor.u32 v8, v10  }
0x113: {  	v7 =	vadd.s32 v7, v4;
	v11 =	vshrl.u32 v4, $0x8;
	v4 =	vshll.u32 v4, $0x18  }
0x114: {  	v5 =	vadd.s32 v5, v6;
	v12 =	vshrl.u32 v6, $0x8;
	v6 =	vshll.u32 v6, $0x18  }
0x115: {  	v3 =	vadd.s32 v3, v9;
	v13 =	vshrl.u32 v9, $0x8;
	v9 =	vshll.u32 v9, $0x18  }
0x116: {  	v8 =	vadd.s32 v8, v10;
	v14 =	vshrl.u32 v10, $0x8;
	v10 =	vshll.u32 v10, $0x18  }
0x117: {  	v4 =	vor.u32 v11, v4;
	v9 =	vor.u32 v13, v9;
	v6 =	vor.u32 v12, v6  }
0x118: {  	v4 =	vxor.u32 v7, v4;
	v10 =	vor.u32 v14, v10;
	v6 =	vxor.u32 v5, v6  }
0x119: {  	v9 =	vxor.u32 v3, v9;
	v4 =	vadd.s32 $0x1BD11BF4, v4;
	v10 =	vxor.u32 v8, v10  }
0x11a: {  	v9 =	vadd.s32 $0x1BD11BF4, v9;
	v6 =	vadd.s32 $0x1BD11BF4, v6;
	v10 =	vadd.s32 $0x1BD11BF4, v10  }
0x11b: {  	v7 =	vadd.s32 v4, v7;
	v11 =	vshrl.u32 v4, $0x13;
	v4 =	vshll.u32 v4, $0xD  }
0x11c: {  	v5 =	vadd.s32 v6, v5;
	v7 =	vadd.s32 $0x2A, v7;
	v4 =	vor.u32 v11, v4  }
0x11d: {  	v11 =	vshrl.u32 v6, $0x13;
	v6 =	vshll.u32 v6, $0xD;
	v4 =	vxor.u32 v7, v4  }
0x11e: {  	v3 =	vadd.s32 v9, v3;
	v12 =	vshrl.u32 v4, $0x11;
	v13 =	vshll.u32 v4, $0xF  }
0x11f: {  	v4 =	vadd.s32 v7, v4;
	v7 =	vor.u32 v12, v13;
	v12 =	vshrl.u32 v9, $0x13  }
0x120: {  	v8 =	vadd.s32 v10, v8;
	v9 =	vshll.u32 v9, $0xD;
	v7 =	vxor.u32 v4, v7  }
0x121: {  	v15 =	vshrl.u32 v10, $0x13;
	v13 =	vshrl.u32 v7, $0x6;
	v14 =	vshll.u32 v7, $0x1A  }
0x122: {  	v10 =	vshll.u32 v10, $0xD;
	v4 =	vadd.s32 v4, v7;
	v7 =	vor.u32 v13, v14  }
0x123: {  	v8 =	vadd.s32 $0x2A, v8;
	v10 =	vor.u32 v15, v10;
	v7 =	vxor.u32 v4, v7  }
0x124: {  	v10 =	vxor.u32 v8, v10;
	v13 =	vshrl.u32 v7, $0x1A;
	v14 =	vshll.u32 v7, $0x6  }
0x125: {  	v8 =	vadd.s32 v8, v10;
	v4 =	vadd.s32 v4, v7;
	v7 =	vor.u32 v13, v14  }
0x126: {  	v13 =	vshrl.u32 v10, $0x11;
	v10 =	vshll.u32 v10, $0xF;
	v7 =	vxor.u32 v4, v7  }
0x127: {  	v4 =	vadd.s32 $0x1BD11BF0, v4;
	v10 =	vor.u32 v13, v10;
	v7 =	vadd.s32 $0x5, v7  }
0x128: {  	v3 =	vadd.s32 $0x2A, v3;
	v4 =	vxor.u32 v4, v7;
	v7 =	vxor.u32 v8, v10  }
0x129: {  	vm0 =	vlt.u32 v4, $0xB3333400;
	v4 =	vshrl.u32 v7, $0x6;
	v10 =	vshll.u32 v7, $0x1A  }
0x12a: {  	v7 =	vadd.s32 v8, v7;
	v13 =	vsel vm0, $0x3FB6DB6E, v1;
	v4 =	vor.u32 v4, v10  }
0x12b: {  	v8 =	vor.u32 v12, v9;
	v2 =	vmul.f32 v2, v13;
	v4 =	vxor.u32 v7, v4  }
0x12c: {  	s10 =	sadd.s32 $0x40, s10;
	v8 =	vxor.u32 v3, v8;
	v9 =	vshrl.u32 v4, $0x1A;
	v10 =	vshll.u32 v4, $0x6  }
0x12d: {  	v3 =	vadd.s32 v3, v8;
	[tilespmem:s10+$0xFFFFFFE0] =	vst v2;
	v2 =	vadd.s32 v7, v4;
	v4 =	vor.u32 v9, v10  }
0x12e: {  	v9 =	vshrl.u32 v8, $0x11;
	v8 =	vshll.u32 v8, $0xF;
	v4 =	vxor.u32 v2, v4;
	v7 =	vld [tilespmem:s11+$0xFFFFFFF0]  }
0x12f: {  	v2 =	vadd.s32 $0x1BD11BF0, v2;
	v8 =	vor.u32 v9, v8;
	v4 =	vadd.s32 $0x5, v4  }
0x130: {  	v5 =	vadd.s32 $0x2A, v5;
	v2 =	vxor.u32 v2, v4;
	v4 =	vxor.u32 v3, v8  }
0x131: {  	vm0 =	vlt.u32 v2, $0xB3333400;
	v2 =	vshrl.u32 v4, $0x6;
	v8 =	vshll.u32 v4, $0x1A  }
0x132: {  	v3 =	vadd.s32 v3, v4;
	v9 =	vsel vm0, $0x3FB6DB6E, v1;
	v2 =	vor.u32 v2, v8  }
0x133: {  	v6 =	vor.u32 v11, v6;
	v4 =	vmul.f32 v7, v9;
	v2 =	vxor.u32 v3, v2  }
0x134: {  	v6 =	vxor.u32 v5, v6;
	v7 =	vshrl.u32 v2, $0x1A;
	v8 =	vshll.u32 v2, $0x6  }
0x135: {  	v2 =	vadd.s32 v3, v2;
	[tilespmem:s10+$0xFFFFFFF0] =	vst v4;
	v3 =	vor.u32 v7, v8;
	v4 =	vadd.s32 v5, v6  }
0x136: {  	v7 =	vshrl.u32 v6, $0x11;
	v6 =	vshll.u32 v6, $0xF;
	v3 =	vxor.u32 v2, v3;
	v5 =	vld [tilespmem:s11+$0x0]  }
0x137: {  	s13 =	sadd.s32 s12, s6;
	v2 =	vadd.s32 $0x1BD11BF0, v2;
	v6 =	vor.u32 v7, v6;
	v3 =	vadd.s32 $0x5, v3  }
0x138: {  	v7 =	vmov s13;
	v2 =	vxor.u32 v2, v3;
	v3 =	vxor.u32 v4, v6  }
0x139: {  	vm0 =	vlt.u32 v2, $0xB3333400;
	v2 =	vshrl.u32 v3, $0x6;
	v6 =	vshll.u32 v3, $0x1A  }
0x13a: {  	v3 =	vadd.s32 v4, v3;
	v8 =	vsel vm0, $0x3FB6DB6E, v1;
	v2 =	vor.u32 v2, v6  }
0x13b: {  	s14 =	sadd.s32 $0x30, s13;
	v4 =	vor.u32 s13, v0;
	v5 =	vmul.f32 v5, v8;
	v2 =	vxor.u32 v3, v2  }
0x13c: {  	s15 =	sadd.s32 $0x20, s13;
	v6 =	vadd.s32 s14, v0;
	v8 =	vshrl.u32 v2, $0x1A;
	v9 =	vshll.u32 v2, $0x6  }
0x13d: {  	v10 =	vadd.s32 s15, v0;
	s13 =	sadd.s32 $0x10, s13;
	v2 =	vadd.s32 v3, v2;
	[tilespmem:s10+$0x0] =	vst v5;
	v3 =	vor.u32 v8, v9  }
0x13e: {  	v5 =	vshrl.u32 v7, $0x13;
	v7 =	vadd.s32 s13, v0;
	v3 =	vxor.u32 v2, v3;
	v8 =	vld [tilespmem:s11+$0x10]  }
0x13f: {  	v9 =	vshll.u32 v4, $0xD;
	v2 =	vadd.s32 $0x1BD11BF0, v2;
	v3 =	vadd.s32 $0x5, v3  }
0x140: {  	v11 =	vshrl.u32 v6, $0x13;
	v12 =	vshll.u32 v6, $0xD;
	v2 =	vxor.u32 v2, v3  }
0x141: {  	v13 =	vshll.u32 v10, $0xD;
	v3 =	vshrl.u32 v10, $0x13;
	vm0 =	vlt.u32 v2, $0xB3333400  }
0x142: {  	v14 =	vshll.u32 v7, $0xD;
	v2 =	vshrl.u32 v7, $0x13;
	v15 =	vsel vm0, $0x3FB6DB6E, v1  }
0x143: {  	v5 =	vor.u32 v5, v9;
	v9 =	vor.u32 v11, v12;
	v8 =	vmul.f32 v8, v15  }
0x144: {  	v5 =	vxor.u32 v4, v5;
	v3 =	vor.u32 v3, v13;
	v2 =	vor.u32 v2, v14  }
0x145: {  	s11 =	sadd.s32 $0x40, s11;
	v9 =	vxor.u32 v6, v9;
	v3 =	vxor.u32 v10, v3;
	v11 =	vxor.u32 v7, v2;
	[tilespmem:s10+$0x10] =	vst v8  }
0x146: {  	v4 =	vadd.s32 v4, v5;
	v8 =	vshrl.u32 v5, $0x11;
	v5 =	vshll.u32 v5, $0xF;
	v2 =	vld [tilespmem:s11+$0xFFFFFFE0]  }
0x147: {  	v6 =	vadd.s32 v6, v9;
	v12 =	vshrl.u32 v9, $0x11;
	v9 =	vshll.u32 v9, $0xF  }
0x148: {  	v10 =	vadd.s32 v10, v3;
	v13 =	vshrl.u32 v3, $0x11;
	v3 =	vshll.u32 v3, $0xF  }
0x149: {  	v7 =	vadd.s32 v7, v11;
	v14 =	vshrl.u32 v11, $0x11;
	v11 =	vshll.u32 v11, $0xF  }
0x14a: {  	v3 =	vor.u32 v13, v3;
	v5 =	vor.u32 v8, v5;
	v8 =	vor.u32 v12, v9  }
0x14b: {  	v9 =	vor.u32 v14, v11;
	v5 =	vxor.u32 v4, v5;
	v8 =	vxor.u32 v6, v8  }
0x14c: {  	v3 =	vxor.u32 v10, v3;
	v9 =	vxor.u32 v7, v9;
	v4 =	vadd.s32 v4, v5  }
0x14d: {  	v11 =	vshrl.u32 v5, $0x6;
	v5 =	vshll.u32 v5, $0x1A;
	v6 =	vadd.s32 v6, v8  }
0x14e: {  	v10 =	vadd.s32 v10, v3;
	v12 =	vshrl.u32 v8, $0x6;
	v8 =	vshll.u32 v8, $0x1A  }
0x14f: {  	v13 =	vshrl.u32 v3, $0x6;
	v3 =	vshll.u32 v3, $0x1A;
	v7 =	vadd.s32 v7, v9  }
0x150: {  	v5 =	vor.u32 v11, v5;
	v11 =	vshrl.u32 v9, $0x6;
	v9 =	vshll.u32 v9, $0x1A  }
0x151: {  	v3 =	vor.u32 v13, v3;
	v8 =	vor.u32 v12, v8;
	v9 =	vor.u32 v11, v9  }
0x152: {  	v3 =	vxor.u32 v10, v3;
	v5 =	vxor.u32 v4, v5;
	v8 =	vxor.u32 v6, v8  }
0x153: {  	v4 =	vadd.s32 v4, v5;
	v11 =	vshrl.u32 v5, $0x1A;
	v9 =	vxor.u32 v7, v9  }
0x154: {  	v5 =	vshll.u32 v5, $0x6;
	v6 =	vadd.s32 v6, v8;
	v12 =	vshrl.u32 v8, $0x1A  }
0x155: {  	v10 =	vadd.s32 v10, v3;
	v13 =	vshrl.u32 v3, $0x1A;
	v8 =	vshll.u32 v8, $0x6  }
0x156: {  	v3 =	vshll.u32 v3, $0x6;
	v7 =	vadd.s32 v7, v9;
	v14 =	vshrl.u32 v9, $0x1A  }
0x157: {  	v5 =	vor.u32 v11, v5;
	v9 =	vshll.u32 v9, $0x6;
	v8 =	vor.u32 v12, v8  }
0x158: {  	v3 =	vor.u32 v13, v3;
	v5 =	vxor.u32 v4, v5;
	v9 =	vor.u32 v14, v9  }
0x159: {  	v3 =	vxor.u32 v10, v3;
	v8 =	vxor.u32 v6, v8;
	v9 =	vxor.u32 v7, v9  }
0x15a: {  	v3 =	vadd.s32 $0x1BD11BF1, v3;
	v5 =	vadd.s32 $0x1BD11BF1, v5;
	v8 =	vadd.s32 $0x1BD11BF1, v8  }
0x15b: {  	v4 =	vadd.s32 v5, v4;
	v11 =	vshrl.u32 v5, $0xF;
	v9 =	vadd.s32 $0x1BD11BF1, v9  }
0x15c: {  	v5 =	vshll.u32 v5, $0x11;
	v6 =	vadd.s32 v8, v6;
	v12 =	vshrl.u32 v8, $0xF  }
0x15d: {  	v10 =	vadd.s32 v3, v10;
	v13 =	vshrl.u32 v3, $0xF;
	v8 =	vshll.u32 v8, $0x11  }
0x15e: {  	v3 =	vshll.u32 v3, $0x11;
	v7 =	vadd.s32 v9, v7;
	v14 =	vshrl.u32 v9, $0xF  }
0x15f: {  	v4 =	vadd.s32 $0x2A, v4;
	v5 =	vor.u32 v11, v5;
	v9 =	vshll.u32 v9, $0x11  }
0x160: {  	v10 =	vadd.s32 $0x2A, v10;
	v6 =	vadd.s32 $0x2A, v6;
	v8 =	vor.u32 v12, v8  }
0x161: {  	v3 =	vor.u32 v13, v3;
	v7 =	vadd.s32 $0x2A, v7;
	v9 =	vor.u32 v14, v9  }
0x162: {  	v3 =	vxor.u32 v10, v3;
	v5 =	vxor.u32 v4, v5;
	v8 =	vxor.u32 v6, v8  }
0x163: {  	v4 =	vadd.s32 v4, v5;
	v11 =	vshrl.u32 v5, $0x3;
	v9 =	vxor.u32 v7, v9  }
0x164: {  	v5 =	vshll.u32 v5, $0x1D;
	v6 =	vadd.s32 v6, v8;
	v12 =	vshrl.u32 v8, $0x3  }
0x165: {  	v10 =	vadd.s32 v10, v3;
	v13 =	vshrl.u32 v3, $0x3;
	v8 =	vshll.u32 v8, $0x1D  }
0x166: {  	v3 =	vshll.u32 v3, $0x1D;
	v7 =	vadd.s32 v7, v9;
	v14 =	vshrl.u32 v9, $0x3  }
0x167: {  	v5 =	vor.u32 v11, v5;
	v9 =	vshll.u32 v9, $0x1D;
	v8 =	vor.u32 v12, v8  }
0x168: {  	v3 =	vor.u32 v13, v3;
	v5 =	vxor.u32 v4, v5;
	v9 =	vor.u32 v14, v9  }
0x169: {  	v3 =	vxor.u32 v10, v3;
	v8 =	vxor.u32 v6, v8;
	v9 =	vxor.u32 v7, v9  }
0x16a: {  	v4 =	vadd.s32 v4, v5;
	v11 =	vshrl.u32 v5, $0x10;
	v5 =	vshll.u32 v5, $0x10  }
0x16b: {  	v6 =	vadd.s32 v6, v8;
	v12 =	vshrl.u32 v8, $0x10;
	v8 =	vshll.u32 v8, $0x10  }
0x16c: {  	v10 =	vadd.s32 v10, v3;
	v13 =	vshrl.u32 v3, $0x10;
	v3 =	vshll.u32 v3, $0x10  }
0x16d: {  	v7 =	vadd.s32 v7, v9;
	v14 =	vshrl.u32 v9, $0x10;
	v9 =	vshll.u32 v9, $0x10  }
0x16e: {  	v3 =	vor.u32 v13, v3;
	v5 =	vor.u32 v11, v5;
	v8 =	vor.u32 v12, v8  }
0x16f: {  	v5 =	vxor.u32 v4, v5;
	v9 =	vor.u32 v14, v9;
	v8 =	vxor.u32 v6, v8  }
0x170: {  	v3 =	vxor.u32 v10, v3;
	v4 =	vadd.s32 v4, v5;
	v9 =	vxor.u32 v7, v9  }
0x171: {  	v11 =	vshrl.u32 v5, $0x8;
	v5 =	vshll.u32 v5, $0x18;
	v6 =	vadd.s32 v6, v8  }
0x172: {  	v10 =	vadd.s32 v10, v3;
	v12 =	vshrl.u32 v8, $0x8;
	v8 =	vshll.u32 v8, $0x18  }
0x173: {  	v13 =	vshrl.u32 v3, $0x8;
	v3 =	vshll.u32 v3, $0x18;
	v7 =	vadd.s32 v7, v9  }
0x174: {  	v5 =	vor.u32 v11, v5;
	v11 =	vshrl.u32 v9, $0x8;
	v9 =	vshll.u32 v9, $0x18  }
0x175: {  	v3 =	vor.u32 v13, v3;
	v8 =	vor.u32 v12, v8;
	v9 =	vor.u32 v11, v9  }
0x176: {  	v3 =	vxor.u32 v10, v3;
	v5 =	vxor.u32 v4, v5;
	v8 =	vxor.u32 v6, v8  }
0x177: {  	v5 =	vadd.s32 $0x2, v5;
	v9 =	vxor.u32 v7, v9;
	v11 =	vadd.s32 $0x2, v8  }
.Ltmp1:
0x178: {  	v12 =	vadd.s32 $0x2, v3;
	v13 =	vadd.s32 v5, v4;
	v14 =	vadd.s32 $0x2, v9;
	(pc) =	sbr.rel @p0 .LBB2_3-.Ltmp1, $4  }
0x179: {  	v4 =	vshrl.u32 v5, $0x13;
	v5 =	vshll.u32 v5, $0xD;
	v6 =	vadd.s32 v11, v6  }
0x17a: {  	v3 =	vadd.s32 v12, v10;
	v8 =	vshrl.u32 v11, $0x13;
	v9 =	vshll.u32 v11, $0xD  }
0x17b: {  	v10 =	vshrl.u32 v12, $0x13;
	v12 =	vshll.u32 v12, $0xD;
	v11 =	vadd.s32 v14, v7  }
0x17c: {  	s12 =	sadd.s32 $0x40, s12;
	v7 =	vadd.s32 $0x1BD11BF0, v13;
	v13 =	vshrl.u32 v14, $0x13;
	v14 =	vshll.u32 v14, $0xD  }
0x17d: {  	v4 =	vor.u32 v4, v5;
	v45 =	vadd.s32 $0x1BD11BF0, v6;
	v46 =	vor.u32 v8, v9  }
0x17e: {  	v47 =	vadd.s32 $0x1BD11BF0, v11;
	v3 =	vadd.s32 $0x1BD11BF0, v3;
	v48 =	vor.u32 v10, v12  }
0x17f: {  	v49 =	vor.u32 v13, v14;
	v4 =	vxor.u32 v7, v4;
	v6 =	vxor.u32 v45, v46  }
0x180: {  	v10 =	vxor.u32 v47, v49;
	v9 =	vxor.u32 v3, v48;
	v7 =	vadd.s32 v7, v4  }
0x181: {  	v50 =	vshrl.u32 v4, $0x11;
	v4 =	vshll.u32 v4, $0xF;
	v5 =	vadd.s32 v45, v6  }
0x182: {  	v3 =	vadd.s32 v3, v9;
	v51 =	vshrl.u32 v6, $0x11;
	v6 =	vshll.u32 v6, $0xF  }
0x183: {  	v8 =	vadd.s32 v47, v10;
	v52 =	vshrl.u32 v9, $0x11;
	v9 =	vshll.u32 v9, $0xF  }
0x184: {  	v53 =	vshrl.u32 v10, $0x11;
	v10 =	vshll.u32 v10, $0xF;
	v4 =	vor.u32 v50, v4  }
0x185: {  	v10 =	vor.u32 v53, v10;
	v9 =	vor.u32 v52, v9;
	v6 =	vor.u32 v51, v6  }
0x186: {  	v4 =	vxor.u32 v7, v4;
	v9 =	vxor.u32 v3, v9;
	v6 =	vxor.u32 v5, v6  }
0x187: {  	v10 =	vxor.u32 v8, v10;
	v7 =	vadd.s32 v7, v4;
	v54 =	vshrl.u32 v4, $0x6  }
0x188: {  	v4 =	vshll.u32 v4, $0x1A;
	v5 =	vadd.s32 v5, v6;
	v55 =	vshrl.u32 v6, $0x6  }
0x189: {  	v3 =	vadd.s32 v3, v9;
	v56 =	vshrl.u32 v9, $0x6;
	v6 =	vshll.u32 v6, $0x1A  }
0x18a: {  	v8 =	vadd.s32 v8, v10;
	v57 =	vshrl.u32 v10, $0x6;
	v9 =	vshll.u32 v9, $0x1A  }
0x18b: {  	v10 =	vshll.u32 v10, $0x1A;
	v4 =	vor.u32 v54, v4;
	v6 =	vor.u32 v55, v6  }
0x18c: {  	v10 =	vor.u32 v57, v10;
	v9 =	vor.u32 v56, v9;
	v4 =	vxor.u32 v7, v4  }
0x18d: {  	v10 =	vxor.u32 v8, v10;
	v9 =	vxor.u32 v3, v9;
	v6 =	vxor.u32 v5, v6  }
0x18e: {  	v7 =	vadd.s32 v7, v4;
	v58 =	vshrl.u32 v4, $0x1A;
	v4 =	vshll.u32 v4, $0x6  }
0x18f: {  	v5 =	vadd.s32 v5, v6;
	v59 =	vshrl.u32 v6, $0x1A;
	v6 =	vshll.u32 v6, $0x6  }
0x190: {  	v3 =	vadd.s32 v3, v9;
	v60 =	vshrl.u32 v9, $0x1A;
	v9 =	vshll.u32 v9, $0x6  }
0x191: {  	v8 =	vadd.s32 v8, v10;
	v61 =	vshrl.u32 v10, $0x1A;
	v10 =	vshll.u32 v10, $0x6  }
0x192: {  	v4 =	vor.u32 v58, v4;
	v9 =	vor.u32 v60, v9;
	v6 =	vor.u32 v59, v6  }
0x193: {  	v10 =	vor.u32 v61, v10;
	v4 =	vxor.u32 v7, v4;
	v6 =	vxor.u32 v5, v6  }
0x194: {  	v10 =	vxor.u32 v8, v10;
	v9 =	vxor.u32 v3, v9;
	v4 =	vadd.s32 $0x2D, v4  }
0x195: {  	v10 =	vadd.s32 $0x2D, v10;
	v9 =	vadd.s32 $0x2D, v9;
	v6 =	vadd.s32 $0x2D, v6  }
0x196: {  	v7 =	vadd.s32 v7, v4;
	v62 =	vshrl.u32 v4, $0xF;
	v4 =	vshll.u32 v4, $0x11  }
0x197: {  	v5 =	vadd.s32 v5, v6;
	v63 =	vshrl.u32 v6, $0xF;
	v6 =	vshll.u32 v6, $0x11  }
0x198: {  	v3 =	vadd.s32 v3, v9;
	v16 =	vshrl.u32 v9, $0xF;
	v9 =	vshll.u32 v9, $0x11  }
0x199: {  	v8 =	vadd.s32 v8, v10;
	v17 =	vshrl.u32 v10, $0xF;
	v10 =	vshll.u32 v10, $0x11  }
0x19a: {  	v4 =	vor.u32 v62, v4;
	v9 =	vor.u32 v16, v9;
	v6 =	vor.u32 v63, v6  }
0x19b: {  	v10 =	vor.u32 v17, v10;
	v4 =	vxor.u32 v7, v4;
	v6 =	vxor.u32 v5, v6  }
0x19c: {  	v10 =	vxor.u32 v8, v10;
	v9 =	vxor.u32 v3, v9;
	v7 =	vadd.s32 v7, v4  }
0x19d: {  	v18 =	vshrl.u32 v4, $0x3;
	v4 =	vshll.u32 v4, $0x1D;
	v5 =	vadd.s32 v5, v6  }
0x19e: {  	v3 =	vadd.s32 v3, v9;
	v19 =	vshrl.u32 v6, $0x3;
	v6 =	vshll.u32 v6, $0x1D  }
0x19f: {  	v8 =	vadd.s32 v8, v10;
	v20 =	vshrl.u32 v9, $0x3;
	v9 =	vshll.u32 v9, $0x1D  }
0x1a0: {  	v21 =	vshrl.u32 v10, $0x3;
	v10 =	vshll.u32 v10, $0x1D;
	v4 =	vor.u32 v18, v4  }
0x1a1: {  	v10 =	vor.u32 v21, v10;
	v9 =	vor.u32 v20, v9;
	v6 =	vor.u32 v19, v6  }
0x1a2: {  	v4 =	vxor.u32 v7, v4;
	v9 =	vxor.u32 v3, v9;
	v6 =	vxor.u32 v5, v6  }
0x1a3: {  	v10 =	vxor.u32 v8, v10;
	v7 =	vadd.s32 v7, v4;
	v22 =	vshrl.u32 v4, $0x10  }
0x1a4: {  	v4 =	vshll.u32 v4, $0x10;
	v5 =	vadd.s32 v5, v6;
	v23 =	vshrl.u32 v6, $0x10  }
0x1a5: {  	v3 =	vadd.s32 v3, v9;
	v24 =	vshrl.u32 v9, $0x10;
	v6 =	vshll.u32 v6, $0x10  }
0x1a6: {  	v8 =	vadd.s32 v8, v10;
	v25 =	vshrl.u32 v10, $0x10;
	v9 =	vshll.u32 v9, $0x10  }
0x1a7: {  	v10 =	vshll.u32 v10, $0x10;
	v4 =	vor.u32 v22, v4;
	v6 =	vor.u32 v23, v6  }
0x1a8: {  	v10 =	vor.u32 v25, v10;
	v9 =	vor.u32 v24, v9;
	v4 =	vxor.u32 v7, v4  }
0x1a9: {  	v10 =	vxor.u32 v8, v10;
	v9 =	vxor.u32 v3, v9;
	v6 =	vxor.u32 v5, v6  }
0x1aa: {  	v7 =	vadd.s32 v7, v4;
	v26 =	vshrl.u32 v4, $0x8;
	v4 =	vshll.u32 v4, $0x18  }
0x1ab: {  	v5 =	vadd.s32 v5, v6;
	v27 =	vshrl.u32 v6, $0x8;
	v6 =	vshll.u32 v6, $0x18  }
0x1ac: {  	v3 =	vadd.s32 v3, v9;
	v28 =	vshrl.u32 v9, $0x8;
	v9 =	vshll.u32 v9, $0x18  }
0x1ad: {  	v8 =	vadd.s32 v8, v10;
	v29 =	vshrl.u32 v10, $0x8;
	v10 =	vshll.u32 v10, $0x18  }
0x1ae: {  	v4 =	vor.u32 v26, v4;
	v9 =	vor.u32 v28, v9;
	v6 =	vor.u32 v27, v6  }
0x1af: {  	v10 =	vor.u32 v29, v10;
	v4 =	vxor.u32 v7, v4;
	v6 =	vxor.u32 v5, v6  }
0x1b0: {  	v10 =	vxor.u32 v8, v10;
	v9 =	vxor.u32 v3, v9;
	v4 =	vadd.s32 $0x1BD11BF4, v4  }
0x1b1: {  	v10 =	vadd.s32 $0x1BD11BF4, v10;
	v9 =	vadd.s32 $0x1BD11BF4, v9;
	v6 =	vadd.s32 $0x1BD11BF4, v6  }
0x1b2: {  	v7 =	vadd.s32 v4, v7;
	v30 =	vshrl.u32 v4, $0x13;
	v4 =	vshll.u32 v4, $0xD  }
0x1b3: {  	v5 =	vadd.s32 v6, v5;
	v7 =	vadd.s32 $0x2A, v7;
	v4 =	vor.u32 v30, v4  }
0x1b4: {  	v31 =	vshrl.u32 v6, $0x13;
	v6 =	vshll.u32 v6, $0xD;
	v4 =	vxor.u32 v7, v4  }
0x1b5: {  	v3 =	vadd.s32 v9, v3;
	v32 =	vshrl.u32 v4, $0x11;
	v33 =	vshll.u32 v4, $0xF  }
0x1b6: {  	v35 =	vshrl.u32 v9, $0x13;
	v4 =	vadd.s32 v7, v4;
	v34 =	vor.u32 v32, v33  }
0x1b7: {  	v8 =	vadd.s32 v10, v8;
	v9 =	vshll.u32 v9, $0xD;
	v7 =	vxor.u32 v4, v34  }
0x1b8: {  	v15 =	vshrl.u32 v10, $0x13;
	v36 =	vshrl.u32 v7, $0x6;
	v37 =	vshll.u32 v7, $0x1A  }
0x1b9: {  	v10 =	vshll.u32 v10, $0xD;
	v4 =	vadd.s32 v4, v7;
	v38 =	vor.u32 v36, v37  }
0x1ba: {  	v8 =	vadd.s32 $0x2A, v8;
	v10 =	vor.u32 v15, v10;
	v7 =	vxor.u32 v4, v38  }
0x1bb: {  	v10 =	vxor.u32 v8, v10;
	v39 =	vshrl.u32 v7, $0x1A;
	v40 =	vshll.u32 v7, $0x6  }
0x1bc: {  	v8 =	vadd.s32 v8, v10;
	v4 =	vadd.s32 v4, v7;
	v41 =	vor.u32 v39, v40  }
0x1bd: {  	v42 =	vshrl.u32 v10, $0x11;
	v10 =	vshll.u32 v10, $0xF;
	v7 =	vxor.u32 v4, v41  }
0x1be: {  	v10 =	vor.u32 v42, v10;
	v4 =	vadd.s32 $0x1BD11BF0, v4;
	v7 =	vadd.s32 $0x5, v7  }
0x1bf: {  	v3 =	vadd.s32 $0x2A, v3;
	v43 =	vxor.u32 v8, v10;
	v4 =	vxor.u32 v4, v7  }
0x1c0: {  	v44 =	vshrl.u32 v43, $0x6;
	v10 =	vshll.u32 v43, $0x1A;
	vm0 =	vlt.u32 v4, $0xB3333400  }
0x1c1: {  	v7 =	vadd.s32 v8, v43;
	v4 =	vor.u32 v44, v10;
	v45 =	vsel vm0, $0x3FB6DB6E, v1  }
0x1c2: {  	v46 =	vor.u32 v35, v9;
	v4 =	vxor.u32 v7, v4;
	v2 =	vmul.f32 v2, v45  }
0x1c3: {  	s10 =	sadd.s32 $0x40, s10;
	v8 =	vxor.u32 v3, v46;
	v47 =	vshrl.u32 v4, $0x1A;
	v48 =	vshll.u32 v4, $0x6  }
0x1c4: {  	v3 =	vadd.s32 v3, v8;
	v49 =	vor.u32 v47, v48;
	[tilespmem:s10+$0xFFFFFFE0] =	vst v2;
	v2 =	vadd.s32 v7, v4  }
0x1c5: {  	v51 =	vshrl.u32 v8, $0x11;
	v8 =	vshll.u32 v8, $0xF;
	v4 =	vxor.u32 v2, v49;
	v50 =	vld [tilespmem:s11+$0xFFFFFFF0]  }
0x1c6: {  	v8 =	vor.u32 v51, v8;
	v2 =	vadd.s32 $0x1BD11BF0, v2;
	v4 =	vadd.s32 $0x5, v4  }
0x1c7: {  	v5 =	vadd.s32 $0x2A, v5;
	v52 =	vxor.u32 v3, v8;
	v2 =	vxor.u32 v2, v4  }
0x1c8: {  	v8 =	vshll.u32 v52, $0x1A;
	vm13 =	vlt.u32 v2, $0xB3333400;
	v2 =	vshrl.u32 v52, $0x6  }
0x1c9: {  	v3 =	vadd.s32 v3, v52;
	v53 =	vsel vm13, $0x3FB6DB6E, v1;
	v2 =	vor.u32 v2, v8  }
0x1ca: {  	v6 =	vor.u32 v31, v6;
	v54 =	vmul.f32 v50, v53;
	v2 =	vxor.u32 v3, v2  }
0x1cb: {  	v6 =	vxor.u32 v5, v6;
	v55 =	vshrl.u32 v2, $0x1A;
	v56 =	vshll.u32 v2, $0x6  }
0x1cc: {  	v57 =	vadd.s32 v5, v6;
	v2 =	vadd.s32 v3, v2;
	[tilespmem:s10+$0xFFFFFFF0] =	vst v54;
	v3 =	vor.u32 v55, v56  }
0x1cd: {  	v59 =	vshrl.u32 v6, $0x11;
	v6 =	vshll.u32 v6, $0xF;
	v3 =	vxor.u32 v2, v3;
	v58 =	vld [tilespmem:s11+$0x0]  }
0x1ce: {  	v6 =	vor.u32 v59, v6;
	v2 =	vadd.s32 $0x1BD11BF0, v2;
	v3 =	vadd.s32 $0x5, v3  }
0x1cf: {  	v2 =	vxor.u32 v2, v3;
	v3 =	vxor.u32 v57, v6  }
0x1d0: {  	vm14 =	vlt.u32 v2, $0xB3333400;
	v2 =	vshrl.u32 v3, $0x6;
	v6 =	vshll.u32 v3, $0x1A  }
0x1d1: {  	v3 =	vadd.s32 v57, v3;
	v60 =	vsel vm14, $0x3FB6DB6E, v1;
	v2 =	vor.u32 v2, v6  }
0x1d2: {  	v61 =	vmul.f32 v58, v60;
	v2 =	vxor.u32 v3, v2  }
0x1d3: {  	v62 =	vshrl.u32 v2, $0x1A;
	v63 =	vshll.u32 v2, $0x6  }
0x1d4: {  	v2 =	vadd.s32 v3, v2;
	[tilespmem:s10+$0x0] =	vst v61;
	v3 =	vor.u32 v62, v63  }
0x1d5: {  	v3 =	vxor.u32 v2, v3;
	v4 =	vld [tilespmem:s11+$0x10]  }
0x1d6: {  	v2 =	vadd.s32 $0x1BD11BF0, v2;
	v3 =	vadd.s32 $0x5, v3  }
0x1d7: {  	v2 =	vxor.u32 v2, v3  }
0x1d8: {  	vm15 =	vlt.u32 v2, $0xB3333400  }
0x1d9: {  	v2 =	vsel vm15, $0x3FB6DB6E, v1  }
0x1da: {  	s9 =	sadd.s32 $0x1, s9;
	v2 =	vmul.f32 v4, v2  }
0x1db: {  	p0 =	sne.s32 s9, s5  }
.Ltmp2:
0x1dc: {  	[tilespmem:s10+$0x10] =	vst v2;
	(pc) =	sbr.rel @p0 .LBB2_2-.Ltmp2, $4  }
0x1dd: {  	[hbm4b:s3+s2] =	stream.linear.scatter [tilespmem:s8], [sflag:$0x1], $0x1000, $0x38;
	[tilespmem:$0x2000] =	vst v63  }
0x1de: {  	_ =	swait.ge [sflag:s7], $0x1000  }
0x1df: {  	[sflag:s7] =	ssyncset.done $0x0  }
0x1e0: {  	[sflag:s7] =	ssyncadd.s32 $0xFFFFF000  }
.LBB2_5:
0x1e1: {  	_ =	sfence.sel $0x180000  }
0x1e2: {  	[bflag:$0x0] =	sbarrier.arrive $0xFFFF  }
0x1e3: {  	p0 =	sne.s32 s1, $0x0;
	_ =	strace $0x90000047  }
0x1e4: {  	s0 =	sadd.s32 @!p0 $0x100000, s0;
	[bflag:$0x2] =	sbarrier.arrive $0xFFFF  }
0x1e5: {  	[sflag:s0] =	ssyncadd.tile.s32 @!p0 $0x1;
	_ =	shalt  }
.Lfunc_end2:
_tile_overlayer_lowered:
.L_overlay_start_2:
0x1e6: {  	(tag) =	ssettag $0x2  }
0x1e7: {  	s0 =	rddreg [dreg:$0x0];
	s2 =	stileid.u32  }
0x1e8: {  	s1 =	rddreg [dreg:$0x1];
	p0 =	sne.s32 s2, $0x0  }
0x1e9: {  	s3 =	rddreg [dreg:$0x2];
	[bflag:$0x3] =	sbarrier.arrive $0xFFFF;
	s2 =	simm.s32 @!p0 $0x1C01  }
0x1ea: {  	[timem:s3], [sflag:s2] =	dma.local @!p0 [hbm:s0], s1  }
0x1eb: {  	s0 =	simm.s32 @!p0 $0x1  }
0x1ec: {  	_ =	swait.ge @!p0 [sflag:s0], s1  }
0x1ed: {  	s1 =	ssub.s32 @!p0 $0x0, s1;
	[sflag:s0] =	ssyncset.done @!p0 $0x0  }
0x1ee: {  	[sflag:s0] =	ssyncadd.s32 @!p0 s1  }
0x1ef: {  	[bflag:$0x3] =	sbarrier.arrive $0xFFFF  }
0x1f0: {  	_ =	shalt  }

</sc_bundles>
